<compile_context>
chip_gen: v7x
topology: tpu7x:2x2x1
jax: 0.10.2.dev20260603
libtpu: 0.0.44.dev20260713+nightly
codegen_flags: <defaults>
</compile_context>

<pallas_src>
import functools

import jax
import jax.numpy as jnp
from jax import lax
from jax.experimental import pallas as pl
from jax.experimental.pallas import tpu as pltpu
from jax.experimental.pallas import tpu_sc as plsc

_ROWS = 2 * 8192
_COLS = 2048
_N = _ROWS * _COLS

_SC_ROWS = 6144
_TC_ROWS = _ROWS - _SC_ROWS
_BLK = 512

_WPR = _COLS // 4
_PBLK = 512

_NW = 32
_W_ROWS = _SC_ROWS // _NW
_CH_ROWS = 8
_NCH = _W_ROWS // _CH_ROWS


def _tc_kernel(p_ref, t_ref, m_ref, sum_ref, cnt_ref):
    i = pl.program_id(0)

    @pl.when(i == 0)
    def _init():
        sum_ref[0, 0] = jnp.float32(0.0)
        cnt_ref[0, 0] = jnp.float32(0.0)

    m = m_ref[...]
    d = t_ref[...] - p_ref[...]
    dm = jnp.where(m, d, jnp.float32(0.0))
    mf = jnp.where(m, jnp.float32(1.0), jnp.float32(0.0))
    sum_ref[0, 0] += jnp.sum(dm * dm)
    cnt_ref[0, 0] += jnp.sum(mf)


def _tc_part(p, t, m):
    in_spec = pl.BlockSpec((_BLK, _COLS), lambda i: (i, 0))
    return pl.pallas_call(
        _tc_kernel,
        grid=(_TC_ROWS // _BLK,),
        in_specs=[in_spec, in_spec, in_spec],
        out_specs=[
            pl.BlockSpec((1, 1), lambda i: (0, 0), memory_space=pltpu.SMEM),
            pl.BlockSpec((1, 1), lambda i: (0, 0), memory_space=pltpu.SMEM),
        ],
        out_shape=[
            jax.ShapeDtypeStruct((1, 1), jnp.float32),
            jax.ShapeDtypeStruct((1, 1), jnp.float32),
        ],
    )(p, t, m)


def _pack_kernel(m_ref, w_ref):
    m = m_ref[...].astype(jnp.int32)
    w_ref[...] = (
        m[:, :_WPR]
        | (m[:, _WPR : 2 * _WPR] << 8)
        | (m[:, 2 * _WPR : 3 * _WPR] << 16)
        | (m[:, 3 * _WPR :] << 24)
    )


def _pack_part(m):
    off = _TC_ROWS // _PBLK
    return pl.pallas_call(
        _pack_kernel,
        grid=(_SC_ROWS // _PBLK,),
        in_specs=[pl.BlockSpec((_PBLK, _COLS), lambda i: (i + off, 0))],
        out_specs=pl.BlockSpec((_PBLK, _WPR), lambda i: (i, 0)),
        out_shape=jax.ShapeDtypeStruct((_SC_ROWS, _WPR), jnp.int32),
    )(m)


_sc_mesh = plsc.VectorSubcoreMesh(core_axis_name="c", subcore_axis_name="s")


@functools.partial(
    pl.kernel,
    out_type=[
        jax.ShapeDtypeStruct((_NW * 16,), jnp.float32),
        jax.ShapeDtypeStruct((_NW * 16,), jnp.float32),
    ],
    mesh=_sc_mesh,
    scratch_types=[
        pltpu.VMEM((2, _CH_ROWS, _COLS), jnp.float32),
        pltpu.VMEM((2, _CH_ROWS, _COLS), jnp.float32),
        pltpu.VMEM((2, _CH_ROWS, _WPR), jnp.int32),
        pltpu.VMEM((16,), jnp.float32),
        pltpu.VMEM((16,), jnp.float32),
        pltpu.SemaphoreType.DMA,
        pltpu.SemaphoreType.DMA,
        pltpu.SemaphoreType.DMA,
        pltpu.SemaphoreType.DMA,
        pltpu.SemaphoreType.DMA,
        pltpu.SemaphoreType.DMA,
    ],
    compiler_params=pltpu.CompilerParams(use_tc_tiling_on_sc=True),
)
def _sc_part(
    p_hbm, t_hbm, w_hbm, sum_out, cnt_out,
    p_v, t_v, m_v, s_st, c_st,
    sp0, sp1, st0, st1, sm0, sm1,
):
    wid = lax.axis_index("s") * 2 + lax.axis_index("c")
    r0 = _TC_ROWS + wid * _W_ROWS
    l0 = wid * _W_ROWS

    sem_p = (sp0, sp1)
    sem_t = (st0, st1)
    sem_m = (sm0, sm1)

    def start_chunk(buf, ci):
        r = pl.multiple_of(r0 + ci * _CH_ROWS, _CH_ROWS)
        rl = pl.multiple_of(l0 + ci * _CH_ROWS, _CH_ROWS)
        pltpu.async_copy(p_hbm.at[pl.ds(r, _CH_ROWS), :], p_v.at[buf], sem_p[buf])
        pltpu.async_copy(t_hbm.at[pl.ds(r, _CH_ROWS), :], t_v.at[buf], sem_t[buf])
        pltpu.async_copy(w_hbm.at[pl.ds(rl, _CH_ROWS), :], m_v.at[buf], sem_m[buf])

    def wait_chunk(buf):
        pltpu.make_async_copy(
            p_hbm.at[pl.ds(r0, _CH_ROWS), :], p_v.at[buf], sem_p[buf]
        ).wait()
        pltpu.make_async_copy(
            t_hbm.at[pl.ds(r0, _CH_ROWS), :], t_v.at[buf], sem_t[buf]
        ).wait()
        pltpu.make_async_copy(
            w_hbm.at[pl.ds(l0, _CH_ROWS), :], m_v.at[buf], sem_m[buf]
        ).wait()

    def compute_chunk(buf, carry):
        def col_group(g, carry2):
            acc2, cnt2 = carry2
            wc = pl.multiple_of(g * 16, 16)
            for row in range(_CH_ROWS):
                mw = m_v[buf, row, pl.ds(wc, 16)]
                cnt2 = cnt2 + lax.shift_right_logical(mw * 0x01010101, 24)
                for k in range(4):
                    b = (mw & (1 << (8 * k))) != 0
                    c16 = pl.multiple_of(wc + k * _WPR, 16)
                    d = t_v[buf, row, pl.ds(c16, 16)] - p_v[buf, row, pl.ds(c16, 16)]
                    dm = jnp.where(b, d, jnp.float32(0.0))
                    acc2 = acc2 + dm * dm
            return acc2, cnt2

        return lax.fori_loop(0, _WPR // 16, col_group, carry)

    def outer(i, carry):
        start_chunk(1, 2 * i + 1)
        wait_chunk(0)
        carry = compute_chunk(0, carry)
        start_chunk(0, jnp.minimum(2 * i + 2, _NCH - 1))
        wait_chunk(1)
        return compute_chunk(1, carry)

    acc0 = jnp.zeros((16,), jnp.float32)
    cnt0 = jnp.zeros((16,), jnp.int32)
    start_chunk(0, 0)
    acc, cnt = lax.fori_loop(0, _NCH // 2, outer, (acc0, cnt0))
    wait_chunk(0)
    s_st[...] = acc
    c_st[...] = cnt.astype(jnp.float32)
    pltpu.sync_copy(s_st, sum_out.at[pl.ds(wid * 16, 16)])
    pltpu.sync_copy(c_st, cnt_out.at[pl.ds(wid * 16, 16)])


def kernel(pred, target, mask):
    p2 = pred.reshape(_ROWS, _COLS)
    t2 = target.reshape(_ROWS, _COLS)
    m2 = mask.reshape(_ROWS, _COLS)
    s_tc, c_tc = _tc_part(p2, t2, m2)
    w = _pack_part(m2)
    sc_sums, sc_cnts = _sc_part(p2, t2, w)

    total = s_tc[0, 0] + jnp.sum(sc_sums)
    count = c_tc[0, 0] + jnp.sum(sc_cnts)
    return total / jnp.maximum(count, 1.0)

# --- scband reference (transcript-rebuilt; emitter-appended) ---
"""Pipeline reference for scband-masked-loss-17325898072141 (READ-ONLY COPY).

The authoritative reference and input builder live on the scoring server;
editing this copy changes nothing except your own understanding.
"""

import jax, jax.numpy as jnp
import numpy as np


def setup_inputs(seed: int = 0) -> dict:
    key = jax.random.key(seed)
    k1, k2, k3 = jax.random.split(key, 3)
    pred = jax.random.normal(k1, (2, 8192, 2048), dtype=jnp.float32)
    target = jax.random.normal(k2, (2, 8192, 2048), dtype=jnp.float32)
    mask = jax.random.randint(k3, (2, 8192, 2048), 0, 2).astype(jnp.bool_)
    return {"pred": pred, "target": target, "mask": mask}


def reference(pred, target, mask):
    # known_mask = ~isnan(target) & mask
    known = (~jnp.isnan(target)) & mask
    t = jnp.nan_to_num(target)
    # MSELoss(target[known], pred[known]) with mean reduction is equivalent to
    # sum over masked squared diffs divided by masked-element count. The
    # where-based form is mathematically identical and static-shape friendly.
    diff = t - pred
    sq = jnp.where(known, diff * diff, jnp.zeros_like(diff))
    count = jnp.sum(known).astype(sq.dtype)
    return jnp.sum(sq) / jnp.maximum(count, 1.0)

if __name__ == "__main__":
    import jax
    _d = setup_inputs()
    print(jax.jit(kernel)(*tuple(_d.values())))

</pallas_src>

<mosaic_0001>
#map = affine_map<(d0, d1) -> (0, 0)>
#map1 = affine_map<(d0, d1) -> (0)>
module attributes {stable_mosaic.version = 14 : i64} {
  func.func @_sc_part(%arg0: i32, %arg1: i32, %arg2: memref<16384x2048xf32, #tpu.memory_space<hbm>>, %arg3: memref<16384x2048xf32, #tpu.memory_space<hbm>>, %arg4: memref<6144x512xi32, #tpu.memory_space<hbm>>, %arg5: memref<512xf32, #tpu.memory_space<hbm>>, %arg6: memref<512xf32, #tpu.memory_space<hbm>>, %arg7: memref<2x8x2048xf32, #tpu.memory_space<vmem>>, %arg8: memref<2x8x2048xf32, #tpu.memory_space<vmem>>, %arg9: memref<2x8x512xi32, #tpu.memory_space<vmem>>, %arg10: memref<16xf32, #tpu.memory_space<vmem>>, %arg11: memref<16xf32, #tpu.memory_space<vmem>>, %arg12: memref<!tpu.dma_semaphore, #tpu.memory_space<semaphore_mem>>, %arg13: memref<!tpu.dma_semaphore, #tpu.memory_space<semaphore_mem>>, %arg14: memref<!tpu.dma_semaphore, #tpu.memory_space<semaphore_mem>>, %arg15: memref<!tpu.dma_semaphore, #tpu.memory_space<semaphore_mem>>, %arg16: memref<!tpu.dma_semaphore, #tpu.memory_space<semaphore_mem>>, %arg17: memref<!tpu.dma_semaphore, #tpu.memory_space<semaphore_mem>>) attributes {dimension_semantics = [#tpu.dimension_semantics<core_parallel>, #tpu.dimension_semantics<subcore_parallel>], iteration_bounds = array<i64: 2, 16>, scalar_prefetch = 0 : i64, scratch_operands = 11 : i64, tpu.core_type = #tpu.core_type<sc_vector_subcore>, window_params = [{transform_indices = #map}, {transform_indices = #map}, {transform_indices = #map}, {transform_indices = #map1}, {transform_indices = #map1}]} {
    %mul3A = arith.constant 2 : i32
    %mul3A_0 = arith.muli %arg1, %mul3A : i32
    %add3A = arith.addi %mul3A_0, %arg0 : i32
    %mul3A_1 = arith.constant 192 : i32
    %mul3A_2 = arith.muli %add3A, %mul3A_1 : i32
    %add3A_3 = arith.constant 10240 : i32
    %add3A_4 = arith.addi %add3A_3, %mul3A_2 : i32
    %mul3A_5 = arith.constant 192 : i32
    %mul3A_6 = arith.muli %add3A, %mul3A_5 : i32
    %broadcast_in_dim3A = arith.constant 0.000000e+00 : f32
    %broadcast_in_dim3A_7 = vector.broadcast %broadcast_in_dim3A : f32 to vector<16xf32>
    %broadcast_in_dim3A_8 = arith.constant 0 : i32
    %broadcast_in_dim3A_9 = vector.broadcast %broadcast_in_dim3A_8 : i32 to vector<16xi32>
    %add3A_10 = arith.constant 0 : i32
    %add3A_11 = arith.addi %add3A_4, %add3A_10 : i32
    %multiple_of3A = tpu.assume_multiple %add3A_11, 8 : i32
    %add3A_12 = arith.constant 0 : i32
    %add3A_13 = arith.addi %mul3A_6, %add3A_12 : i32
    %multiple_of3A_14 = tpu.assume_multiple %add3A_13, 8 : i32
    %dma_start3A = arith.constant 0 : i32
    %dma_start3A_15 = arith.constant 0 : i32
    %dma_start3A_16 = arith.constant 0 : i32
    %dma_start3A_17 = tpu.memref_slice %arg7[%dma_start3A, %dma_start3A_15, %dma_start3A_16] : memref<2x8x2048xf32, #tpu.memory_space<vmem>> -> memref<1x8x2048xf32, #tpu.memory_space<vmem>>
    %dma_start3A_18 = tpu.memref_squeeze %dma_start3A_17 : memref<1x8x2048xf32, #tpu.memory_space<vmem>> -> memref<8x2048xf32, #tpu.memory_space<vmem>>
    %dma_start3A_19 = arith.constant 0 : i32
    %dma_start3A_20 = tpu.memref_slice %arg2[%multiple_of3A, %dma_start3A_19] : memref<16384x2048xf32, #tpu.memory_space<hbm>> -> memref<8x2048xf32, #tpu.memory_space<hbm>>
    %dma_start3A_21 = arith.constant 0 : i32
    %dma_start3A_22 = arith.constant 0 : i32
    %dma_start3A_23 = tpu.memref_slice %arg7[%dma_start3A, %dma_start3A_21, %dma_start3A_22] : memref<2x8x2048xf32, #tpu.memory_space<vmem>> -> memref<1x8x2048xf32, #tpu.memory_space<vmem>>
    %dma_start3A_24 = tpu.memref_squeeze %dma_start3A_23 : memref<1x8x2048xf32, #tpu.memory_space<vmem>> -> memref<8x2048xf32, #tpu.memory_space<vmem>>
    %dma_start3A_25 = arith.constant 0 : i32
    %dma_start3A_26 = tpu.memref_slice %arg2[%multiple_of3A, %dma_start3A_25] : memref<16384x2048xf32, #tpu.memory_space<hbm>> -> memref<8x2048xf32, #tpu.memory_space<hbm>>
    tpu.enqueue_dma source(%dma_start3A_26 : memref<8x2048xf32, #tpu.memory_space<hbm>>) target(%dma_start3A_24 : memref<8x2048xf32, #tpu.memory_space<vmem>>) target_semaphore(%arg12 : memref<!tpu.dma_semaphore, #tpu.memory_space<semaphore_mem>>)
    %dma_start3A_27 = arith.constant 0 : i32
    %dma_start3A_28 = arith.constant 0 : i32
    %dma_start3A_29 = arith.constant 0 : i32
    %dma_start3A_30 = tpu.memref_slice %arg8[%dma_start3A_27, %dma_start3A_28, %dma_start3A_29] : memref<2x8x2048xf32, #tpu.memory_space<vmem>> -> memref<1x8x2048xf32, #tpu.memory_space<vmem>>
    %dma_start3A_31 = tpu.memref_squeeze %dma_start3A_30 : memref<1x8x2048xf32, #tpu.memory_space<vmem>> -> memref<8x2048xf32, #tpu.memory_space<vmem>>
    %dma_start3A_32 = arith.constant 0 : i32
    %dma_start3A_33 = tpu.memref_slice %arg3[%multiple_of3A, %dma_start3A_32] : memref<16384x2048xf32, #tpu.memory_space<hbm>> -> memref<8x2048xf32, #tpu.memory_space<hbm>>
    %dma_start3A_34 = arith.constant 0 : i32
    %dma_start3A_35 = arith.constant 0 : i32
    %dma_start3A_36 = tpu.memref_slice %arg8[%dma_start3A_27, %dma_start3A_34, %dma_start3A_35] : memref<2x8x2048xf32, #tpu.memory_space<vmem>> -> memref<1x8x2048xf32, #tpu.memory_space<vmem>>
    %dma_start3A_37 = tpu.memref_squeeze %dma_start3A_36 : memref<1x8x2048xf32, #tpu.memory_space<vmem>> -> memref<8x2048xf32, #tpu.memory_space<vmem>>
    %dma_start3A_38 = arith.constant 0 : i32
    %dma_start3A_39 = tpu.memref_slice %arg3[%multiple_of3A, %dma_start3A_38] : memref<16384x2048xf32, #tpu.memory_space<hbm>> -> memref<8x2048xf32, #tpu.memory_space<hbm>>
    tpu.enqueue_dma source(%dma_start3A_39 : memref<8x2048xf32, #tpu.memory_space<hbm>>) target(%dma_start3A_37 : memref<8x2048xf32, #tpu.memory_space<vmem>>) target_semaphore(%arg14 : memref<!tpu.dma_semaphore, #tpu.memory_space<semaphore_mem>>)
    %dma_start3A_40 = arith.constant 0 : i32
    %dma_start3A_41 = arith.constant 0 : i32
    %dma_start3A_42 = arith.constant 0 : i32
    %dma_start3A_43 = tpu.memref_slice %arg9[%dma_start3A_40, %dma_start3A_41, %dma_start3A_42] : memref<2x8x512xi32, #tpu.memory_space<vmem>> -> memref<1x8x512xi32, #tpu.memory_space<vmem>>
    %dma_start3A_44 = tpu.memref_squeeze %dma_start3A_43 : memref<1x8x512xi32, #tpu.memory_space<vmem>> -> memref<8x512xi32, #tpu.memory_space<vmem>>
    %dma_start3A_45 = arith.constant 0 : i32
    %dma_start3A_46 = tpu.memref_slice %arg4[%multiple_of3A_14, %dma_start3A_45] : memref<6144x512xi32, #tpu.memory_space<hbm>> -> memref<8x512xi32, #tpu.memory_space<hbm>>
    %dma_start3A_47 = arith.constant 0 : i32
    %dma_start3A_48 = arith.constant 0 : i32
    %dma_start3A_49 = tpu.memref_slice %arg9[%dma_start3A_40, %dma_start3A_47, %dma_start3A_48] : memref<2x8x512xi32, #tpu.memory_space<vmem>> -> memref<1x8x512xi32, #tpu.memory_space<vmem>>
    %dma_start3A_50 = tpu.memref_squeeze %dma_start3A_49 : memref<1x8x512xi32, #tpu.memory_space<vmem>> -> memref<8x512xi32, #tpu.memory_space<vmem>>
    %dma_start3A_51 = arith.constant 0 : i32
    %dma_start3A_52 = tpu.memref_slice %arg4[%multiple_of3A_14, %dma_start3A_51] : memref<6144x512xi32, #tpu.memory_space<hbm>> -> memref<8x512xi32, #tpu.memory_space<hbm>>
    tpu.enqueue_dma source(%dma_start3A_52 : memref<8x512xi32, #tpu.memory_space<hbm>>) target(%dma_start3A_50 : memref<8x512xi32, #tpu.memory_space<vmem>>) target_semaphore(%arg16 : memref<!tpu.dma_semaphore, #tpu.memory_space<semaphore_mem>>)
    %scan3A = arith.constant 0 : i32
    %scan3A_53 = arith.constant 12 : i32
    %scan3A_54 = arith.addi %scan3A, %scan3A_53 : i32
    %scan3A_55 = arith.constant 1 : i32
    %scan3A_56:2 = scf.for %scan3A_107 = %scan3A to %scan3A_54 step %scan3A_55 iter_args(%scan3A_108 = %broadcast_in_dim3A_7, %scan3A_109 = %broadcast_in_dim3A_9) -> (vector<16xf32>, vector<16xi32>)  : i32 {
      %mul3A_110 = arith.constant 2 : i32
      %mul3A_111 = arith.muli %mul3A_110, %scan3A_107 : i32
      %add3A_112 = arith.constant 1 : i32
      %add3A_113 = arith.addi %mul3A_111, %add3A_112 : i32
      %mul3A_114 = arith.constant 8 : i32
      %mul3A_115 = arith.muli %add3A_113, %mul3A_114 : i32
      %add3A_116 = arith.addi %add3A_4, %mul3A_115 : i32
      %multiple_of3A_117 = tpu.assume_multiple %add3A_116, 8 : i32
      %mul3A_118 = arith.constant 8 : i32
      %mul3A_119 = arith.muli %add3A_113, %mul3A_118 : i32
      %add3A_120 = arith.addi %mul3A_6, %mul3A_119 : i32
      %multiple_of3A_121 = tpu.assume_multiple %add3A_120, 8 : i32
      %dma_start3A_122 = arith.constant 1 : i32
      %dma_start3A_123 = arith.constant 0 : i32
      %dma_start3A_124 = arith.constant 0 : i32
      %dma_start3A_125 = tpu.memref_slice %arg7[%dma_start3A_122, %dma_start3A_123, %dma_start3A_124] : memref<2x8x2048xf32, #tpu.memory_space<vmem>> -> memref<1x8x2048xf32, #tpu.memory_space<vmem>>
      %dma_start3A_126 = tpu.memref_squeeze %dma_start3A_125 : memref<1x8x2048xf32, #tpu.memory_space<vmem>> -> memref<8x2048xf32, #tpu.memory_space<vmem>>
      %dma_start3A_127 = arith.constant 0 : i32
      %dma_start3A_128 = tpu.memref_slice %arg2[%multiple_of3A_117, %dma_start3A_127] : memref<16384x2048xf32, #tpu.memory_space<hbm>> -> memref<8x2048xf32, #tpu.memory_space<hbm>>
      %dma_start3A_129 = arith.constant 0 : i32
      %dma_start3A_130 = arith.constant 0 : i32
      %dma_start3A_131 = tpu.memref_slice %arg7[%dma_start3A_122, %dma_start3A_129, %dma_start3A_130] : memref<2x8x2048xf32, #tpu.memory_space<vmem>> -> memref<1x8x2048xf32, #tpu.memory_space<vmem>>
      %dma_start3A_132 = tpu.memref_squeeze %dma_start3A_131 : memref<1x8x2048xf32, #tpu.memory_space<vmem>> -> memref<8x2048xf32, #tpu.memory_space<vmem>>
      %dma_start3A_133 = arith.constant 0 : i32
      %dma_start3A_134 = tpu.memref_slice %arg2[%multiple_of3A_117, %dma_start3A_133] : memref<16384x2048xf32, #tpu.memory_space<hbm>> -> memref<8x2048xf32, #tpu.memory_space<hbm>>
      tpu.enqueue_dma source(%dma_start3A_134 : memref<8x2048xf32, #tpu.memory_space<hbm>>) target(%dma_start3A_132 : memref<8x2048xf32, #tpu.memory_space<vmem>>) target_semaphore(%arg13 : memref<!tpu.dma_semaphore, #tpu.memory_space<semaphore_mem>>)
      %dma_start3A_135 = arith.constant 1 : i32
      %dma_start3A_136 = arith.constant 0 : i32
      %dma_start3A_137 = arith.constant 0 : i32
      %dma_start3A_138 = tpu.memref_slice %arg8[%dma_start3A_135, %dma_start3A_136, %dma_start3A_137] : memref<2x8x2048xf32, #tpu.memory_space<vmem>> -> memref<1x8x2048xf32, #tpu.memory_space<vmem>>
      %dma_start3A_139 = tpu.memref_squeeze %dma_start3A_138 : memref<1x8x2048xf32, #tpu.memory_space<vmem>> -> memref<8x2048xf32, #tpu.memory_space<vmem>>
      %dma_start3A_140 = arith.constant 0 : i32
      %dma_start3A_141 = tpu.memref_slice %arg3[%multiple_of3A_117, %dma_start3A_140] : memref<16384x2048xf32, #tpu.memory_space<hbm>> -> memref<8x2048xf32, #tpu.memory_space<hbm>>
      %dma_start3A_142 = arith.constant 0 : i32
      %dma_start3A_143 = arith.constant 0 : i32
      %dma_start3A_144 = tpu.memref_slice %arg8[%dma_start3A_135, %dma_start3A_142, %dma_start3A_143] : memref<2x8x2048xf32, #tpu.memory_space<vmem>> -> memref<1x8x2048xf32, #tpu.memory_space<vmem>>
      %dma_start3A_145 = tpu.memref_squeeze %dma_start3A_144 : memref<1x8x2048xf32, #tpu.memory_space<vmem>> -> memref<8x2048xf32, #tpu.memory_space<vmem>>
      %dma_start3A_146 = arith.constant 0 : i32
      %dma_start3A_147 = tpu.memref_slice %arg3[%multiple_of3A_117, %dma_start3A_146] : memref<16384x2048xf32, #tpu.memory_space<hbm>> -> memref<8x2048xf32, #tpu.memory_space<hbm>>
      tpu.enqueue_dma source(%dma_start3A_147 : memref<8x2048xf32, #tpu.memory_space<hbm>>) target(%dma_start3A_145 : memref<8x2048xf32, #tpu.memory_space<vmem>>) target_semaphore(%arg15 : memref<!tpu.dma_semaphore, #tpu.memory_space<semaphore_mem>>)
      %dma_start3A_148 = arith.constant 1 : i32
      %dma_start3A_149 = arith.constant 0 : i32
      %dma_start3A_150 = arith.constant 0 : i32
      %dma_start3A_151 = tpu.memref_slice %arg9[%dma_start3A_148, %dma_start3A_149, %dma_start3A_150] : memref<2x8x512xi32, #tpu.memory_space<vmem>> -> memref<1x8x512xi32, #tpu.memory_space<vmem>>
      %dma_start3A_152 = tpu.memref_squeeze %dma_start3A_151 : memref<1x8x512xi32, #tpu.memory_space<vmem>> -> memref<8x512xi32, #tpu.memory_space<vmem>>
      %dma_start3A_153 = arith.constant 0 : i32
      %dma_start3A_154 = tpu.memref_slice %arg4[%multiple_of3A_121, %dma_start3A_153] : memref<6144x512xi32, #tpu.memory_space<hbm>> -> memref<8x512xi32, #tpu.memory_space<hbm>>
      %dma_start3A_155 = arith.constant 0 : i32
      %dma_start3A_156 = arith.constant 0 : i32
      %dma_start3A_157 = tpu.memref_slice %arg9[%dma_start3A_148, %dma_start3A_155, %dma_start3A_156] : memref<2x8x512xi32, #tpu.memory_space<vmem>> -> memref<1x8x512xi32, #tpu.memory_space<vmem>>
      %dma_start3A_158 = tpu.memref_squeeze %dma_start3A_157 : memref<1x8x512xi32, #tpu.memory_space<vmem>> -> memref<8x512xi32, #tpu.memory_space<vmem>>
      %dma_start3A_159 = arith.constant 0 : i32
      %dma_start3A_160 = tpu.memref_slice %arg4[%multiple_of3A_121, %dma_start3A_159] : memref<6144x512xi32, #tpu.memory_space<hbm>> -> memref<8x512xi32, #tpu.memory_space<hbm>>
      tpu.enqueue_dma source(%dma_start3A_160 : memref<8x512xi32, #tpu.memory_space<hbm>>) target(%dma_start3A_158 : memref<8x512xi32, #tpu.memory_space<vmem>>) target_semaphore(%arg17 : memref<!tpu.dma_semaphore, #tpu.memory_space<semaphore_mem>>)
      %dma_wait3A_161 = arith.constant 0 : i32
      %dma_wait3A_162 = arith.constant 0 : i32
      %dma_wait3A_163 = arith.constant 0 : i32
      %dma_wait3A_164 = tpu.memref_slice %arg7[%dma_wait3A_161, %dma_wait3A_162, %dma_wait3A_163] : memref<2x8x2048xf32, #tpu.memory_space<vmem>> -> memref<1x8x2048xf32, #tpu.memory_space<vmem>>
      %dma_wait3A_165 = tpu.memref_squeeze %dma_wait3A_164 : memref<1x8x2048xf32, #tpu.memory_space<vmem>> -> memref<8x2048xf32, #tpu.memory_space<vmem>>
      %dma_wait3A_166 = arith.constant 0 : i32
      %dma_wait3A_167 = tpu.memref_slice %arg2[%add3A_4, %dma_wait3A_166] : memref<16384x2048xf32, #tpu.memory_space<hbm>> -> memref<8x2048xf32, #tpu.memory_space<hbm>>
      %dma_wait3A_168 = arith.constant 0 : i32
      %dma_wait3A_169 = arith.constant 0 : i32
      %dma_wait3A_170 = tpu.memref_slice %arg7[%dma_wait3A_161, %dma_wait3A_168, %dma_wait3A_169] : memref<2x8x2048xf32, #tpu.memory_space<vmem>> -> memref<1x8x2048xf32, #tpu.memory_space<vmem>>
      %dma_wait3A_171 = tpu.memref_squeeze %dma_wait3A_170 : memref<1x8x2048xf32, #tpu.memory_space<vmem>> -> memref<8x2048xf32, #tpu.memory_space<vmem>>
      %dma_wait3A_172 = arith.constant 0 : i32
      %dma_wait3A_173 = tpu.memref_slice %arg2[%add3A_4, %dma_wait3A_172] : memref<16384x2048xf32, #tpu.memory_space<hbm>> -> memref<8x2048xf32, #tpu.memory_space<hbm>>
      tpu.wait_dma2 semaphore(%arg12 : memref<!tpu.dma_semaphore, #tpu.memory_space<semaphore_mem>>) src(%dma_wait3A_173 : memref<8x2048xf32, #tpu.memory_space<hbm>>) dst(%dma_wait3A_171 : memref<8x2048xf32, #tpu.memory_space<vmem>>)
      %dma_wait3A_174 = arith.constant 0 : i32
      %dma_wait3A_175 = arith.constant 0 : i32
      %dma_wait3A_176 = arith.constant 0 : i32
      %dma_wait3A_177 = tpu.memref_slice %arg8[%dma_wait3A_174, %dma_wait3A_175, %dma_wait3A_176] : memref<2x8x2048xf32, #tpu.memory_space<vmem>> -> memref<1x8x2048xf32, #tpu.memory_space<vmem>>
      %dma_wait3A_178 = tpu.memref_squeeze %dma_wait3A_177 : memref<1x8x2048xf32, #tpu.memory_space<vmem>> -> memref<8x2048xf32, #tpu.memory_space<vmem>>
      %dma_wait3A_179 = arith.constant 0 : i32
      %dma_wait3A_180 = tpu.memref_slice %arg3[%add3A_4, %dma_wait3A_179] : memref<16384x2048xf32, #tpu.memory_space<hbm>> -> memref<8x2048xf32, #tpu.memory_space<hbm>>
      %dma_wait3A_181 = arith.constant 0 : i32
      %dma_wait3A_182 = arith.constant 0 : i32
      %dma_wait3A_183 = tpu.memref_slice %arg8[%dma_wait3A_174, %dma_wait3A_181, %dma_wait3A_182] : memref<2x8x2048xf32, #tpu.memory_space<vmem>> -> memref<1x8x2048xf32, #tpu.memory_space<vmem>>
      %dma_wait3A_184 = tpu.memref_squeeze %dma_wait3A_183 : memref<1x8x2048xf32, #tpu.memory_space<vmem>> -> memref<8x2048xf32, #tpu.memory_space<vmem>>
      %dma_wait3A_185 = arith.constant 0 : i32
      %dma_wait3A_186 = tpu.memref_slice %arg3[%add3A_4, %dma_wait3A_185] : memref<16384x2048xf32, #tpu.memory_space<hbm>> -> memref<8x2048xf32, #tpu.memory_space<hbm>>
      tpu.wait_dma2 semaphore(%arg14 : memref<!tpu.dma_semaphore, #tpu.memory_space<semaphore_mem>>) src(%dma_wait3A_186 : memref<8x2048xf32, #tpu.memory_space<hbm>>) dst(%dma_wait3A_184 : memref<8x2048xf32, #tpu.memory_space<vmem>>)
      %dma_wait3A_187 = arith.constant 0 : i32
      %dma_wait3A_188 = arith.constant 0 : i32
      %dma_wait3A_189 = arith.constant 0 : i32
      %dma_wait3A_190 = tpu.memref_slice %arg9[%dma_wait3A_187, %dma_wait3A_188, %dma_wait3A_189] : memref<2x8x512xi32, #tpu.memory_space<vmem>> -> memref<1x8x512xi32, #tpu.memory_space<vmem>>
      %dma_wait3A_191 = tpu.memref_squeeze %dma_wait3A_190 : memref<1x8x512xi32, #tpu.memory_space<vmem>> -> memref<8x512xi32, #tpu.memory_space<vmem>>
      %dma_wait3A_192 = arith.constant 0 : i32
      %dma_wait3A_193 = tpu.memref_slice %arg4[%mul3A_6, %dma_wait3A_192] : memref<6144x512xi32, #tpu.memory_space<hbm>> -> memref<8x512xi32, #tpu.memory_space<hbm>>
      %dma_wait3A_194 = arith.constant 0 : i32
      %dma_wait3A_195 = arith.constant 0 : i32
      %dma_wait3A_196 = tpu.memref_slice %arg9[%dma_wait3A_187, %dma_wait3A_194, %dma_wait3A_195] : memref<2x8x512xi32, #tpu.memory_space<vmem>> -> memref<1x8x512xi32, #tpu.memory_space<vmem>>
      %dma_wait3A_197 = tpu.memref_squeeze %dma_wait3A_196 : memref<1x8x512xi32, #tpu.memory_space<vmem>> -> memref<8x512xi32, #tpu.memory_space<vmem>>
      %dma_wait3A_198 = arith.constant 0 : i32
      %dma_wait3A_199 = tpu.memref_slice %arg4[%mul3A_6, %dma_wait3A_198] : memref<6144x512xi32, #tpu.memory_space<hbm>> -> memref<8x512xi32, #tpu.memory_space<hbm>>
      tpu.wait_dma2 semaphore(%arg16 : memref<!tpu.dma_semaphore, #tpu.memory_space<semaphore_mem>>) src(%dma_wait3A_199 : memref<8x512xi32, #tpu.memory_space<hbm>>) dst(%dma_wait3A_197 : memref<8x512xi32, #tpu.memory_space<vmem>>)
      %scan3A_200 = arith.constant 0 : i32
      %scan3A_201 = arith.constant 32 : i32
      %scan3A_202 = arith.addi %scan3A_200, %scan3A_201 : i32
      %scan3A_203 = arith.constant 1 : i32
      %scan3A_204:2 = scf.for %scan3A_303 = %scan3A_200 to %scan3A_202 step %scan3A_203 iter_args(%scan3A_304 = %scan3A_108, %scan3A_305 = %scan3A_109) -> (vector<16xf32>, vector<16xi32>)  : i32 {
        %mul3A_306 = arith.constant 16 : i32
        %mul3A_307 = arith.muli %scan3A_303, %mul3A_306 : i32
        %multiple_of3A_308 = tpu.assume_multiple %mul3A_307, 16 : i32
        %get3A = arith.constant 0 : i32
        %get3A_309 = arith.constant 0 : i32
        %get3A_310 = arith.index_cast %get3A : i32 to index
        %get3A_311 = arith.index_cast %get3A_309 : i32 to index
        %get3A_312 = arith.index_cast %multiple_of3A_308 : i32 to index
        %get3A_313 = tpu.vector_load %arg9[%get3A_310, %get3A_311, %get3A_312] {strides = array<i32>} : memref<2x8x512xi32, #tpu.memory_space<vmem>>, vector<1x1x16xi32>,
        %get3A_314 = vector.shape_cast %get3A_313 : vector<1x1x16xi32> to vector<16xi32>
        %mul3A_315 = arith.constant 16843009 : i32
        %mul3A_316 = vector.broadcast %mul3A_315 : i32 to vector<16xi32>
        %mul3A_317 = arith.muli %get3A_314, %mul3A_316 : vector<16xi32>
        %shift_right_logical3A = arith.constant 24 : i32
        %shift_right_logical3A_318 = vector.broadcast %shift_right_logical3A : i32 to vector<16xi32>
        %shift_right_logical3A_319 = arith.shrui %mul3A_317, %shift_right_logical3A_318 : vector<16xi32>
        %add3A_320 = arith.addi %scan3A_305, %shift_right_logical3A_319 : vector<16xi32>
        %and3A = arith.constant 1 : i32
        %and3A_321 = vector.broadcast %and3A : i32 to vector<16xi32>
        %and3A_322 = arith.andi %get3A_314, %and3A_321 : vector<16xi32>
        %ne3A = arith.constant 0 : i32
        %ne3A_323 = vector.broadcast %ne3A : i32 to vector<16xi32>
        %ne3A_324 = arith.cmpi ne, %and3A_322, %ne3A_323 : vector<16xi32>
        %add3A_325 = arith.constant 0 : i32
        %add3A_326 = arith.addi %multiple_of3A_308, %add3A_325 : i32
        %multiple_of3A_327 = tpu.assume_multiple %add3A_326, 16 : i32
        %get3A_328 = arith.constant 0 : i32
        %get3A_329 = arith.constant 0 : i32
        %get3A_330 = arith.index_cast %get3A_328 : i32 to index
        %get3A_331 = arith.index_cast %get3A_329 : i32 to index
        %get3A_332 = arith.index_cast %multiple_of3A_327 : i32 to index
        %get3A_333 = tpu.vector_load %arg8[%get3A_330, %get3A_331, %get3A_332] {strides = array<i32>} : memref<2x8x2048xf32, #tpu.memory_space<vmem>>, vector<1x1x16xf32>,
        %get3A_334 = vector.shape_cast %get3A_333 : vector<1x1x16xf32> to vector<16xf32>
        %get3A_335 = arith.constant 0 : i32
        %get3A_336 = arith.constant 0 : i32
        %get3A_337 = arith.index_cast %get3A_335 : i32 to index
        %get3A_338 = arith.index_cast %get3A_336 : i32 to index
        %get3A_339 = arith.index_cast %multiple_of3A_327 : i32 to index
        %get3A_340 = tpu.vector_load %arg7[%get3A_337, %get3A_338, %get3A_339] {strides = array<i32>} : memref<2x8x2048xf32, #tpu.memory_space<vmem>>, vector<1x1x16xf32>,
        %get3A_341 = vector.shape_cast %get3A_340 : vector<1x1x16xf32> to vector<16xf32>
        %sub3A = arith.subf %get3A_334, %get3A_341 : vector<16xf32>
        %jit3A = arith.constant 0.000000e+00 : f32
        %broadcast_in_dim3A_342 = vector.broadcast %jit3A : f32 to vector<16xf32>
        %select_n3A = arith.select %ne3A_324, %sub3A, %broadcast_in_dim3A_342 : vector<16xi1>, vector<16xf32>
        %mul3A_343 = arith.mulf %select_n3A, %select_n3A : vector<16xf32>
        %add3A_344 = arith.addf %scan3A_304, %mul3A_343 : vector<16xf32>
        %and3A_345 = arith.constant 256 : i32
        %and3A_346 = vector.broadcast %and3A_345 : i32 to vector<16xi32>
        %and3A_347 = arith.andi %get3A_314, %and3A_346 : vector<16xi32>
        %ne3A_348 = arith.constant 0 : i32
        %ne3A_349 = vector.broadcast %ne3A_348 : i32 to vector<16xi32>
        %ne3A_350 = arith.cmpi ne, %and3A_347, %ne3A_349 : vector<16xi32>
        %add3A_351 = arith.constant 512 : i32
        %add3A_352 = arith.addi %multiple_of3A_308, %add3A_351 : i32
        %multiple_of3A_353 = tpu.assume_multiple %add3A_352, 16 : i32
        %get3A_354 = arith.constant 0 : i32
        %get3A_355 = arith.constant 0 : i32
        %get3A_356 = arith.index_cast %get3A_354 : i32 to index
        %get3A_357 = arith.index_cast %get3A_355 : i32 to index
        %get3A_358 = arith.index_cast %multiple_of3A_353 : i32 to index
        %get3A_359 = tpu.vector_load %arg8[%get3A_356, %get3A_357, %get3A_358] {strides = array<i32>} : memref<2x8x2048xf32, #tpu.memory_space<vmem>>, vector<1x1x16xf32>,
        %get3A_360 = vector.shape_cast %get3A_359 : vector<1x1x16xf32> to vector<16xf32>
        %get3A_361 = arith.constant 0 : i32
        %get3A_362 = arith.constant 0 : i32
        %get3A_363 = arith.index_cast %get3A_361 : i32 to index
        %get3A_364 = arith.index_cast %get3A_362 : i32 to index
        %get3A_365 = arith.index_cast %multiple_of3A_353 : i32 to index
        %get3A_366 = tpu.vector_load %arg7[%get3A_363, %get3A_364, %get3A_365] {strides = array<i32>} : memref<2x8x2048xf32, #tpu.memory_space<vmem>>, vector<1x1x16xf32>,
        %get3A_367 = vector.shape_cast %get3A_366 : vector<1x1x16xf32> to vector<16xf32>
        %sub3A_368 = arith.subf %get3A_360, %get3A_367 : vector<16xf32>
        %jit3A_369 = arith.constant 0.000000e+00 : f32
        %broadcast_in_dim3A_370 = vector.broadcast %jit3A_369 : f32 to vector<16xf32>
        %select_n3A_371 = arith.select %ne3A_350, %sub3A_368, %broadcast_in_dim3A_370 : vector<16xi1>, vector<16xf32>
        %mul3A_372 = arith.mulf %select_n3A_371, %select_n3A_371 : vector<16xf32>
        %add3A_373 = arith.addf %add3A_344, %mul3A_372 : vector<16xf32>
        %and3A_374 = arith.constant 65536 : i32
        %and3A_375 = vector.broadcast %and3A_374 : i32 to vector<16xi32>
        %and3A_376 = arith.andi %get3A_314, %and3A_375 : vector<16xi32>
        %ne3A_377 = arith.constant 0 : i32
        %ne3A_378 = vector.broadcast %ne3A_377 : i32 to vector<16xi32>
        %ne3A_379 = arith.cmpi ne, %and3A_376, %ne3A_378 : vector<16xi32>
        %add3A_380 = arith.constant 1024 : i32
        %add3A_381 = arith.addi %multiple_of3A_308, %add3A_380 : i32
        %multiple_of3A_382 = tpu.assume_multiple %add3A_381, 16 : i32
        %get3A_383 = arith.constant 0 : i32
        %get3A_384 = arith.constant 0 : i32
        %get3A_385 = arith.index_cast %get3A_383 : i32 to index
        %get3A_386 = arith.index_cast %get3A_384 : i32 to index
        %get3A_387 = arith.index_cast %multiple_of3A_382 : i32 to index
        %get3A_388 = tpu.vector_load %arg8[%get3A_385, %get3A_386, %get3A_387] {strides = array<i32>} : memref<2x8x2048xf32, #tpu.memory_space<vmem>>, vector<1x1x16xf32>,
        %get3A_389 = vector.shape_cast %get3A_388 : vector<1x1x16xf32> to vector<16xf32>
        %get3A_390 = arith.constant 0 : i32
        %get3A_391 = arith.constant 0 : i32
        %get3A_392 = arith.index_cast %get3A_390 : i32 to index
        %get3A_393 = arith.index_cast %get3A_391 : i32 to index
        %get3A_394 = arith.index_cast %multiple_of3A_382 : i32 to index
        %get3A_395 = tpu.vector_load %arg7[%get3A_392, %get3A_393, %get3A_394] {strides = array<i32>} : memref<2x8x2048xf32, #tpu.memory_space<vmem>>, vector<1x1x16xf32>,
        %get3A_396 = vector.shape_cast %get3A_395 : vector<1x1x16xf32> to vector<16xf32>
        %sub3A_397 = arith.subf %get3A_389, %get3A_396 : vector<16xf32>
        %jit3A_398 = arith.constant 0.000000e+00 : f32
        %broadcast_in_dim3A_399 = vector.broadcast %jit3A_398 : f32 to vector<16xf32>
        %select_n3A_400 = arith.select %ne3A_379, %sub3A_397, %broadcast_in_dim3A_399 : vector<16xi1>, vector<16xf32>
        %mul3A_401 = arith.mulf %select_n3A_400, %select_n3A_400 : vector<16xf32>
        %add3A_402 = arith.addf %add3A_373, %mul3A_401 : vector<16xf32>
        %and3A_403 = arith.constant 16777216 : i32
        %and3A_404 = vector.broadcast %and3A_403 : i32 to vector<16xi32>
        %and3A_405 = arith.andi %get3A_314, %and3A_404 : vector<16xi32>
        %ne3A_406 = arith.constant 0 : i32
        %ne3A_407 = vector.broadcast %ne3A_406 : i32 to vector<16xi32>
        %ne3A_408 = arith.cmpi ne, %and3A_405, %ne3A_407 : vector<16xi32>
        %add3A_409 = arith.constant 1536 : i32
        %add3A_410 = arith.addi %multiple_of3A_308, %add3A_409 : i32
        %multiple_of3A_411 = tpu.assume_multiple %add3A_410, 16 : i32
        %get3A_412 = arith.constant 0 : i32
        %get3A_413 = arith.constant 0 : i32
        %get3A_414 = arith.index_cast %get3A_412 : i32 to index
        %get3A_415 = arith.index_cast %get3A_413 : i32 to index
        %get3A_416 = arith.index_cast %multiple_of3A_411 : i32 to index
        %get3A_417 = tpu.vector_load %arg8[%get3A_414, %get3A_415, %get3A_416] {strides = array<i32>} : memref<2x8x2048xf32, #tpu.memory_space<vmem>>, vector<1x1x16xf32>,
        %get3A_418 = vector.shape_cast %get3A_417 : vector<1x1x16xf32> to vector<16xf32>
        %get3A_419 = arith.constant 0 : i32
        %get3A_420 = arith.constant 0 : i32
        %get3A_421 = arith.index_cast %get3A_419 : i32 to index
        %get3A_422 = arith.index_cast %get3A_420 : i32 to index
        %get3A_423 = arith.index_cast %multiple_of3A_411 : i32 to index
        %get3A_424 = tpu.vector_load %arg7[%get3A_421, %get3A_422, %get3A_423] {strides = array<i32>} : memref<2x8x2048xf32, #tpu.memory_space<vmem>>, vector<1x1x16xf32>,
        %get3A_425 = vector.shape_cast %get3A_424 : vector<1x1x16xf32> to vector<16xf32>
        %sub3A_426 = arith.subf %get3A_418, %get3A_425 : vector<16xf32>
        %jit3A_427 = arith.constant 0.000000e+00 : f32
        %broadcast_in_dim3A_428 = vector.broadcast %jit3A_427 : f32 to vector<16xf32>
        %select_n3A_429 = arith.select %ne3A_408, %sub3A_426, %broadcast_in_dim3A_428 : vector<16xi1>, vector<16xf32>
        %mul3A_430 = arith.mulf %select_n3A_429, %select_n3A_429 : vector<16xf32>
        %add3A_431 = arith.addf %add3A_402, %mul3A_430 : vector<16xf32>
        %get3A_432 = arith.constant 0 : i32
        %get3A_433 = arith.constant 1 : i32
        %get3A_434 = arith.index_cast %get3A_432 : i32 to index
        %get3A_435 = arith.index_cast %get3A_433 : i32 to index
        %get3A_436 = arith.index_cast %multiple_of3A_308 : i32 to index
        %get3A_437 = tpu.vector_load %arg9[%get3A_434, %get3A_435, %get3A_436] {strides = array<i32>} : memref<2x8x512xi32, #tpu.memory_space<vmem>>, vector<1x1x16xi32>,
        %get3A_438 = vector.shape_cast %get3A_437 : vector<1x1x16xi32> to vector<16xi32>
        %mul3A_439 = arith.constant 16843009 : i32
        %mul3A_440 = vector.broadcast %mul3A_439 : i32 to vector<16xi32>
        %mul3A_441 = arith.muli %get3A_438, %mul3A_440 : vector<16xi32>
        %shift_right_logical3A_442 = arith.constant 24 : i32
        %shift_right_logical3A_443 = vector.broadcast %shift_right_logical3A_442 : i32 to vector<16xi32>
        %shift_right_logical3A_444 = arith.shrui %mul3A_441, %shift_right_logical3A_443 : vector<16xi32>
        %add3A_445 = arith.addi %add3A_320, %shift_right_logical3A_444 : vector<16xi32>
        %and3A_446 = arith.constant 1 : i32
        %and3A_447 = vector.broadcast %and3A_446 : i32 to vector<16xi32>
        %and3A_448 = arith.andi %get3A_438, %and3A_447 : vector<16xi32>
        %ne3A_449 = arith.constant 0 : i32
        %ne3A_450 = vector.broadcast %ne3A_449 : i32 to vector<16xi32>
        %ne3A_451 = arith.cmpi ne, %and3A_448, %ne3A_450 : vector<16xi32>
        %add3A_452 = arith.constant 0 : i32
        %add3A_453 = arith.addi %multiple_of3A_308, %add3A_452 : i32
        %multiple_of3A_454 = tpu.assume_multiple %add3A_453, 16 : i32
        %get3A_455 = arith.constant 0 : i32
        %get3A_456 = arith.constant 1 : i32
        %get3A_457 = arith.index_cast %get3A_455 : i32 to index
        %get3A_458 = arith.index_cast %get3A_456 : i32 to index
        %get3A_459 = arith.index_cast %multiple_of3A_454 : i32 to index
        %get3A_460 = tpu.vector_load %arg8[%get3A_457, %get3A_458, %get3A_459] {strides = array<i32>} : memref<2x8x2048xf32, #tpu.memory_space<vmem>>, vector<1x1x16xf32>,
        %get3A_461 = vector.shape_cast %get3A_460 : vector<1x1x16xf32> to vector<16xf32>
        %get3A_462 = arith.constant 0 : i32
        %get3A_463 = arith.constant 1 : i32
        %get3A_464 = arith.index_cast %get3A_462 : i32 to index
        %get3A_465 = arith.index_cast %get3A_463 : i32 to index
        %get3A_466 = arith.index_cast %multiple_of3A_454 : i32 to index
        %get3A_467 = tpu.vector_load %arg7[%get3A_464, %get3A_465, %get3A_466] {strides = array<i32>} : memref<2x8x2048xf32, #tpu.memory_space<vmem>>, vector<1x1x16xf32>,
        %get3A_468 = vector.shape_cast %get3A_467 : vector<1x1x16xf32> to vector<16xf32>
        %sub3A_469 = arith.subf %get3A_461, %get3A_468 : vector<16xf32>
        %jit3A_470 = arith.constant 0.000000e+00 : f32
        %broadcast_in_dim3A_471 = vector.broadcast %jit3A_470 : f32 to vector<16xf32>
        %select_n3A_472 = arith.select %ne3A_451, %sub3A_469, %broadcast_in_dim3A_471 : vector<16xi1>, vector<16xf32>
        %mul3A_473 = arith.mulf %select_n3A_472, %select_n3A_472 : vector<16xf32>
        %add3A_474 = arith.addf %add3A_431, %mul3A_473 : vector<16xf32>
        %and3A_475 = arith.constant 256 : i32
        %and3A_476 = vector.broadcast %and3A_475 : i32 to vector<16xi32>
        %and3A_477 = arith.andi %get3A_438, %and3A_476 : vector<16xi32>
        %ne3A_478 = arith.constant 0 : i32
        %ne3A_479 = vector.broadcast %ne3A_478 : i32 to vector<16xi32>
        %ne3A_480 = arith.cmpi ne, %and3A_477, %ne3A_479 : vector<16xi32>
        %add3A_481 = arith.constant 512 : i32
        %add3A_482 = arith.addi %multiple_of3A_308, %add3A_481 : i32
        %multiple_of3A_483 = tpu.assume_multiple %add3A_482, 16 : i32
        %get3A_484 = arith.constant 0 : i32
        %get3A_485 = arith.constant 1 : i32
        %get3A_486 = arith.index_cast %get3A_484 : i32 to index
        %get3A_487 = arith.index_cast %get3A_485 : i32 to index
        %get3A_488 = arith.index_cast %multiple_of3A_483 : i32 to index
        %get3A_489 = tpu.vector_load %arg8[%get3A_486, %get3A_487, %get3A_488] {strides = array<i32>} : memref<2x8x2048xf32, #tpu.memory_space<vmem>>, vector<1x1x16xf32>,
        %get3A_490 = vector.shape_cast %get3A_489 : vector<1x1x16xf32> to vector<16xf32>
        %get3A_491 = arith.constant 0 : i32
        %get3A_492 = arith.constant 1 : i32
        %get3A_493 = arith.index_cast %get3A_491 : i32 to index
        %get3A_494 = arith.index_cast %get3A_492 : i32 to index
        %get3A_495 = arith.index_cast %multiple_of3A_483 : i32 to index
        %get3A_496 = tpu.vector_load %arg7[%get3A_493, %get3A_494, %get3A_495] {strides = array<i32>} : memref<2x8x2048xf32, #tpu.memory_space<vmem>>, vector<1x1x16xf32>,
        %get3A_497 = vector.shape_cast %get3A_496 : vector<1x1x16xf32> to vector<16xf32>
        %sub3A_498 = arith.subf %get3A_490, %get3A_497 : vector<16xf32>
        %jit3A_499 = arith.constant 0.000000e+00 : f32
        %broadcast_in_dim3A_500 = vector.broadcast %jit3A_499 : f32 to vector<16xf32>
        %select_n3A_501 = arith.select %ne3A_480, %sub3A_498, %broadcast_in_dim3A_500 : vector<16xi1>, vector<16xf32>
        %mul3A_502 = arith.mulf %select_n3A_501, %select_n3A_501 : vector<16xf32>
        %add3A_503 = arith.addf %add3A_474, %mul3A_502 : vector<16xf32>
        %and3A_504 = arith.constant 65536 : i32
        %and3A_505 = vector.broadcast %and3A_504 : i32 to vector<16xi32>
        %and3A_506 = arith.andi %get3A_438, %and3A_505 : vector<16xi32>
        %ne3A_507 = arith.constant 0 : i32
        %ne3A_508 = vector.broadcast %ne3A_507 : i32 to vector<16xi32>
        %ne3A_509 = arith.cmpi ne, %and3A_506, %ne3A_508 : vector<16xi32>
        %add3A_510 = arith.constant 1024 : i32
        %add3A_511 = arith.addi %multiple_of3A_308, %add3A_510 : i32
        %multiple_of3A_512 = tpu.assume_multiple %add3A_511, 16 : i32
        %get3A_513 = arith.constant 0 : i32
        %get3A_514 = arith.constant 1 : i32
        %get3A_515 = arith.index_cast %get3A_513 : i32 to index
        %get3A_516 = arith.index_cast %get3A_514 : i32 to index
        %get3A_517 = arith.index_cast %multiple_of3A_512 : i32 to index
        %get3A_518 = tpu.vector_load %arg8[%get3A_515, %get3A_516, %get3A_517] {strides = array<i32>} : memref<2x8x2048xf32, #tpu.memory_space<vmem>>, vector<1x1x16xf32>,
        %get3A_519 = vector.shape_cast %get3A_518 : vector<1x1x16xf32> to vector<16xf32>
        %get3A_520 = arith.constant 0 : i32
        %get3A_521 = arith.constant 1 : i32
        %get3A_522 = arith.index_cast %get3A_520 : i32 to index
        %get3A_523 = arith.index_cast %get3A_521 : i32 to index
        %get3A_524 = arith.index_cast %multiple_of3A_512 : i32 to index
        %get3A_525 = tpu.vector_load %arg7[%get3A_522, %get3A_523, %get3A_524] {strides = array<i32>} : memref<2x8x2048xf32, #tpu.memory_space<vmem>>, vector<1x1x16xf32>,
        %get3A_526 = vector.shape_cast %get3A_525 : vector<1x1x16xf32> to vector<16xf32>
        %sub3A_527 = arith.subf %get3A_519, %get3A_526 : vector<16xf32>
        %jit3A_528 = arith.constant 0.000000e+00 : f32
        %broadcast_in_dim3A_529 = vector.broadcast %jit3A_528 : f32 to vector<16xf32>
        %select_n3A_530 = arith.select %ne3A_509, %sub3A_527, %broadcast_in_dim3A_529 : vector<16xi1>, vector<16xf32>
        %mul3A_531 = arith.mulf %select_n3A_530, %select_n3A_530 : vector<16xf32>
        %add3A_532 = arith.addf %add3A_503, %mul3A_531 : vector<16xf32>
        %and3A_533 = arith.constant 16777216 : i32
        %and3A_534 = vector.broadcast %and3A_533 : i32 to vector<16xi32>
        %and3A_535 = arith.andi %get3A_438, %and3A_534 : vector<16xi32>
        %ne3A_536 = arith.constant 0 : i32
        %ne3A_537 = vector.broadcast %ne3A_536 : i32 to vector<16xi32>
        %ne3A_538 = arith.cmpi ne, %and3A_535, %ne3A_537 : vector<16xi32>
        %add3A_539 = arith.constant 1536 : i32
        %add3A_540 = arith.addi %multiple_of3A_308, %add3A_539 : i32
        %multiple_of3A_541 = tpu.assume_multiple %add3A_540, 16 : i32
        %get3A_542 = arith.constant 0 : i32
        %get3A_543 = arith.constant 1 : i32
        %get3A_544 = arith.index_cast %get3A_542 : i32 to index
        %get3A_545 = arith.index_cast %get3A_543 : i32 to index
        %get3A_546 = arith.index_cast %multiple_of3A_541 : i32 to index
        %get3A_547 = tpu.vector_load %arg8[%get3A_544, %get3A_545, %get3A_546] {strides = array<i32>} : memref<2x8x2048xf32, #tpu.memory_space<vmem>>, vector<1x1x16xf32>,
        %get3A_548 = vector.shape_cast %get3A_547 : vector<1x1x16xf32> to vector<16xf32>
        %get3A_549 = arith.constant 0 : i32
        %get3A_550 = arith.constant 1 : i32
        %get3A_551 = arith.index_cast %get3A_549 : i32 to index
        %get3A_552 = arith.index_cast %get3A_550 : i32 to index
        %get3A_553 = arith.index_cast %multiple_of3A_541 : i32 to index
        %get3A_554 = tpu.vector_load %arg7[%get3A_551, %get3A_552, %get3A_553] {strides = array<i32>} : memref<2x8x2048xf32, #tpu.memory_space<vmem>>, vector<1x1x16xf32>,
        %get3A_555 = vector.shape_cast %get3A_554 : vector<1x1x16xf32> to vector<16xf32>
        %sub3A_556 = arith.subf %get3A_548, %get3A_555 : vector<16xf32>
        %jit3A_557 = arith.constant 0.000000e+00 : f32
        %broadcast_in_dim3A_558 = vector.broadcast %jit3A_557 : f32 to vector<16xf32>
        %select_n3A_559 = arith.select %ne3A_538, %sub3A_556, %broadcast_in_dim3A_558 : vector<16xi1>, vector<16xf32>
        %mul3A_560 = arith.mulf %select_n3A_559, %select_n3A_559 : vector<16xf32>
        %add3A_561 = arith.addf %add3A_532, %mul3A_560 : vector<16xf32>
        %get3A_562 = arith.constant 0 : i32
        %get3A_563 = arith.constant 2 : i32
        %get3A_564 = arith.index_cast %get3A_562 : i32 to index
        %get3A_565 = arith.index_cast %get3A_563 : i32 to index
        %get3A_566 = arith.index_cast %multiple_of3A_308 : i32 to index
        %get3A_567 = tpu.vector_load %arg9[%get3A_564, %get3A_565, %get3A_566] {strides = array<i32>} : memref<2x8x512xi32, #tpu.memory_space<vmem>>, vector<1x1x16xi32>,
        %get3A_568 = vector.shape_cast %get3A_567 : vector<1x1x16xi32> to vector<16xi32>
        %mul3A_569 = arith.constant 16843009 : i32
        %mul3A_570 = vector.broadcast %mul3A_569 : i32 to vector<16xi32>
        %mul3A_571 = arith.muli %get3A_568, %mul3A_570 : vector<16xi32>
        %shift_right_logical3A_572 = arith.constant 24 : i32
        %shift_right_logical3A_573 = vector.broadcast %shift_right_logical3A_572 : i32 to vector<16xi32>
        %shift_right_logical3A_574 = arith.shrui %mul3A_571, %shift_right_logical3A_573 : vector<16xi32>
        %add3A_575 = arith.addi %add3A_445, %shift_right_logical3A_574 : vector<16xi32>
        %and3A_576 = arith.constant 1 : i32
        %and3A_577 = vector.broadcast %and3A_576 : i32 to vector<16xi32>
        %and3A_578 = arith.andi %get3A_568, %and3A_577 : vector<16xi32>
        %ne3A_579 = arith.constant 0 : i32
        %ne3A_580 = vector.broadcast %ne3A_579 : i32 to vector<16xi32>
        %ne3A_581 = arith.cmpi ne, %and3A_578, %ne3A_580 : vector<16xi32>
        %add3A_582 = arith.constant 0 : i32
        %add3A_583 = arith.addi %multiple_of3A_308, %add3A_582 : i32
        %multiple_of3A_584 = tpu.assume_multiple %add3A_583, 16 : i32
        %get3A_585 = arith.constant 0 : i32
        %get3A_586 = arith.constant 2 : i32
        %get3A_587 = arith.index_cast %get3A_585 : i32 to index
        %get3A_588 = arith.index_cast %get3A_586 : i32 to index
        %get3A_589 = arith.index_cast %multiple_of3A_584 : i32 to index
        %get3A_590 = tpu.vector_load %arg8[%get3A_587, %get3A_588, %get3A_589] {strides = array<i32>} : memref<2x8x2048xf32, #tpu.memory_space<vmem>>, vector<1x1x16xf32>,
        %get3A_591 = vector.shape_cast %get3A_590 : vector<1x1x16xf32> to vector<16xf32>
        %get3A_592 = arith.constant 0 : i32
        %get3A_593 = arith.constant 2 : i32
        %get3A_594 = arith.index_cast %get3A_592 : i32 to index
        %get3A_595 = arith.index_cast %get3A_593 : i32 to index
        %get3A_596 = arith.index_cast %multiple_of3A_584 : i32 to index
        %get3A_597 = tpu.vector_load %arg7[%get3A_594, %get3A_595, %get3A_596] {strides = array<i32>} : memref<2x8x2048xf32, #tpu.memory_space<vmem>>, vector<1x1x16xf32>,
        %get3A_598 = vector.shape_cast %get3A_597 : vector<1x1x16xf32> to vector<16xf32>
        %sub3A_599 = arith.subf %get3A_591, %get3A_598 : vector<16xf32>
        %jit3A_600 = arith.constant 0.000000e+00 : f32
        %broadcast_in_dim3A_601 = vector.broadcast %jit3A_600 : f32 to vector<16xf32>
        %select_n3A_602 = arith.select %ne3A_581, %sub3A_599, %broadcast_in_dim3A_601 : vector<16xi1>, vector<16xf32>
        %mul3A_603 = arith.mulf %select_n3A_602, %select_n3A_602 : vector<16xf32>
        %add3A_604 = arith.addf %add3A_561, %mul3A_603 : vector<16xf32>
        %and3A_605 = arith.constant 256 : i32
        %and3A_606 = vector.broadcast %and3A_605 : i32 to vector<16xi32>
        %and3A_607 = arith.andi %get3A_568, %and3A_606 : vector<16xi32>
        %ne3A_608 = arith.constant 0 : i32
        %ne3A_609 = vector.broadcast %ne3A_608 : i32 to vector<16xi32>
        %ne3A_610 = arith.cmpi ne, %and3A_607, %ne3A_609 : vector<16xi32>
        %add3A_611 = arith.constant 512 : i32
        %add3A_612 = arith.addi %multiple_of3A_308, %add3A_611 : i32
        %multiple_of3A_613 = tpu.assume_multiple %add3A_612, 16 : i32
        %get3A_614 = arith.constant 0 : i32
        %get3A_615 = arith.constant 2 : i32
        %get3A_616 = arith.index_cast %get3A_614 : i32 to index
        %get3A_617 = arith.index_cast %get3A_615 : i32 to index
        %get3A_618 = arith.index_cast %multiple_of3A_613 : i32 to index
        %get3A_619 = tpu.vector_load %arg8[%get3A_616, %get3A_617, %get3A_618] {strides = array<i32>} : memref<2x8x2048xf32, #tpu.memory_space<vmem>>, vector<1x1x16xf32>,
        %get3A_620 = vector.shape_cast %get3A_619 : vector<1x1x16xf32> to vector<16xf32>
        %get3A_621 = arith.constant 0 : i32
        %get3A_622 = arith.constant 2 : i32
        %get3A_623 = arith.index_cast %get3A_621 : i32 to index
        %get3A_624 = arith.index_cast %get3A_622 : i32 to index
        %get3A_625 = arith.index_cast %multiple_of3A_613 : i32 to index
        %get3A_626 = tpu.vector_load %arg7[%get3A_623, %get3A_624, %get3A_625] {strides = array<i32>} : memref<2x8x2048xf32, #tpu.memory_space<vmem>>, vector<1x1x16xf32>,
        %get3A_627 = vector.shape_cast %get3A_626 : vector<1x1x16xf32> to vector<16xf32>
        %sub3A_628 = arith.subf %get3A_620, %get3A_627 : vector<16xf32>
        %jit3A_629 = arith.constant 0.000000e+00 : f32
        %broadcast_in_dim3A_630 = vector.broadcast %jit3A_629 : f32 to vector<16xf32>
        %select_n3A_631 = arith.select %ne3A_610, %sub3A_628, %broadcast_in_dim3A_630 : vector<16xi1>, vector<16xf32>
        %mul3A_632 = arith.mulf %select_n3A_631, %select_n3A_631 : vector<16xf32>
        %add3A_633 = arith.addf %add3A_604, %mul3A_632 : vector<16xf32>
        %and3A_634 = arith.constant 65536 : i32
        %and3A_635 = vector.broadcast %and3A_634 : i32 to vector<16xi32>
        %and3A_636 = arith.andi %get3A_568, %and3A_635 : vector<16xi32>
        %ne3A_637 = arith.constant 0 : i32
        %ne3A_638 = vector.broadcast %ne3A_637 : i32 to vector<16xi32>
        %ne3A_639 = arith.cmpi ne, %and3A_636, %ne3A_638 : vector<16xi32>
        %add3A_640 = arith.constant 1024 : i32
        %add3A_641 = arith.addi %multiple_of3A_308, %add3A_640 : i32
        %multiple_of3A_642 = tpu.assume_multiple %add3A_641, 16 : i32
        %get3A_643 = arith.constant 0 : i32
        %get3A_644 = arith.constant 2 : i32
        %get3A_645 = arith.index_cast %get3A_643 : i32 to index
        %get3A_646 = arith.index_cast %get3A_644 : i32 to index
        %get3A_647 = arith.index_cast %multiple_of3A_642 : i32 to index
        %get3A_648 = tpu.vector_load %arg8[%get3A_645, %get3A_646, %get3A_647] {strides = array<i32>} : memref<2x8x2048xf32, #tpu.memory_space<vmem>>, vector<1x1x16xf32>,
        %get3A_649 = vector.shape_cast %get3A_648 : vector<1x1x16xf32> to vector<16xf32>
        %get3A_650 = arith.constant 0 : i32
        %get3A_651 = arith.constant 2 : i32
        %get3A_652 = arith.index_cast %get3A_650 : i32 to index
        %get3A_653 = arith.index_cast %get3A_651 : i32 to index
        %get3A_654 = arith.index_cast %multiple_of3A_642 : i32 to index
        %get3A_655 = tpu.vector_load %arg7[%get3A_652, %get3A_653, %get3A_654] {strides = array<i32>} : memref<2x8x2048xf32, #tpu.memory_space<vmem>>, vector<1x1x16xf32>,
        %get3A_656 = vector.shape_cast %get3A_655 : vector<1x1x16xf32> to vector<16xf32>
        %sub3A_657 = arith.subf %get3A_649, %get3A_656 : vector<16xf32>
        %jit3A_658 = arith.constant 0.000000e+00 : f32
        %broadcast_in_dim3A_659 = vector.broadcast %jit3A_658 : f32 to vector<16xf32>
        %select_n3A_660 = arith.select %ne3A_639, %sub3A_657, %broadcast_in_dim3A_659 : vector<16xi1>, vector<16xf32>
        %mul3A_661 = arith.mulf %select_n3A_660, %select_n3A_660 : vector<16xf32>
        %add3A_662 = arith.addf %add3A_633, %mul3A_661 : vector<16xf32>
        %and3A_663 = arith.constant 16777216 : i32
        %and3A_664 = vector.broadcast %and3A_663 : i32 to vector<16xi32>
        %and3A_665 = arith.andi %get3A_568, %and3A_664 : vector<16xi32>
        %ne3A_666 = arith.constant 0 : i32
        %ne3A_667 = vector.broadcast %ne3A_666 : i32 to vector<16xi32>
        %ne3A_668 = arith.cmpi ne, %and3A_665, %ne3A_667 : vector<16xi32>
        %add3A_669 = arith.constant 1536 : i32
        %add3A_670 = arith.addi %multiple_of3A_308, %add3A_669 : i32
        %multiple_of3A_671 = tpu.assume_multiple %add3A_670, 16 : i32
        %get3A_672 = arith.constant 0 : i32
        %get3A_673 = arith.constant 2 : i32
        %get3A_674 = arith.index_cast %get3A_672 : i32 to index
        %get3A_675 = arith.index_cast %get3A_673 : i32 to index
        %get3A_676 = arith.index_cast %multiple_of3A_671 : i32 to index
        %get3A_677 = tpu.vector_load %arg8[%get3A_674, %get3A_675, %get3A_676] {strides = array<i32>} : memref<2x8x2048xf32, #tpu.memory_space<vmem>>, vector<1x1x16xf32>,
        %get3A_678 = vector.shape_cast %get3A_677 : vector<1x1x16xf32> to vector<16xf32>
        %get3A_679 = arith.constant 0 : i32
        %get3A_680 = arith.constant 2 : i32
        %get3A_681 = arith.index_cast %get3A_679 : i32 to index
        %get3A_682 = arith.index_cast %get3A_680 : i32 to index
        %get3A_683 = arith.index_cast %multiple_of3A_671 : i32 to index
        %get3A_684 = tpu.vector_load %arg7[%get3A_681, %get3A_682, %get3A_683] {strides = array<i32>} : memref<2x8x2048xf32, #tpu.memory_space<vmem>>, vector<1x1x16xf32>,
        %get3A_685 = vector.shape_cast %get3A_684 : vector<1x1x16xf32> to vector<16xf32>
        %sub3A_686 = arith.subf %get3A_678, %get3A_685 : vector<16xf32>
        %jit3A_687 = arith.constant 0.000000e+00 : f32
        %broadcast_in_dim3A_688 = vector.broadcast %jit3A_687 : f32 to vector<16xf32>
        %select_n3A_689 = arith.select %ne3A_668, %sub3A_686, %broadcast_in_dim3A_688 : vector<16xi1>, vector<16xf32>
        %mul3A_690 = arith.mulf %select_n3A_689, %select_n3A_689 : vector<16xf32>
        %add3A_691 = arith.addf %add3A_662, %mul3A_690 : vector<16xf32>
        %get3A_692 = arith.constant 0 : i32
        %get3A_693 = arith.constant 3 : i32
        %get3A_694 = arith.index_cast %get3A_692 : i32 to index
        %get3A_695 = arith.index_cast %get3A_693 : i32 to index
        %get3A_696 = arith.index_cast %multiple_of3A_308 : i32 to index
        %get3A_697 = tpu.vector_load %arg9[%get3A_694, %get3A_695, %get3A_696] {strides = array<i32>} : memref<2x8x512xi32, #tpu.memory_space<vmem>>, vector<1x1x16xi32>,
        %get3A_698 = vector.shape_cast %get3A_697 : vector<1x1x16xi32> to vector<16xi32>
        %mul3A_699 = arith.constant 16843009 : i32
        %mul3A_700 = vector.broadcast %mul3A_699 : i32 to vector<16xi32>
        %mul3A_701 = arith.muli %get3A_698, %mul3A_700 : vector<16xi32>
        %shift_right_logical3A_702 = arith.constant 24 : i32
        %shift_right_logical3A_703 = vector.broadcast %shift_right_logical3A_702 : i32 to vector<16xi32>
        %shift_right_logical3A_704 = arith.shrui %mul3A_701, %shift_right_logical3A_703 : vector<16xi32>
        %add3A_705 = arith.addi %add3A_575, %shift_right_logical3A_704 : vector<16xi32>
        %and3A_706 = arith.constant 1 : i32
        %and3A_707 = vector.broadcast %and3A_706 : i32 to vector<16xi32>
        %and3A_708 = arith.andi %get3A_698, %and3A_707 : vector<16xi32>
        %ne3A_709 = arith.constant 0 : i32
        %ne3A_710 = vector.broadcast %ne3A_709 : i32 to vector<16xi32>
        %ne3A_711 = arith.cmpi ne, %and3A_708, %ne3A_710 : vector<16xi32>
        %add3A_712 = arith.constant 0 : i32
        %add3A_713 = arith.addi %multiple_of3A_308, %add3A_712 : i32
        %multiple_of3A_714 = tpu.assume_multiple %add3A_713, 16 : i32
        %get3A_715 = arith.constant 0 : i32
        %get3A_716 = arith.constant 3 : i32
        %get3A_717 = arith.index_cast %get3A_715 : i32 to index
        %get3A_718 = arith.index_cast %get3A_716 : i32 to index
        %get3A_719 = arith.index_cast %multiple_of3A_714 : i32 to index
        %get3A_720 = tpu.vector_load %arg8[%get3A_717, %get3A_718, %get3A_719] {strides = array<i32>} : memref<2x8x2048xf32, #tpu.memory_space<vmem>>, vector<1x1x16xf32>,
        %get3A_721 = vector.shape_cast %get3A_720 : vector<1x1x16xf32> to vector<16xf32>
        %get3A_722 = arith.constant 0 : i32
        %get3A_723 = arith.constant 3 : i32
        %get3A_724 = arith.index_cast %get3A_722 : i32 to index
        %get3A_725 = arith.index_cast %get3A_723 : i32 to index
        %get3A_726 = arith.index_cast %multiple_of3A_714 : i32 to index
        %get3A_727 = tpu.vector_load %arg7[%get3A_724, %get3A_725, %get3A_726] {strides = array<i32>} : memref<2x8x2048xf32, #tpu.memory_space<vmem>>, vector<1x1x16xf32>,
        %get3A_728 = vector.shape_cast %get3A_727 : vector<1x1x16xf32> to vector<16xf32>
        %sub3A_729 = arith.subf %get3A_721, %get3A_728 : vector<16xf32>
        %jit3A_730 = arith.constant 0.000000e+00 : f32
        %broadcast_in_dim3A_731 = vector.broadcast %jit3A_730 : f32 to vector<16xf32>
        %select_n3A_732 = arith.select %ne3A_711, %sub3A_729, %broadcast_in_dim3A_731 : vector<16xi1>, vector<16xf32>
        %mul3A_733 = arith.mulf %select_n3A_732, %select_n3A_732 : vector<16xf32>
        %add3A_734 = arith.addf %add3A_691, %mul3A_733 : vector<16xf32>
        %and3A_735 = arith.constant 256 : i32
        %and3A_736 = vector.broadcast %and3A_735 : i32 to vector<16xi32>
        %and3A_737 = arith.andi %get3A_698, %and3A_736 : vector<16xi32>
        %ne3A_738 = arith.constant 0 : i32
        %ne3A_739 = vector.broadcast %ne3A_738 : i32 to vector<16xi32>
        %ne3A_740 = arith.cmpi ne, %and3A_737, %ne3A_739 : vector<16xi32>
        %add3A_741 = arith.constant 512 : i32
        %add3A_742 = arith.addi %multiple_of3A_308, %add3A_741 : i32
        %multiple_of3A_743 = tpu.assume_multiple %add3A_742, 16 : i32
        %get3A_744 = arith.constant 0 : i32
        %get3A_745 = arith.constant 3 : i32
        %get3A_746 = arith.index_cast %get3A_744 : i32 to index
        %get3A_747 = arith.index_cast %get3A_745 : i32 to index
        %get3A_748 = arith.index_cast %multiple_of3A_743 : i32 to index
        %get3A_749 = tpu.vector_load %arg8[%get3A_746, %get3A_747, %get3A_748] {strides = array<i32>} : memref<2x8x2048xf32, #tpu.memory_space<vmem>>, vector<1x1x16xf32>,
        %get3A_750 = vector.shape_cast %get3A_749 : vector<1x1x16xf32> to vector<16xf32>
        %get3A_751 = arith.constant 0 : i32
        %get3A_752 = arith.constant 3 : i32
        %get3A_753 = arith.index_cast %get3A_751 : i32 to index
        %get3A_754 = arith.index_cast %get3A_752 : i32 to index
        %get3A_755 = arith.index_cast %multiple_of3A_743 : i32 to index
        %get3A_756 = tpu.vector_load %arg7[%get3A_753, %get3A_754, %get3A_755] {strides = array<i32>} : memref<2x8x2048xf32, #tpu.memory_space<vmem>>, vector<1x1x16xf32>,
        %get3A_757 = vector.shape_cast %get3A_756 : vector<1x1x16xf32> to vector<16xf32>
        %sub3A_758 = arith.subf %get3A_750, %get3A_757 : vector<16xf32>
        %jit3A_759 = arith.constant 0.000000e+00 : f32
        %broadcast_in_dim3A_760 = vector.broadcast %jit3A_759 : f32 to vector<16xf32>
        %select_n3A_761 = arith.select %ne3A_740, %sub3A_758, %broadcast_in_dim3A_760 : vector<16xi1>, vector<16xf32>
        %mul3A_762 = arith.mulf %select_n3A_761, %select_n3A_761 : vector<16xf32>
        %add3A_763 = arith.addf %add3A_734, %mul3A_762 : vector<16xf32>
        %and3A_764 = arith.constant 65536 : i32
        %and3A_765 = vector.broadcast %and3A_764 : i32 to vector<16xi32>
        %and3A_766 = arith.andi %get3A_698, %and3A_765 : vector<16xi32>
        %ne3A_767 = arith.constant 0 : i32
        %ne3A_768 = vector.broadcast %ne3A_767 : i32 to vector<16xi32>
        %ne3A_769 = arith.cmpi ne, %and3A_766, %ne3A_768 : vector<16xi32>
        %add3A_770 = arith.constant 1024 : i32
        %add3A_771 = arith.addi %multiple_of3A_308, %add3A_770 : i32
        %multiple_of3A_772 = tpu.assume_multiple %add3A_771, 16 : i32
        %get3A_773 = arith.constant 0 : i32
        %get3A_774 = arith.constant 3 : i32
        %get3A_775 = arith.index_cast %get3A_773 : i32 to index
        %get3A_776 = arith.index_cast %get3A_774 : i32 to index
        %get3A_777 = arith.index_cast %multiple_of3A_772 : i32 to index
        %get3A_778 = tpu.vector_load %arg8[%get3A_775, %get3A_776, %get3A_777] {strides = array<i32>} : memref<2x8x2048xf32, #tpu.memory_space<vmem>>, vector<1x1x16xf32>,
        %get3A_779 = vector.shape_cast %get3A_778 : vector<1x1x16xf32> to vector<16xf32>
        %get3A_780 = arith.constant 0 : i32
        %get3A_781 = arith.constant 3 : i32
        %get3A_782 = arith.index_cast %get3A_780 : i32 to index
        %get3A_783 = arith.index_cast %get3A_781 : i32 to index
        %get3A_784 = arith.index_cast %multiple_of3A_772 : i32 to index
        %get3A_785 = tpu.vector_load %arg7[%get3A_782, %get3A_783, %get3A_784] {strides = array<i32>} : memref<2x8x2048xf32, #tpu.memory_space<vmem>>, vector<1x1x16xf32>,
        %get3A_786 = vector.shape_cast %get3A_785 : vector<1x1x16xf32> to vector<16xf32>
        %sub3A_787 = arith.subf %get3A_779, %get3A_786 : vector<16xf32>
        %jit3A_788 = arith.constant 0.000000e+00 : f32
        %broadcast_in_dim3A_789 = vector.broadcast %jit3A_788 : f32 to vector<16xf32>
        %select_n3A_790 = arith.select %ne3A_769, %sub3A_787, %broadcast_in_dim3A_789 : vector<16xi1>, vector<16xf32>
        %mul3A_791 = arith.mulf %select_n3A_790, %select_n3A_790 : vector<16xf32>
        %add3A_792 = arith.addf %add3A_763, %mul3A_791 : vector<16xf32>
        %and3A_793 = arith.constant 16777216 : i32
        %and3A_794 = vector.broadcast %and3A_793 : i32 to vector<16xi32>
        %and3A_795 = arith.andi %get3A_698, %and3A_794 : vector<16xi32>
        %ne3A_796 = arith.constant 0 : i32
        %ne3A_797 = vector.broadcast %ne3A_796 : i32 to vector<16xi32>
        %ne3A_798 = arith.cmpi ne, %and3A_795, %ne3A_797 : vector<16xi32>
        %add3A_799 = arith.constant 1536 : i32
        %add3A_800 = arith.addi %multiple_of3A_308, %add3A_799 : i32
        %multiple_of3A_801 = tpu.assume_multiple %add3A_800, 16 : i32
        %get3A_802 = arith.constant 0 : i32
        %get3A_803 = arith.constant 3 : i32
        %get3A_804 = arith.index_cast %get3A_802 : i32 to index
        %get3A_805 = arith.index_cast %get3A_803 : i32 to index
        %get3A_806 = arith.index_cast %multiple_of3A_801 : i32 to index
        %get3A_807 = tpu.vector_load %arg8[%get3A_804, %get3A_805, %get3A_806] {strides = array<i32>} : memref<2x8x2048xf32, #tpu.memory_space<vmem>>, vector<1x1x16xf32>,
        %get3A_808 = vector.shape_cast %get3A_807 : vector<1x1x16xf32> to vector<16xf32>
        %get3A_809 = arith.constant 0 : i32
        %get3A_810 = arith.constant 3 : i32
        %get3A_811 = arith.index_cast %get3A_809 : i32 to index
        %get3A_812 = arith.index_cast %get3A_810 : i32 to index
        %get3A_813 = arith.index_cast %multiple_of3A_801 : i32 to index
        %get3A_814 = tpu.vector_load %arg7[%get3A_811, %get3A_812, %get3A_813] {strides = array<i32>} : memref<2x8x2048xf32, #tpu.memory_space<vmem>>, vector<1x1x16xf32>,
        %get3A_815 = vector.shape_cast %get3A_814 : vector<1x1x16xf32> to vector<16xf32>
        %sub3A_816 = arith.subf %get3A_808, %get3A_815 : vector<16xf32>
        %jit3A_817 = arith.constant 0.000000e+00 : f32
        %broadcast_in_dim3A_818 = vector.broadcast %jit3A_817 : f32 to vector<16xf32>
        %select_n3A_819 = arith.select %ne3A_798, %sub3A_816, %broadcast_in_dim3A_818 : vector<16xi1>, vector<16xf32>
        %mul3A_820 = arith.mulf %select_n3A_819, %select_n3A_819 : vector<16xf32>
        %add3A_821 = arith.addf %add3A_792, %mul3A_820 : vector<16xf32>
        %get3A_822 = arith.constant 0 : i32
        %get3A_823 = arith.constant 4 : i32
        %get3A_824 = arith.index_cast %get3A_822 : i32 to index
        %get3A_825 = arith.index_cast %get3A_823 : i32 to index
        %get3A_826 = arith.index_cast %multiple_of3A_308 : i32 to index
        %get3A_827 = tpu.vector_load %arg9[%get3A_824, %get3A_825, %get3A_826] {strides = array<i32>} : memref<2x8x512xi32, #tpu.memory_space<vmem>>, vector<1x1x16xi32>,
        %get3A_828 = vector.shape_cast %get3A_827 : vector<1x1x16xi32> to vector<16xi32>
        %mul3A_829 = arith.constant 16843009 : i32
        %mul3A_830 = vector.broadcast %mul3A_829 : i32 to vector<16xi32>
        %mul3A_831 = arith.muli %get3A_828, %mul3A_830 : vector<16xi32>
        %shift_right_logical3A_832 = arith.constant 24 : i32
        %shift_right_logical3A_833 = vector.broadcast %shift_right_logical3A_832 : i32 to vector<16xi32>
        %shift_right_logical3A_834 = arith.shrui %mul3A_831, %shift_right_logical3A_833 : vector<16xi32>
        %add3A_835 = arith.addi %add3A_705, %shift_right_logical3A_834 : vector<16xi32>
        %and3A_836 = arith.constant 1 : i32
        %and3A_837 = vector.broadcast %and3A_836 : i32 to vector<16xi32>
        %and3A_838 = arith.andi %get3A_828, %and3A_837 : vector<16xi32>
        %ne3A_839 = arith.constant 0 : i32
        %ne3A_840 = vector.broadcast %ne3A_839 : i32 to vector<16xi32>
        %ne3A_841 = arith.cmpi ne, %and3A_838, %ne3A_840 : vector<16xi32>
        %add3A_842 = arith.constant 0 : i32
        %add3A_843 = arith.addi %multiple_of3A_308, %add3A_842 : i32
        %multiple_of3A_844 = tpu.assume_multiple %add3A_843, 16 : i32
        %get3A_845 = arith.constant 0 : i32
        %get3A_846 = arith.constant 4 : i32
        %get3A_847 = arith.index_cast %get3A_845 : i32 to index
        %get3A_848 = arith.index_cast %get3A_846 : i32 to index
        %get3A_849 = arith.index_cast %multiple_of3A_844 : i32 to index
        %get3A_850 = tpu.vector_load %arg8[%get3A_847, %get3A_848, %get3A_849] {strides = array<i32>} : memref<2x8x2048xf32, #tpu.memory_space<vmem>>, vector<1x1x16xf32>,
        %get3A_851 = vector.shape_cast %get3A_850 : vector<1x1x16xf32> to vector<16xf32>
        %get3A_852 = arith.constant 0 : i32
        %get3A_853 = arith.constant 4 : i32
        %get3A_854 = arith.index_cast %get3A_852 : i32 to index
        %get3A_855 = arith.index_cast %get3A_853 : i32 to index
        %get3A_856 = arith.index_cast %multiple_of3A_844 : i32 to index
        %get3A_857 = tpu.vector_load %arg7[%get3A_854, %get3A_855, %get3A_856] {strides = array<i32>} : memref<2x8x2048xf32, #tpu.memory_space<vmem>>, vector<1x1x16xf32>,
        %get3A_858 = vector.shape_cast %get3A_857 : vector<1x1x16xf32> to vector<16xf32>
        %sub3A_859 = arith.subf %get3A_851, %get3A_858 : vector<16xf32>
        %jit3A_860 = arith.constant 0.000000e+00 : f32
        %broadcast_in_dim3A_861 = vector.broadcast %jit3A_860 : f32 to vector<16xf32>
        %select_n3A_862 = arith.select %ne3A_841, %sub3A_859, %broadcast_in_dim3A_861 : vector<16xi1>, vector<16xf32>
        %mul3A_863 = arith.mulf %select_n3A_862, %select_n3A_862 : vector<16xf32>
        %add3A_864 = arith.addf %add3A_821, %mul3A_863 : vector<16xf32>
        %and3A_865 = arith.constant 256 : i32
        %and3A_866 = vector.broadcast %and3A_865 : i32 to vector<16xi32>
        %and3A_867 = arith.andi %get3A_828, %and3A_866 : vector<16xi32>
        %ne3A_868 = arith.constant 0 : i32
        %ne3A_869 = vector.broadcast %ne3A_868 : i32 to vector<16xi32>
        %ne3A_870 = arith.cmpi ne, %and3A_867, %ne3A_869 : vector<16xi32>
        %add3A_871 = arith.constant 512 : i32
        %add3A_872 = arith.addi %multiple_of3A_308, %add3A_871 : i32
        %multiple_of3A_873 = tpu.assume_multiple %add3A_872, 16 : i32
        %get3A_874 = arith.constant 0 : i32
        %get3A_875 = arith.constant 4 : i32
        %get3A_876 = arith.index_cast %get3A_874 : i32 to index
        %get3A_877 = arith.index_cast %get3A_875 : i32 to index
        %get3A_878 = arith.index_cast %multiple_of3A_873 : i32 to index
        %get3A_879 = tpu.vector_load %arg8[%get3A_876, %get3A_877, %get3A_878] {strides = array<i32>} : memref<2x8x2048xf32, #tpu.memory_space<vmem>>, vector<1x1x16xf32>,
        %get3A_880 = vector.shape_cast %get3A_879 : vector<1x1x16xf32> to vector<16xf32>
        %get3A_881 = arith.constant 0 : i32
        %get3A_882 = arith.constant 4 : i32
        %get3A_883 = arith.index_cast %get3A_881 : i32 to index
        %get3A_884 = arith.index_cast %get3A_882 : i32 to index
        %get3A_885 = arith.index_cast %multiple_of3A_873 : i32 to index
        %get3A_886 = tpu.vector_load %arg7[%get3A_883, %get3A_884, %get3A_885] {strides = array<i32>} : memref<2x8x2048xf32, #tpu.memory_space<vmem>>, vector<1x1x16xf32>,
        %get3A_887 = vector.shape_cast %get3A_886 : vector<1x1x16xf32> to vector<16xf32>
        %sub3A_888 = arith.subf %get3A_880, %get3A_887 : vector<16xf32>
        %jit3A_889 = arith.constant 0.000000e+00 : f32
        %broadcast_in_dim3A_890 = vector.broadcast %jit3A_889 : f32 to vector<16xf32>
        %select_n3A_891 = arith.select %ne3A_870, %sub3A_888, %broadcast_in_dim3A_890 : vector<16xi1>, vector<16xf32>
        %mul3A_892 = arith.mulf %select_n3A_891, %select_n3A_891 : vector<16xf32>
        %add3A_893 = arith.addf %add3A_864, %mul3A_892 : vector<16xf32>
        %and3A_894 = arith.constant 65536 : i32
        %and3A_895 = vector.broadcast %and3A_894 : i32 to vector<16xi32>
        %and3A_896 = arith.andi %get3A_828, %and3A_895 : vector<16xi32>
        %ne3A_897 = arith.constant 0 : i32
        %ne3A_898 = vector.broadcast %ne3A_897 : i32 to vector<16xi32>
        %ne3A_899 = arith.cmpi ne, %and3A_896, %ne3A_898 : vector<16xi32>
        %add3A_900 = arith.constant 1024 : i32
        %add3A_901 = arith.addi %multiple_of3A_308, %add3A_900 : i32
        %multiple_of3A_902 = tpu.assume_multiple %add3A_901, 16 : i32
        %get3A_903 = arith.constant 0 : i32
        %get3A_904 = arith.constant 4 : i32
        %get3A_905 = arith.index_cast %get3A_903 : i32 to index
        %get3A_906 = arith.index_cast %get3A_904 : i32 to index
        %get3A_907 = arith.index_cast %multiple_of3A_902 : i32 to index
        %get3A_908 = tpu.vector_load %arg8[%get3A_905, %get3A_906, %get3A_907] {strides = array<i32>} : memref<2x8x2048xf32, #tpu.memory_space<vmem>>, vector<1x1x16xf32>,
        %get3A_909 = vector.shape_cast %get3A_908 : vector<1x1x16xf32> to vector<16xf32>
        %get3A_910 = arith.constant 0 : i32
        %get3A_911 = arith.constant 4 : i32
        %get3A_912 = arith.index_cast %get3A_910 : i32 to index
        %get3A_913 = arith.index_cast %get3A_911 : i32 to index
        %get3A_914 = arith.index_cast %multiple_of3A_902 : i32 to index
        %get3A_915 = tpu.vector_load %arg7[%get3A_912, %get3A_913, %get3A_914] {strides = array<i32>} : memref<2x8x2048xf32, #tpu.memory_space<vmem>>, vector<1x1x16xf32>,
        %get3A_916 = vector.shape_cast %get3A_915 : vector<1x1x16xf32> to vector<16xf32>
        %sub3A_917 = arith.subf %get3A_909, %get3A_916 : vector<16xf32>
        %jit3A_918 = arith.constant 0.000000e+00 : f32
        %broadcast_in_dim3A_919 = vector.broadcast %jit3A_918 : f32 to vector<16xf32>
        %select_n3A_920 = arith.select %ne3A_899, %sub3A_917, %broadcast_in_dim3A_919 : vector<16xi1>, vector<16xf32>
        %mul3A_921 = arith.mulf %select_n3A_920, %select_n3A_920 : vector<16xf32>
        %add3A_922 = arith.addf %add3A_893, %mul3A_921 : vector<16xf32>
        %and3A_923 = arith.constant 16777216 : i32
        %and3A_924 = vector.broadcast %and3A_923 : i32 to vector<16xi32>
        %and3A_925 = arith.andi %get3A_828, %and3A_924 : vector<16xi32>
        %ne3A_926 = arith.constant 0 : i32
        %ne3A_927 = vector.broadcast %ne3A_926 : i32 to vector<16xi32>
        %ne3A_928 = arith.cmpi ne, %and3A_925, %ne3A_927 : vector<16xi32>
        %add3A_929 = arith.constant 1536 : i32
        %add3A_930 = arith.addi %multiple_of3A_308, %add3A_929 : i32
        %multiple_of3A_931 = tpu.assume_multiple %add3A_930, 16 : i32
        %get3A_932 = arith.constant 0 : i32
        %get3A_933 = arith.constant 4 : i32
        %get3A_934 = arith.index_cast %get3A_932 : i32 to index
        %get3A_935 = arith.index_cast %get3A_933 : i32 to index
        %get3A_936 = arith.index_cast %multiple_of3A_931 : i32 to index
        %get3A_937 = tpu.vector_load %arg8[%get3A_934, %get3A_935, %get3A_936] {strides = array<i32>} : memref<2x8x2048xf32, #tpu.memory_space<vmem>>, vector<1x1x16xf32>,
        %get3A_938 = vector.shape_cast %get3A_937 : vector<1x1x16xf32> to vector<16xf32>
        %get3A_939 = arith.constant 0 : i32
        %get3A_940 = arith.constant 4 : i32
        %get3A_941 = arith.index_cast %get3A_939 : i32 to index
        %get3A_942 = arith.index_cast %get3A_940 : i32 to index
        %get3A_943 = arith.index_cast %multiple_of3A_931 : i32 to index
        %get3A_944 = tpu.vector_load %arg7[%get3A_941, %get3A_942, %get3A_943] {strides = array<i32>} : memref<2x8x2048xf32, #tpu.memory_space<vmem>>, vector<1x1x16xf32>,
        %get3A_945 = vector.shape_cast %get3A_944 : vector<1x1x16xf32> to vector<16xf32>
        %sub3A_946 = arith.subf %get3A_938, %get3A_945 : vector<16xf32>
        %jit3A_947 = arith.constant 0.000000e+00 : f32
        %broadcast_in_dim3A_948 = vector.broadcast %jit3A_947 : f32 to vector<16xf32>
        %select_n3A_949 = arith.select %ne3A_928, %sub3A_946, %broadcast_in_dim3A_948 : vector<16xi1>, vector<16xf32>
        %mul3A_950 = arith.mulf %select_n3A_949, %select_n3A_949 : vector<16xf32>
        %add3A_951 = arith.addf %add3A_922, %mul3A_950 : vector<16xf32>
        %get3A_952 = arith.constant 0 : i32
        %get3A_953 = arith.constant 5 : i32
        %get3A_954 = arith.index_cast %get3A_952 : i32 to index
        %get3A_955 = arith.index_cast %get3A_953 : i32 to index
        %get3A_956 = arith.index_cast %multiple_of3A_308 : i32 to index
        %get3A_957 = tpu.vector_load %arg9[%get3A_954, %get3A_955, %get3A_956] {strides = array<i32>} : memref<2x8x512xi32, #tpu.memory_space<vmem>>, vector<1x1x16xi32>,
        %get3A_958 = vector.shape_cast %get3A_957 : vector<1x1x16xi32> to vector<16xi32>
        %mul3A_959 = arith.constant 16843009 : i32
        %mul3A_960 = vector.broadcast %mul3A_959 : i32 to vector<16xi32>
        %mul3A_961 = arith.muli %get3A_958, %mul3A_960 : vector<16xi32>
        %shift_right_logical3A_962 = arith.constant 24 : i32
        %shift_right_logical3A_963 = vector.broadcast %shift_right_logical3A_962 : i32 to vector<16xi32>
        %shift_right_logical3A_964 = arith.shrui %mul3A_961, %shift_right_logical3A_963 : vector<16xi32>
        %add3A_965 = arith.addi %add3A_835, %shift_right_logical3A_964 : vector<16xi32>
        %and3A_966 = arith.constant 1 : i32
        %and3A_967 = vector.broadcast %and3A_966 : i32 to vector<16xi32>
        %and3A_968 = arith.andi %get3A_958, %and3A_967 : vector<16xi32>
        %ne3A_969 = arith.constant 0 : i32
        %ne3A_970 = vector.broadcast %ne3A_969 : i32 to vector<16xi32>
        %ne3A_971 = arith.cmpi ne, %and3A_968, %ne3A_970 : vector<16xi32>
        %add3A_972 = arith.constant 0 : i32
        %add3A_973 = arith.addi %multiple_of3A_308, %add3A_972 : i32
        %multiple_of3A_974 = tpu.assume_multiple %add3A_973, 16 : i32
        %get3A_975 = arith.constant 0 : i32
        %get3A_976 = arith.constant 5 : i32
        %get3A_977 = arith.index_cast %get3A_975 : i32 to index
        %get3A_978 = arith.index_cast %get3A_976 : i32 to index
        %get3A_979 = arith.index_cast %multiple_of3A_974 : i32 to index
        %get3A_980 = tpu.vector_load %arg8[%get3A_977, %get3A_978, %get3A_979] {strides = array<i32>} : memref<2x8x2048xf32, #tpu.memory_space<vmem>>, vector<1x1x16xf32>,
        %get3A_981 = vector.shape_cast %get3A_980 : vector<1x1x16xf32> to vector<16xf32>
        %get3A_982 = arith.constant 0 : i32
        %get3A_983 = arith.constant 5 : i32
        %get3A_984 = arith.index_cast %get3A_982 : i32 to index
        %get3A_985 = arith.index_cast %get3A_983 : i32 to index
        %get3A_986 = arith.index_cast %multiple_of3A_974 : i32 to index
        %get3A_987 = tpu.vector_load %arg7[%get3A_984, %get3A_985, %get3A_986] {strides = array<i32>} : memref<2x8x2048xf32, #tpu.memory_space<vmem>>, vector<1x1x16xf32>,
        %get3A_988 = vector.shape_cast %get3A_987 : vector<1x1x16xf32> to vector<16xf32>
        %sub3A_989 = arith.subf %get3A_981, %get3A_988 : vector<16xf32>
        %jit3A_990 = arith.constant 0.000000e+00 : f32
        %broadcast_in_dim3A_991 = vector.broadcast %jit3A_990 : f32 to vector<16xf32>
        %select_n3A_992 = arith.select %ne3A_971, %sub3A_989, %broadcast_in_dim3A_991 : vector<16xi1>, vector<16xf32>
        %mul3A_993 = arith.mulf %select_n3A_992, %select_n3A_992 : vector<16xf32>
        %add3A_994 = arith.addf %add3A_951, %mul3A_993 : vector<16xf32>
        %and3A_995 = arith.constant 256 : i32
        %and3A_996 = vector.broadcast %and3A_995 : i32 to vector<16xi32>
        %and3A_997 = arith.andi %get3A_958, %and3A_996 : vector<16xi32>
        %ne3A_998 = arith.constant 0 : i32
        %ne3A_999 = vector.broadcast %ne3A_998 : i32 to vector<16xi32>
        %ne3A_1000 = arith.cmpi ne, %and3A_997, %ne3A_999 : vector<16xi32>
        %add3A_1001 = arith.constant 512 : i32
        %add3A_1002 = arith.addi %multiple_of3A_308, %add3A_1001 : i32
        %multiple_of3A_1003 = tpu.assume_multiple %add3A_1002, 16 : i32
        %get3A_1004 = arith.constant 0 : i32
        %get3A_1005 = arith.constant 5 : i32
        %get3A_1006 = arith.index_cast %get3A_1004 : i32 to index
        %get3A_1007 = arith.index_cast %get3A_1005 : i32 to index
        %get3A_1008 = arith.index_cast %multiple_of3A_1003 : i32 to index
        %get3A_1009 = tpu.vector_load %arg8[%get3A_1006, %get3A_1007, %get3A_1008] {strides = array<i32>} : memref<2x8x2048xf32, #tpu.memory_space<vmem>>, vector<1x1x16xf32>,
        %get3A_1010 = vector.shape_cast %get3A_1009 : vector<1x1x16xf32> to vector<16xf32>
        %get3A_1011 = arith.constant 0 : i32
        %get3A_1012 = arith.constant 5 : i32
        %get3A_1013 = arith.index_cast %get3A_1011 : i32 to index
        %get3A_1014 = arith.index_cast %get3A_1012 : i32 to index
        %get3A_1015 = arith.index_cast %multiple_of3A_1003 : i32 to index
        %get3A_1016 = tpu.vector_load %arg7[%get3A_1013, %get3A_1014, %get3A_1015] {strides = array<i32>} : memref<2x8x2048xf32, #tpu.memory_space<vmem>>, vector<1x1x16xf32>,
        %get3A_1017 = vector.shape_cast %get3A_1016 : vector<1x1x16xf32> to vector<16xf32>
        %sub3A_1018 = arith.subf %get3A_1010, %get3A_1017 : vector<16xf32>
        %jit3A_1019 = arith.constant 0.000000e+00 : f32
        %broadcast_in_dim3A_1020 = vector.broadcast %jit3A_1019 : f32 to vector<16xf32>
        %select_n3A_1021 = arith.select %ne3A_1000, %sub3A_1018, %broadcast_in_dim3A_1020 : vector<16xi1>, vector<16xf32>
        %mul3A_1022 = arith.mulf %select_n3A_1021, %select_n3A_1021 : vector<16xf32>
        %add3A_1023 = arith.addf %add3A_994, %mul3A_1022 : vector<16xf32>
        %and3A_1024 = arith.constant 65536 : i32
        %and3A_1025 = vector.broadcast %and3A_1024 : i32 to vector<16xi32>
        %and3A_1026 = arith.andi %get3A_958, %and3A_1025 : vector<16xi32>
        %ne3A_1027 = arith.constant 0 : i32
        %ne3A_1028 = vector.broadcast %ne3A_1027 : i32 to vector<16xi32>
        %ne3A_1029 = arith.cmpi ne, %and3A_1026, %ne3A_1028 : vector<16xi32>
        %add3A_1030 = arith.constant 1024 : i32
        %add3A_1031 = arith.addi %multiple_of3A_308, %add3A_1030 : i32
        %multiple_of3A_1032 = tpu.assume_multiple %add3A_1031, 16 : i32
        %get3A_1033 = arith.constant 0 : i32
        %get3A_1034 = arith.constant 5 : i32
        %get3A_1035 = arith.index_cast %get3A_1033 : i32 to index
        %get3A_1036 = arith.index_cast %get3A_1034 : i32 to index
        %get3A_1037 = arith.index_cast %multiple_of3A_1032 : i32 to index
        %get3A_1038 = tpu.vector_load %arg8[%get3A_1035, %get3A_1036, %get3A_1037] {strides = array<i32>} : memref<2x8x2048xf32, #tpu.memory_space<vmem>>, vector<1x1x16xf32>,
        %get3A_1039 = vector.shape_cast %get3A_1038 : vector<1x1x16xf32> to vector<16xf32>
        %get3A_1040 = arith.constant 0 : i32
        %get3A_1041 = arith.constant 5 : i32
        %get3A_1042 = arith.index_cast %get3A_1040 : i32 to index
        %get3A_1043 = arith.index_cast %get3A_1041 : i32 to index
        %get3A_1044 = arith.index_cast %multiple_of3A_1032 : i32 to index
        %get3A_1045 = tpu.vector_load %arg7[%get3A_1042, %get3A_1043, %get3A_1044] {strides = array<i32>} : memref<2x8x2048xf32, #tpu.memory_space<vmem>>, vector<1x1x16xf32>,
        %get3A_1046 = vector.shape_cast %get3A_1045 : vector<1x1x16xf32> to vector<16xf32>
        %sub3A_1047 = arith.subf %get3A_1039, %get3A_1046 : vector<16xf32>
        %jit3A_1048 = arith.constant 0.000000e+00 : f32
        %broadcast_in_dim3A_1049 = vector.broadcast %jit3A_1048 : f32 to vector<16xf32>
        %select_n3A_1050 = arith.select %ne3A_1029, %sub3A_1047, %broadcast_in_dim3A_1049 : vector<16xi1>, vector<16xf32>
        %mul3A_1051 = arith.mulf %select_n3A_1050, %select_n3A_1050 : vector<16xf32>
        %add3A_1052 = arith.addf %add3A_1023, %mul3A_1051 : vector<16xf32>
        %and3A_1053 = arith.constant 16777216 : i32
        %and3A_1054 = vector.broadcast %and3A_1053 : i32 to vector<16xi32>
        %and3A_1055 = arith.andi %get3A_958, %and3A_1054 : vector<16xi32>
        %ne3A_1056 = arith.constant 0 : i32
        %ne3A_1057 = vector.broadcast %ne3A_1056 : i32 to vector<16xi32>
        %ne3A_1058 = arith.cmpi ne, %and3A_1055, %ne3A_1057 : vector<16xi32>
        %add3A_1059 = arith.constant 1536 : i32
        %add3A_1060 = arith.addi %multiple_of3A_308, %add3A_1059 : i32
        %multiple_of3A_1061 = tpu.assume_multiple %add3A_1060, 16 : i32
        %get3A_1062 = arith.constant 0 : i32
        %get3A_1063 = arith.constant 5 : i32
        %get3A_1064 = arith.index_cast %get3A_1062 : i32 to index
        %get3A_1065 = arith.index_cast %get3A_1063 : i32 to index
        %get3A_1066 = arith.index_cast %multiple_of3A_1061 : i32 to index
        %get3A_1067 = tpu.vector_load %arg8[%get3A_1064, %get3A_1065, %get3A_1066] {strides = array<i32>} : memref<2x8x2048xf32, #tpu.memory_space<vmem>>, vector<1x1x16xf32>,
        %get3A_1068 = vector.shape_cast %get3A_1067 : vector<1x1x16xf32> to vector<16xf32>
        %get3A_1069 = arith.constant 0 : i32
        %get3A_1070 = arith.constant 5 : i32
        %get3A_1071 = arith.index_cast %get3A_1069 : i32 to index
        %get3A_1072 = arith.index_cast %get3A_1070 : i32 to index
        %get3A_1073 = arith.index_cast %multiple_of3A_1061 : i32 to index
        %get3A_1074 = tpu.vector_load %arg7[%get3A_1071, %get3A_1072, %get3A_1073] {strides = array<i32>} : memref<2x8x2048xf32, #tpu.memory_space<vmem>>, vector<1x1x16xf32>,
        %get3A_1075 = vector.shape_cast %get3A_1074 : vector<1x1x16xf32> to vector<16xf32>
        %sub3A_1076 = arith.subf %get3A_1068, %get3A_1075 : vector<16xf32>
        %jit3A_1077 = arith.constant 0.000000e+00 : f32
        %broadcast_in_dim3A_1078 = vector.broadcast %jit3A_1077 : f32 to vector<16xf32>
        %select_n3A_1079 = arith.select %ne3A_1058, %sub3A_1076, %broadcast_in_dim3A_1078 : vector<16xi1>, vector<16xf32>
        %mul3A_1080 = arith.mulf %select_n3A_1079, %select_n3A_1079 : vector<16xf32>
        %add3A_1081 = arith.addf %add3A_1052, %mul3A_1080 : vector<16xf32>
        %get3A_1082 = arith.constant 0 : i32
        %get3A_1083 = arith.constant 6 : i32
        %get3A_1084 = arith.index_cast %get3A_1082 : i32 to index
        %get3A_1085 = arith.index_cast %get3A_1083 : i32 to index
        %get3A_1086 = arith.index_cast %multiple_of3A_308 : i32 to index
        %get3A_1087 = tpu.vector_load %arg9[%get3A_1084, %get3A_1085, %get3A_1086] {strides = array<i32>} : memref<2x8x512xi32, #tpu.memory_space<vmem>>, vector<1x1x16xi32>,
        %get3A_1088 = vector.shape_cast %get3A_1087 : vector<1x1x16xi32> to vector<16xi32>
        %mul3A_1089 = arith.constant 16843009 : i32
        %mul3A_1090 = vector.broadcast %mul3A_1089 : i32 to vector<16xi32>
        %mul3A_1091 = arith.muli %get3A_1088, %mul3A_1090 : vector<16xi32>
        %shift_right_logical3A_1092 = arith.constant 24 : i32
        %shift_right_logical3A_1093 = vector.broadcast %shift_right_logical3A_1092 : i32 to vector<16xi32>
        %shift_right_logical3A_1094 = arith.shrui %mul3A_1091, %shift_right_logical3A_1093 : vector<16xi32>
        %add3A_1095 = arith.addi %add3A_965, %shift_right_logical3A_1094 : vector<16xi32>
        %and3A_1096 = arith.constant 1 : i32
        %and3A_1097 = vector.broadcast %and3A_1096 : i32 to vector<16xi32>
        %and3A_1098 = arith.andi %get3A_1088, %and3A_1097 : vector<16xi32>
        %ne3A_1099 = arith.constant 0 : i32
        %ne3A_1100 = vector.broadcast %ne3A_1099 : i32 to vector<16xi32>
        %ne3A_1101 = arith.cmpi ne, %and3A_1098, %ne3A_1100 : vector<16xi32>
        %add3A_1102 = arith.constant 0 : i32
        %add3A_1103 = arith.addi %multiple_of3A_308, %add3A_1102 : i32
        %multiple_of3A_1104 = tpu.assume_multiple %add3A_1103, 16 : i32
        %get3A_1105 = arith.constant 0 : i32
        %get3A_1106 = arith.constant 6 : i32
        %get3A_1107 = arith.index_cast %get3A_1105 : i32 to index
        %get3A_1108 = arith.index_cast %get3A_1106 : i32 to index
        %get3A_1109 = arith.index_cast %multiple_of3A_1104 : i32 to index
        %get3A_1110 = tpu.vector_load %arg8[%get3A_1107, %get3A_1108, %get3A_1109] {strides = array<i32>} : memref<2x8x2048xf32, #tpu.memory_space<vmem>>, vector<1x1x16xf32>,
        %get3A_1111 = vector.shape_cast %get3A_1110 : vector<1x1x16xf32> to vector<16xf32>
        %get3A_1112 = arith.constant 0 : i32
        %get3A_1113 = arith.constant 6 : i32
        %get3A_1114 = arith.index_cast %get3A_1112 : i32 to index
        %get3A_1115 = arith.index_cast %get3A_1113 : i32 to index
        %get3A_1116 = arith.index_cast %multiple_of3A_1104 : i32 to index
        %get3A_1117 = tpu.vector_load %arg7[%get3A_1114, %get3A_1115, %get3A_1116] {strides = array<i32>} : memref<2x8x2048xf32, #tpu.memory_space<vmem>>, vector<1x1x16xf32>,
        %get3A_1118 = vector.shape_cast %get3A_1117 : vector<1x1x16xf32> to vector<16xf32>
        %sub3A_1119 = arith.subf %get3A_1111, %get3A_1118 : vector<16xf32>
        %jit3A_1120 = arith.constant 0.000000e+00 : f32
        %broadcast_in_dim3A_1121 = vector.broadcast %jit3A_1120 : f32 to vector<16xf32>
        %select_n3A_1122 = arith.select %ne3A_1101, %sub3A_1119, %broadcast_in_dim3A_1121 : vector<16xi1>, vector<16xf32>
        %mul3A_1123 = arith.mulf %select_n3A_1122, %select_n3A_1122 : vector<16xf32>
        %add3A_1124 = arith.addf %add3A_1081, %mul3A_1123 : vector<16xf32>
        %and3A_1125 = arith.constant 256 : i32
        %and3A_1126 = vector.broadcast %and3A_1125 : i32 to vector<16xi32>
        %and3A_1127 = arith.andi %get3A_1088, %and3A_1126 : vector<16xi32>
        %ne3A_1128 = arith.constant 0 : i32
        %ne3A_1129 = vector.broadcast %ne3A_1128 : i32 to vector<16xi32>
        %ne3A_1130 = arith.cmpi ne, %and3A_1127, %ne3A_1129 : vector<16xi32>
        %add3A_1131 = arith.constant 512 : i32
        %add3A_1132 = arith.addi %multiple_of3A_308, %add3A_1131 : i32
        %multiple_of3A_1133 = tpu.assume_multiple %add3A_1132, 16 : i32
        %get3A_1134 = arith.constant 0 : i32
        %get3A_1135 = arith.constant 6 : i32
        %get3A_1136 = arith.index_cast %get3A_1134 : i32 to index
        %get3A_1137 = arith.index_cast %get3A_1135 : i32 to index
        %get3A_1138 = arith.index_cast %multiple_of3A_1133 : i32 to index
        %get3A_1139 = tpu.vector_load %arg8[%get3A_1136, %get3A_1137, %get3A_1138] {strides = array<i32>} : memref<2x8x2048xf32, #tpu.memory_space<vmem>>, vector<1x1x16xf32>,
        %get3A_1140 = vector.shape_cast %get3A_1139 : vector<1x1x16xf32> to vector<16xf32>
        %get3A_1141 = arith.constant 0 : i32
        %get3A_1142 = arith.constant 6 : i32
        %get3A_1143 = arith.index_cast %get3A_1141 : i32 to index
        %get3A_1144 = arith.index_cast %get3A_1142 : i32 to index
        %get3A_1145 = arith.index_cast %multiple_of3A_1133 : i32 to index
        %get3A_1146 = tpu.vector_load %arg7[%get3A_1143, %get3A_1144, %get3A_1145] {strides = array<i32>} : memref<2x8x2048xf32, #tpu.memory_space<vmem>>, vector<1x1x16xf32>,
        %get3A_1147 = vector.shape_cast %get3A_1146 : vector<1x1x16xf32> to vector<16xf32>
        %sub3A_1148 = arith.subf %get3A_1140, %get3A_1147 : vector<16xf32>
        %jit3A_1149 = arith.constant 0.000000e+00 : f32
        %broadcast_in_dim3A_1150 = vector.broadcast %jit3A_1149 : f32 to vector<16xf32>
        %select_n3A_1151 = arith.select %ne3A_1130, %sub3A_1148, %broadcast_in_dim3A_1150 : vector<16xi1>, vector<16xf32>
        %mul3A_1152 = arith.mulf %select_n3A_1151, %select_n3A_1151 : vector<16xf32>
        %add3A_1153 = arith.addf %add3A_1124, %mul3A_1152 : vector<16xf32>
        %and3A_1154 = arith.constant 65536 : i32
        %and3A_1155 = vector.broadcast %and3A_1154 : i32 to vector<16xi32>
        %and3A_1156 = arith.andi %get3A_1088, %and3A_1155 : vector<16xi32>
        %ne3A_1157 = arith.constant 0 : i32
        %ne3A_1158 = vector.broadcast %ne3A_1157 : i32 to vector<16xi32>
        %ne3A_1159 = arith.cmpi ne, %and3A_1156, %ne3A_1158 : vector<16xi32>
        %add3A_1160 = arith.constant 1024 : i32
        %add3A_1161 = arith.addi %multiple_of3A_308, %add3A_1160 : i32
        %multiple_of3A_1162 = tpu.assume_multiple %add3A_1161, 16 : i32
        %get3A_1163 = arith.constant 0 : i32
        %get3A_1164 = arith.constant 6 : i32
        %get3A_1165 = arith.index_cast %get3A_1163 : i32 to index
        %get3A_1166 = arith.index_cast %get3A_1164 : i32 to index
        %get3A_1167 = arith.index_cast %multiple_of3A_1162 : i32 to index
        %get3A_1168 = tpu.vector_load %arg8[%get3A_1165, %get3A_1166, %get3A_1167] {strides = array<i32>} : memref<2x8x2048xf32, #tpu.memory_space<vmem>>, vector<1x1x16xf32>,
        %get3A_1169 = vector.shape_cast %get3A_1168 : vector<1x1x16xf32> to vector<16xf32>
        %get3A_1170 = arith.constant 0 : i32
        %get3A_1171 = arith.constant 6 : i32
        %get3A_1172 = arith.index_cast %get3A_1170 : i32 to index
        %get3A_1173 = arith.index_cast %get3A_1171 : i32 to index
        %get3A_1174 = arith.index_cast %multiple_of3A_1162 : i32 to index
        %get3A_1175 = tpu.vector_load %arg7[%get3A_1172, %get3A_1173, %get3A_1174] {strides = array<i32>} : memref<2x8x2048xf32, #tpu.memory_space<vmem>>, vector<1x1x16xf32>,
        %get3A_1176 = vector.shape_cast %get3A_1175 : vector<1x1x16xf32> to vector<16xf32>
        %sub3A_1177 = arith.subf %get3A_1169, %get3A_1176 : vector<16xf32>
        %jit3A_1178 = arith.constant 0.000000e+00 : f32
        %broadcast_in_dim3A_1179 = vector.broadcast %jit3A_1178 : f32 to vector<16xf32>
        %select_n3A_1180 = arith.select %ne3A_1159, %sub3A_1177, %broadcast_in_dim3A_1179 : vector<16xi1>, vector<16xf32>
        %mul3A_1181 = arith.mulf %select_n3A_1180, %select_n3A_1180 : vector<16xf32>
        %add3A_1182 = arith.addf %add3A_1153, %mul3A_1181 : vector<16xf32>
        %and3A_1183 = arith.constant 16777216 : i32
        %and3A_1184 = vector.broadcast %and3A_1183 : i32 to vector<16xi32>
        %and3A_1185 = arith.andi %get3A_1088, %and3A_1184 : vector<16xi32>
        %ne3A_1186 = arith.constant 0 : i32
        %ne3A_1187 = vector.broadcast %ne3A_1186 : i32 to vector<16xi32>
        %ne3A_1188 = arith.cmpi ne, %and3A_1185, %ne3A_1187 : vector<16xi32>
        %add3A_1189 = arith.constant 1536 : i32
        %add3A_1190 = arith.addi %multiple_of3A_308, %add3A_1189 : i32
        %multiple_of3A_1191 = tpu.assume_multiple %add3A_1190, 16 : i32
        %get3A_1192 = arith.constant 0 : i32
        %get3A_1193 = arith.constant 6 : i32
        %get3A_1194 = arith.index_cast %get3A_1192 : i32 to index
        %get3A_1195 = arith.index_cast %get3A_1193 : i32 to index
        %get3A_1196 = arith.index_cast %multiple_of3A_1191 : i32 to index
        %get3A_1197 = tpu.vector_load %arg8[%get3A_1194, %get3A_1195, %get3A_1196] {strides = array<i32>} : memref<2x8x2048xf32, #tpu.memory_space<vmem>>, vector<1x1x16xf32>,
        %get3A_1198 = vector.shape_cast %get3A_1197 : vector<1x1x16xf32> to vector<16xf32>
        %get3A_1199 = arith.constant 0 : i32
        %get3A_1200 = arith.constant 6 : i32
        %get3A_1201 = arith.index_cast %get3A_1199 : i32 to index
        %get3A_1202 = arith.index_cast %get3A_1200 : i32 to index
        %get3A_1203 = arith.index_cast %multiple_of3A_1191 : i32 to index
        %get3A_1204 = tpu.vector_load %arg7[%get3A_1201, %get3A_1202, %get3A_1203] {strides = array<i32>} : memref<2x8x2048xf32, #tpu.memory_space<vmem>>, vector<1x1x16xf32>,
        %get3A_1205 = vector.shape_cast %get3A_1204 : vector<1x1x16xf32> to vector<16xf32>
        %sub3A_1206 = arith.subf %get3A_1198, %get3A_1205 : vector<16xf32>
        %jit3A_1207 = arith.constant 0.000000e+00 : f32
        %broadcast_in_dim3A_1208 = vector.broadcast %jit3A_1207 : f32 to vector<16xf32>
        %select_n3A_1209 = arith.select %ne3A_1188, %sub3A_1206, %broadcast_in_dim3A_1208 : vector<16xi1>, vector<16xf32>
        %mul3A_1210 = arith.mulf %select_n3A_1209, %select_n3A_1209 : vector<16xf32>
        %add3A_1211 = arith.addf %add3A_1182, %mul3A_1210 : vector<16xf32>
        %get3A_1212 = arith.constant 0 : i32
        %get3A_1213 = arith.constant 7 : i32
        %get3A_1214 = arith.index_cast %get3A_1212 : i32 to index
        %get3A_1215 = arith.index_cast %get3A_1213 : i32 to index
        %get3A_1216 = arith.index_cast %multiple_of3A_308 : i32 to index
        %get3A_1217 = tpu.vector_load %arg9[%get3A_1214, %get3A_1215, %get3A_1216] {strides = array<i32>} : memref<2x8x512xi32, #tpu.memory_space<vmem>>, vector<1x1x16xi32>,
        %get3A_1218 = vector.shape_cast %get3A_1217 : vector<1x1x16xi32> to vector<16xi32>
        %mul3A_1219 = arith.constant 16843009 : i32
        %mul3A_1220 = vector.broadcast %mul3A_1219 : i32 to vector<16xi32>
        %mul3A_1221 = arith.muli %get3A_1218, %mul3A_1220 : vector<16xi32>
        %shift_right_logical3A_1222 = arith.constant 24 : i32
        %shift_right_logical3A_1223 = vector.broadcast %shift_right_logical3A_1222 : i32 to vector<16xi32>
        %shift_right_logical3A_1224 = arith.shrui %mul3A_1221, %shift_right_logical3A_1223 : vector<16xi32>
        %add3A_1225 = arith.addi %add3A_1095, %shift_right_logical3A_1224 : vector<16xi32>
        %and3A_1226 = arith.constant 1 : i32
        %and3A_1227 = vector.broadcast %and3A_1226 : i32 to vector<16xi32>
        %and3A_1228 = arith.andi %get3A_1218, %and3A_1227 : vector<16xi32>
        %ne3A_1229 = arith.constant 0 : i32
        %ne3A_1230 = vector.broadcast %ne3A_1229 : i32 to vector<16xi32>
        %ne3A_1231 = arith.cmpi ne, %and3A_1228, %ne3A_1230 : vector<16xi32>
        %add3A_1232 = arith.constant 0 : i32
        %add3A_1233 = arith.addi %multiple_of3A_308, %add3A_1232 : i32
        %multiple_of3A_1234 = tpu.assume_multiple %add3A_1233, 16 : i32
        %get3A_1235 = arith.constant 0 : i32
        %get3A_1236 = arith.constant 7 : i32
        %get3A_1237 = arith.index_cast %get3A_1235 : i32 to index
        %get3A_1238 = arith.index_cast %get3A_1236 : i32 to index
        %get3A_1239 = arith.index_cast %multiple_of3A_1234 : i32 to index
        %get3A_1240 = tpu.vector_load %arg8[%get3A_1237, %get3A_1238, %get3A_1239] {strides = array<i32>} : memref<2x8x2048xf32, #tpu.memory_space<vmem>>, vector<1x1x16xf32>,
        %get3A_1241 = vector.shape_cast %get3A_1240 : vector<1x1x16xf32> to vector<16xf32>
        %get3A_1242 = arith.constant 0 : i32
        %get3A_1243 = arith.constant 7 : i32
        %get3A_1244 = arith.index_cast %get3A_1242 : i32 to index
        %get3A_1245 = arith.index_cast %get3A_1243 : i32 to index
        %get3A_1246 = arith.index_cast %multiple_of3A_1234 : i32 to index
        %get3A_1247 = tpu.vector_load %arg7[%get3A_1244, %get3A_1245, %get3A_1246] {strides = array<i32>} : memref<2x8x2048xf32, #tpu.memory_space<vmem>>, vector<1x1x16xf32>,
        %get3A_1248 = vector.shape_cast %get3A_1247 : vector<1x1x16xf32> to vector<16xf32>
        %sub3A_1249 = arith.subf %get3A_1241, %get3A_1248 : vector<16xf32>
        %jit3A_1250 = arith.constant 0.000000e+00 : f32
        %broadcast_in_dim3A_1251 = vector.broadcast %jit3A_1250 : f32 to vector<16xf32>
        %select_n3A_1252 = arith.select %ne3A_1231, %sub3A_1249, %broadcast_in_dim3A_1251 : vector<16xi1>, vector<16xf32>
        %mul3A_1253 = arith.mulf %select_n3A_1252, %select_n3A_1252 : vector<16xf32>
        %add3A_1254 = arith.addf %add3A_1211, %mul3A_1253 : vector<16xf32>
        %and3A_1255 = arith.constant 256 : i32
        %and3A_1256 = vector.broadcast %and3A_1255 : i32 to vector<16xi32>
        %and3A_1257 = arith.andi %get3A_1218, %and3A_1256 : vector<16xi32>
        %ne3A_1258 = arith.constant 0 : i32
        %ne3A_1259 = vector.broadcast %ne3A_1258 : i32 to vector<16xi32>
        %ne3A_1260 = arith.cmpi ne, %and3A_1257, %ne3A_1259 : vector<16xi32>
        %add3A_1261 = arith.constant 512 : i32
        %add3A_1262 = arith.addi %multiple_of3A_308, %add3A_1261 : i32
        %multiple_of3A_1263 = tpu.assume_multiple %add3A_1262, 16 : i32
        %get3A_1264 = arith.constant 0 : i32
        %get3A_1265 = arith.constant 7 : i32
        %get3A_1266 = arith.index_cast %get3A_1264 : i32 to index
        %get3A_1267 = arith.index_cast %get3A_1265 : i32 to index
        %get3A_1268 = arith.index_cast %multiple_of3A_1263 : i32 to index
        %get3A_1269 = tpu.vector_load %arg8[%get3A_1266, %get3A_1267, %get3A_1268] {strides = array<i32>} : memref<2x8x2048xf32, #tpu.memory_space<vmem>>, vector<1x1x16xf32>,
        %get3A_1270 = vector.shape_cast %get3A_1269 : vector<1x1x16xf32> to vector<16xf32>
        %get3A_1271 = arith.constant 0 : i32
        %get3A_1272 = arith.constant 7 : i32
        %get3A_1273 = arith.index_cast %get3A_1271 : i32 to index
        %get3A_1274 = arith.index_cast %get3A_1272 : i32 to index
        %get3A_1275 = arith.index_cast %multiple_of3A_1263 : i32 to index
        %get3A_1276 = tpu.vector_load %arg7[%get3A_1273, %get3A_1274, %get3A_1275] {strides = array<i32>} : memref<2x8x2048xf32, #tpu.memory_space<vmem>>, vector<1x1x16xf32>,
        %get3A_1277 = vector.shape_cast %get3A_1276 : vector<1x1x16xf32> to vector<16xf32>
        %sub3A_1278 = arith.subf %get3A_1270, %get3A_1277 : vector<16xf32>
        %jit3A_1279 = arith.constant 0.000000e+00 : f32
        %broadcast_in_dim3A_1280 = vector.broadcast %jit3A_1279 : f32 to vector<16xf32>
        %select_n3A_1281 = arith.select %ne3A_1260, %sub3A_1278, %broadcast_in_dim3A_1280 : vector<16xi1>, vector<16xf32>
        %mul3A_1282 = arith.mulf %select_n3A_1281, %select_n3A_1281 : vector<16xf32>
        %add3A_1283 = arith.addf %add3A_1254, %mul3A_1282 : vector<16xf32>
        %and3A_1284 = arith.constant 65536 : i32
        %and3A_1285 = vector.broadcast %and3A_1284 : i32 to vector<16xi32>
        %and3A_1286 = arith.andi %get3A_1218, %and3A_1285 : vector<16xi32>
        %ne3A_1287 = arith.constant 0 : i32
        %ne3A_1288 = vector.broadcast %ne3A_1287 : i32 to vector<16xi32>
        %ne3A_1289 = arith.cmpi ne, %and3A_1286, %ne3A_1288 : vector<16xi32>
        %add3A_1290 = arith.constant 1024 : i32
        %add3A_1291 = arith.addi %multiple_of3A_308, %add3A_1290 : i32
        %multiple_of3A_1292 = tpu.assume_multiple %add3A_1291, 16 : i32
        %get3A_1293 = arith.constant 0 : i32
        %get3A_1294 = arith.constant 7 : i32
        %get3A_1295 = arith.index_cast %get3A_1293 : i32 to index
        %get3A_1296 = arith.index_cast %get3A_1294 : i32 to index
        %get3A_1297 = arith.index_cast %multiple_of3A_1292 : i32 to index
        %get3A_1298 = tpu.vector_load %arg8[%get3A_1295, %get3A_1296, %get3A_1297] {strides = array<i32>} : memref<2x8x2048xf32, #tpu.memory_space<vmem>>, vector<1x1x16xf32>,
        %get3A_1299 = vector.shape_cast %get3A_1298 : vector<1x1x16xf32> to vector<16xf32>
        %get3A_1300 = arith.constant 0 : i32
        %get3A_1301 = arith.constant 7 : i32
        %get3A_1302 = arith.index_cast %get3A_1300 : i32 to index
        %get3A_1303 = arith.index_cast %get3A_1301 : i32 to index
        %get3A_1304 = arith.index_cast %multiple_of3A_1292 : i32 to index
        %get3A_1305 = tpu.vector_load %arg7[%get3A_1302, %get3A_1303, %get3A_1304] {strides = array<i32>} : memref<2x8x2048xf32, #tpu.memory_space<vmem>>, vector<1x1x16xf32>,
        %get3A_1306 = vector.shape_cast %get3A_1305 : vector<1x1x16xf32> to vector<16xf32>
        %sub3A_1307 = arith.subf %get3A_1299, %get3A_1306 : vector<16xf32>
        %jit3A_1308 = arith.constant 0.000000e+00 : f32
        %broadcast_in_dim3A_1309 = vector.broadcast %jit3A_1308 : f32 to vector<16xf32>
        %select_n3A_1310 = arith.select %ne3A_1289, %sub3A_1307, %broadcast_in_dim3A_1309 : vector<16xi1>, vector<16xf32>
        %mul3A_1311 = arith.mulf %select_n3A_1310, %select_n3A_1310 : vector<16xf32>
        %add3A_1312 = arith.addf %add3A_1283, %mul3A_1311 : vector<16xf32>
        %and3A_1313 = arith.constant 16777216 : i32
        %and3A_1314 = vector.broadcast %and3A_1313 : i32 to vector<16xi32>
        %and3A_1315 = arith.andi %get3A_1218, %and3A_1314 : vector<16xi32>
        %ne3A_1316 = arith.constant 0 : i32
        %ne3A_1317 = vector.broadcast %ne3A_1316 : i32 to vector<16xi32>
        %ne3A_1318 = arith.cmpi ne, %and3A_1315, %ne3A_1317 : vector<16xi32>
        %add3A_1319 = arith.constant 1536 : i32
        %add3A_1320 = arith.addi %multiple_of3A_308, %add3A_1319 : i32
        %multiple_of3A_1321 = tpu.assume_multiple %add3A_1320, 16 : i32
        %get3A_1322 = arith.constant 0 : i32
        %get3A_1323 = arith.constant 7 : i32
        %get3A_1324 = arith.index_cast %get3A_1322 : i32 to index
        %get3A_1325 = arith.index_cast %get3A_1323 : i32 to index
        %get3A_1326 = arith.index_cast %multiple_of3A_1321 : i32 to index
        %get3A_1327 = tpu.vector_load %arg8[%get3A_1324, %get3A_1325, %get3A_1326] {strides = array<i32>} : memref<2x8x2048xf32, #tpu.memory_space<vmem>>, vector<1x1x16xf32>,
        %get3A_1328 = vector.shape_cast %get3A_1327 : vector<1x1x16xf32> to vector<16xf32>
        %get3A_1329 = arith.constant 0 : i32
        %get3A_1330 = arith.constant 7 : i32
        %get3A_1331 = arith.index_cast %get3A_1329 : i32 to index
        %get3A_1332 = arith.index_cast %get3A_1330 : i32 to index
        %get3A_1333 = arith.index_cast %multiple_of3A_1321 : i32 to index
        %get3A_1334 = tpu.vector_load %arg7[%get3A_1331, %get3A_1332, %get3A_1333] {strides = array<i32>} : memref<2x8x2048xf32, #tpu.memory_space<vmem>>, vector<1x1x16xf32>,
        %get3A_1335 = vector.shape_cast %get3A_1334 : vector<1x1x16xf32> to vector<16xf32>
        %sub3A_1336 = arith.subf %get3A_1328, %get3A_1335 : vector<16xf32>
        %jit3A_1337 = arith.constant 0.000000e+00 : f32
        %broadcast_in_dim3A_1338 = vector.broadcast %jit3A_1337 : f32 to vector<16xf32>
        %select_n3A_1339 = arith.select %ne3A_1318, %sub3A_1336, %broadcast_in_dim3A_1338 : vector<16xi1>, vector<16xf32>
        %mul3A_1340 = arith.mulf %select_n3A_1339, %select_n3A_1339 : vector<16xf32>
        %add3A_1341 = arith.addf %add3A_1312, %mul3A_1340 : vector<16xf32>
        scf.yield %add3A_1341, %add3A_1225 : vector<16xf32>, vector<16xi32>
      }
      %scan3A_205 = arith.constant 32 : i32
      %mul3A_206 = arith.constant 2 : i32
      %mul3A_207 = arith.muli %mul3A_206, %scan3A_107 : i32
      %add3A_208 = arith.constant 2 : i32
      %add3A_209 = arith.addi %mul3A_207, %add3A_208 : i32
      %min3A = arith.constant 23 : i32
      %min3A_210 = arith.minsi %add3A_209, %min3A : i32
      %mul3A_211 = arith.constant 8 : i32
      %mul3A_212 = arith.muli %min3A_210, %mul3A_211 : i32
      %add3A_213 = arith.addi %add3A_4, %mul3A_212 : i32
      %multiple_of3A_214 = tpu.assume_multiple %add3A_213, 8 : i32
      %mul3A_215 = arith.constant 8 : i32
      %mul3A_216 = arith.muli %min3A_210, %mul3A_215 : i32
      %add3A_217 = arith.addi %mul3A_6, %mul3A_216 : i32
      %multiple_of3A_218 = tpu.assume_multiple %add3A_217, 8 : i32
      %dma_start3A_219 = arith.constant 0 : i32
      %dma_start3A_220 = arith.constant 0 : i32
      %dma_start3A_221 = arith.constant 0 : i32
      %dma_start3A_222 = tpu.memref_slice %arg7[%dma_start3A_219, %dma_start3A_220, %dma_start3A_221] : memref<2x8x2048xf32, #tpu.memory_space<vmem>> -> memref<1x8x2048xf32, #tpu.memory_space<vmem>>
      %dma_start3A_223 = tpu.memref_squeeze %dma_start3A_222 : memref<1x8x2048xf32, #tpu.memory_space<vmem>> -> memref<8x2048xf32, #tpu.memory_space<vmem>>
      %dma_start3A_224 = arith.constant 0 : i32
      %dma_start3A_225 = tpu.memref_slice %arg2[%multiple_of3A_214, %dma_start3A_224] : memref<16384x2048xf32, #tpu.memory_space<hbm>> -> memref<8x2048xf32, #tpu.memory_space<hbm>>
      %dma_start3A_226 = arith.constant 0 : i32
      %dma_start3A_227 = arith.constant 0 : i32
      %dma_start3A_228 = tpu.memref_slice %arg7[%dma_start3A_219, %dma_start3A_226, %dma_start3A_227] : memref<2x8x2048xf32, #tpu.memory_space<vmem>> -> memref<1x8x2048xf32, #tpu.memory_space<vmem>>
      %dma_start3A_229 = tpu.memref_squeeze %dma_start3A_228 : memref<1x8x2048xf32, #tpu.memory_space<vmem>> -> memref<8x2048xf32, #tpu.memory_space<vmem>>
      %dma_start3A_230 = arith.constant 0 : i32
      %dma_start3A_231 = tpu.memref_slice %arg2[%multiple_of3A_214, %dma_start3A_230] : memref<16384x2048xf32, #tpu.memory_space<hbm>> -> memref<8x2048xf32, #tpu.memory_space<hbm>>
      tpu.enqueue_dma source(%dma_start3A_231 : memref<8x2048xf32, #tpu.memory_space<hbm>>) target(%dma_start3A_229 : memref<8x2048xf32, #tpu.memory_space<vmem>>) target_semaphore(%arg12 : memref<!tpu.dma_semaphore, #tpu.memory_space<semaphore_mem>>)
      %dma_start3A_232 = arith.constant 0 : i32
      %dma_start3A_233 = arith.constant 0 : i32
      %dma_start3A_234 = arith.constant 0 : i32
      %dma_start3A_235 = tpu.memref_slice %arg8[%dma_start3A_232, %dma_start3A_233, %dma_start3A_234] : memref<2x8x2048xf32, #tpu.memory_space<vmem>> -> memref<1x8x2048xf32, #tpu.memory_space<vmem>>
      %dma_start3A_236 = tpu.memref_squeeze %dma_start3A_235 : memref<1x8x2048xf32, #tpu.memory_space<vmem>> -> memref<8x2048xf32, #tpu.memory_space<vmem>>
      %dma_start3A_237 = arith.constant 0 : i32
      %dma_start3A_238 = tpu.memref_slice %arg3[%multiple_of3A_214, %dma_start3A_237] : memref<16384x2048xf32, #tpu.memory_space<hbm>> -> memref<8x2048xf32, #tpu.memory_space<hbm>>
      %dma_start3A_239 = arith.constant 0 : i32
      %dma_start3A_240 = arith.constant 0 : i32
      %dma_start3A_241 = tpu.memref_slice %arg8[%dma_start3A_232, %dma_start3A_239, %dma_start3A_240] : memref<2x8x2048xf32, #tpu.memory_space<vmem>> -> memref<1x8x2048xf32, #tpu.memory_space<vmem>>
      %dma_start3A_242 = tpu.memref_squeeze %dma_start3A_241 : memref<1x8x2048xf32, #tpu.memory_space<vmem>> -> memref<8x2048xf32, #tpu.memory_space<vmem>>
      %dma_start3A_243 = arith.constant 0 : i32
      %dma_start3A_244 = tpu.memref_slice %arg3[%multiple_of3A_214, %dma_start3A_243] : memref<16384x2048xf32, #tpu.memory_space<hbm>> -> memref<8x2048xf32, #tpu.memory_space<hbm>>
      tpu.enqueue_dma source(%dma_start3A_244 : memref<8x2048xf32, #tpu.memory_space<hbm>>) target(%dma_start3A_242 : memref<8x2048xf32, #tpu.memory_space<vmem>>) target_semaphore(%arg14 : memref<!tpu.dma_semaphore, #tpu.memory_space<semaphore_mem>>)
      %dma_start3A_245 = arith.constant 0 : i32
      %dma_start3A_246 = arith.constant 0 : i32
      %dma_start3A_247 = arith.constant 0 : i32
      %dma_start3A_248 = tpu.memref_slice %arg9[%dma_start3A_245, %dma_start3A_246, %dma_start3A_247] : memref<2x8x512xi32, #tpu.memory_space<vmem>> -> memref<1x8x512xi32, #tpu.memory_space<vmem>>
      %dma_start3A_249 = tpu.memref_squeeze %dma_start3A_248 : memref<1x8x512xi32, #tpu.memory_space<vmem>> -> memref<8x512xi32, #tpu.memory_space<vmem>>
      %dma_start3A_250 = arith.constant 0 : i32
      %dma_start3A_251 = tpu.memref_slice %arg4[%multiple_of3A_218, %dma_start3A_250] : memref<6144x512xi32, #tpu.memory_space<hbm>> -> memref<8x512xi32, #tpu.memory_space<hbm>>
      %dma_start3A_252 = arith.constant 0 : i32
      %dma_start3A_253 = arith.constant 0 : i32
      %dma_start3A_254 = tpu.memref_slice %arg9[%dma_start3A_245, %dma_start3A_252, %dma_start3A_253] : memref<2x8x512xi32, #tpu.memory_space<vmem>> -> memref<1x8x512xi32, #tpu.memory_space<vmem>>
      %dma_start3A_255 = tpu.memref_squeeze %dma_start3A_254 : memref<1x8x512xi32, #tpu.memory_space<vmem>> -> memref<8x512xi32, #tpu.memory_space<vmem>>
      %dma_start3A_256 = arith.constant 0 : i32
      %dma_start3A_257 = tpu.memref_slice %arg4[%multiple_of3A_218, %dma_start3A_256] : memref<6144x512xi32, #tpu.memory_space<hbm>> -> memref<8x512xi32, #tpu.memory_space<hbm>>
      tpu.enqueue_dma source(%dma_start3A_257 : memref<8x512xi32, #tpu.memory_space<hbm>>) target(%dma_start3A_255 : memref<8x512xi32, #tpu.memory_space<vmem>>) target_semaphore(%arg16 : memref<!tpu.dma_semaphore, #tpu.memory_space<semaphore_mem>>)
      %dma_wait3A_258 = arith.constant 1 : i32
      %dma_wait3A_259 = arith.constant 0 : i32
      %dma_wait3A_260 = arith.constant 0 : i32
      %dma_wait3A_261 = tpu.memref_slice %arg7[%dma_wait3A_258, %dma_wait3A_259, %dma_wait3A_260] : memref<2x8x2048xf32, #tpu.memory_space<vmem>> -> memref<1x8x2048xf32, #tpu.memory_space<vmem>>
      %dma_wait3A_262 = tpu.memref_squeeze %dma_wait3A_261 : memref<1x8x2048xf32, #tpu.memory_space<vmem>> -> memref<8x2048xf32, #tpu.memory_space<vmem>>
      %dma_wait3A_263 = arith.constant 0 : i32
      %dma_wait3A_264 = tpu.memref_slice %arg2[%add3A_4, %dma_wait3A_263] : memref<16384x2048xf32, #tpu.memory_space<hbm>> -> memref<8x2048xf32, #tpu.memory_space<hbm>>
      %dma_wait3A_265 = arith.constant 0 : i32
      %dma_wait3A_266 = arith.constant 0 : i32
      %dma_wait3A_267 = tpu.memref_slice %arg7[%dma_wait3A_258, %dma_wait3A_265, %dma_wait3A_266] : memref<2x8x2048xf32, #tpu.memory_space<vmem>> -> memref<1x8x2048xf32, #tpu.memory_space<vmem>>
      %dma_wait3A_268 = tpu.memref_squeeze %dma_wait3A_267 : memref<1x8x2048xf32, #tpu.memory_space<vmem>> -> memref<8x2048xf32, #tpu.memory_space<vmem>>
      %dma_wait3A_269 = arith.constant 0 : i32
      %dma_wait3A_270 = tpu.memref_slice %arg2[%add3A_4, %dma_wait3A_269] : memref<16384x2048xf32, #tpu.memory_space<hbm>> -> memref<8x2048xf32, #tpu.memory_space<hbm>>
      tpu.wait_dma2 semaphore(%arg13 : memref<!tpu.dma_semaphore, #tpu.memory_space<semaphore_mem>>) src(%dma_wait3A_270 : memref<8x2048xf32, #tpu.memory_space<hbm>>) dst(%dma_wait3A_268 : memref<8x2048xf32, #tpu.memory_space<vmem>>)
      %dma_wait3A_271 = arith.constant 1 : i32
      %dma_wait3A_272 = arith.constant 0 : i32
      %dma_wait3A_273 = arith.constant 0 : i32
      %dma_wait3A_274 = tpu.memref_slice %arg8[%dma_wait3A_271, %dma_wait3A_272, %dma_wait3A_273] : memref<2x8x2048xf32, #tpu.memory_space<vmem>> -> memref<1x8x2048xf32, #tpu.memory_space<vmem>>
      %dma_wait3A_275 = tpu.memref_squeeze %dma_wait3A_274 : memref<1x8x2048xf32, #tpu.memory_space<vmem>> -> memref<8x2048xf32, #tpu.memory_space<vmem>>
      %dma_wait3A_276 = arith.constant 0 : i32
      %dma_wait3A_277 = tpu.memref_slice %arg3[%add3A_4, %dma_wait3A_276] : memref<16384x2048xf32, #tpu.memory_space<hbm>> -> memref<8x2048xf32, #tpu.memory_space<hbm>>
      %dma_wait3A_278 = arith.constant 0 : i32
      %dma_wait3A_279 = arith.constant 0 : i32
      %dma_wait3A_280 = tpu.memref_slice %arg8[%dma_wait3A_271, %dma_wait3A_278, %dma_wait3A_279] : memref<2x8x2048xf32, #tpu.memory_space<vmem>> -> memref<1x8x2048xf32, #tpu.memory_space<vmem>>
      %dma_wait3A_281 = tpu.memref_squeeze %dma_wait3A_280 : memref<1x8x2048xf32, #tpu.memory_space<vmem>> -> memref<8x2048xf32, #tpu.memory_space<vmem>>
      %dma_wait3A_282 = arith.constant 0 : i32
      %dma_wait3A_283 = tpu.memref_slice %arg3[%add3A_4, %dma_wait3A_282] : memref<16384x2048xf32, #tpu.memory_space<hbm>> -> memref<8x2048xf32, #tpu.memory_space<hbm>>
      tpu.wait_dma2 semaphore(%arg15 : memref<!tpu.dma_semaphore, #tpu.memory_space<semaphore_mem>>) src(%dma_wait3A_283 : memref<8x2048xf32, #tpu.memory_space<hbm>>) dst(%dma_wait3A_281 : memref<8x2048xf32, #tpu.memory_space<vmem>>)
      %dma_wait3A_284 = arith.constant 1 : i32
      %dma_wait3A_285 = arith.constant 0 : i32
      %dma_wait3A_286 = arith.constant 0 : i32
      %dma_wait3A_287 = tpu.memref_slice %arg9[%dma_wait3A_284, %dma_wait3A_285, %dma_wait3A_286] : memref<2x8x512xi32, #tpu.memory_space<vmem>> -> memref<1x8x512xi32, #tpu.memory_space<vmem>>
      %dma_wait3A_288 = tpu.memref_squeeze %dma_wait3A_287 : memref<1x8x512xi32, #tpu.memory_space<vmem>> -> memref<8x512xi32, #tpu.memory_space<vmem>>
      %dma_wait3A_289 = arith.constant 0 : i32
      %dma_wait3A_290 = tpu.memref_slice %arg4[%mul3A_6, %dma_wait3A_289] : memref<6144x512xi32, #tpu.memory_space<hbm>> -> memref<8x512xi32, #tpu.memory_space<hbm>>
      %dma_wait3A_291 = arith.constant 0 : i32
      %dma_wait3A_292 = arith.constant 0 : i32
      %dma_wait3A_293 = tpu.memref_slice %arg9[%dma_wait3A_284, %dma_wait3A_291, %dma_wait3A_292] : memref<2x8x512xi32, #tpu.memory_space<vmem>> -> memref<1x8x512xi32, #tpu.memory_space<vmem>>
      %dma_wait3A_294 = tpu.memref_squeeze %dma_wait3A_293 : memref<1x8x512xi32, #tpu.memory_space<vmem>> -> memref<8x512xi32, #tpu.memory_space<vmem>>
      %dma_wait3A_295 = arith.constant 0 : i32
      %dma_wait3A_296 = tpu.memref_slice %arg4[%mul3A_6, %dma_wait3A_295] : memref<6144x512xi32, #tpu.memory_space<hbm>> -> memref<8x512xi32, #tpu.memory_space<hbm>>
      tpu.wait_dma2 semaphore(%arg17 : memref<!tpu.dma_semaphore, #tpu.memory_space<semaphore_mem>>) src(%dma_wait3A_296 : memref<8x512xi32, #tpu.memory_space<hbm>>) dst(%dma_wait3A_294 : memref<8x512xi32, #tpu.memory_space<vmem>>)
      %scan3A_297 = arith.constant 0 : i32
      %scan3A_298 = arith.constant 32 : i32
      %scan3A_299 = arith.addi %scan3A_297, %scan3A_298 : i32
      %scan3A_300 = arith.constant 1 : i32
      %scan3A_301:2 = scf.for %scan3A_303 = %scan3A_297 to %scan3A_299 step %scan3A_300 iter_args(%scan3A_304 = %scan3A_204#0, %scan3A_305 = %scan3A_204#1) -> (vector<16xf32>, vector<16xi32>)  : i32 {
        %mul3A_306 = arith.constant 16 : i32
        %mul3A_307 = arith.muli %scan3A_303, %mul3A_306 : i32
        %multiple_of3A_308 = tpu.assume_multiple %mul3A_307, 16 : i32
        %get3A = arith.constant 1 : i32
        %get3A_309 = arith.constant 0 : i32
        %get3A_310 = arith.index_cast %get3A : i32 to index
        %get3A_311 = arith.index_cast %get3A_309 : i32 to index
        %get3A_312 = arith.index_cast %multiple_of3A_308 : i32 to index
        %get3A_313 = tpu.vector_load %arg9[%get3A_310, %get3A_311, %get3A_312] {strides = array<i32>} : memref<2x8x512xi32, #tpu.memory_space<vmem>>, vector<1x1x16xi32>,
        %get3A_314 = vector.shape_cast %get3A_313 : vector<1x1x16xi32> to vector<16xi32>
        %mul3A_315 = arith.constant 16843009 : i32
        %mul3A_316 = vector.broadcast %mul3A_315 : i32 to vector<16xi32>
        %mul3A_317 = arith.muli %get3A_314, %mul3A_316 : vector<16xi32>
        %shift_right_logical3A = arith.constant 24 : i32
        %shift_right_logical3A_318 = vector.broadcast %shift_right_logical3A : i32 to vector<16xi32>
        %shift_right_logical3A_319 = arith.shrui %mul3A_317, %shift_right_logical3A_318 : vector<16xi32>
        %add3A_320 = arith.addi %scan3A_305, %shift_right_logical3A_319 : vector<16xi32>
        %and3A = arith.constant 1 : i32
        %and3A_321 = vector.broadcast %and3A : i32 to vector<16xi32>
        %and3A_322 = arith.andi %get3A_314, %and3A_321 : vector<16xi32>
        %ne3A = arith.constant 0 : i32
        %ne3A_323 = vector.broadcast %ne3A : i32 to vector<16xi32>
        %ne3A_324 = arith.cmpi ne, %and3A_322, %ne3A_323 : vector<16xi32>
        %add3A_325 = arith.constant 0 : i32
        %add3A_326 = arith.addi %multiple_of3A_308, %add3A_325 : i32
        %multiple_of3A_327 = tpu.assume_multiple %add3A_326, 16 : i32
        %get3A_328 = arith.constant 1 : i32
        %get3A_329 = arith.constant 0 : i32
        %get3A_330 = arith.index_cast %get3A_328 : i32 to index
        %get3A_331 = arith.index_cast %get3A_329 : i32 to index
        %get3A_332 = arith.index_cast %multiple_of3A_327 : i32 to index
        %get3A_333 = tpu.vector_load %arg8[%get3A_330, %get3A_331, %get3A_332] {strides = array<i32>} : memref<2x8x2048xf32, #tpu.memory_space<vmem>>, vector<1x1x16xf32>,
        %get3A_334 = vector.shape_cast %get3A_333 : vector<1x1x16xf32> to vector<16xf32>
        %get3A_335 = arith.constant 1 : i32
        %get3A_336 = arith.constant 0 : i32
        %get3A_337 = arith.index_cast %get3A_335 : i32 to index
        %get3A_338 = arith.index_cast %get3A_336 : i32 to index
        %get3A_339 = arith.index_cast %multiple_of3A_327 : i32 to index
        %get3A_340 = tpu.vector_load %arg7[%get3A_337, %get3A_338, %get3A_339] {strides = array<i32>} : memref<2x8x2048xf32, #tpu.memory_space<vmem>>, vector<1x1x16xf32>,
        %get3A_341 = vector.shape_cast %get3A_340 : vector<1x1x16xf32> to vector<16xf32>
        %sub3A = arith.subf %get3A_334, %get3A_341 : vector<16xf32>
        %jit3A = arith.constant 0.000000e+00 : f32
        %broadcast_in_dim3A_342 = vector.broadcast %jit3A : f32 to vector<16xf32>
        %select_n3A = arith.select %ne3A_324, %sub3A, %broadcast_in_dim3A_342 : vector<16xi1>, vector<16xf32>
        %mul3A_343 = arith.mulf %select_n3A, %select_n3A : vector<16xf32>
        %add3A_344 = arith.addf %scan3A_304, %mul3A_343 : vector<16xf32>
        %and3A_345 = arith.constant 256 : i32
        %and3A_346 = vector.broadcast %and3A_345 : i32 to vector<16xi32>
        %and3A_347 = arith.andi %get3A_314, %and3A_346 : vector<16xi32>
        %ne3A_348 = arith.constant 0 : i32
        %ne3A_349 = vector.broadcast %ne3A_348 : i32 to vector<16xi32>
        %ne3A_350 = arith.cmpi ne, %and3A_347, %ne3A_349 : vector<16xi32>
        %add3A_351 = arith.constant 512 : i32
        %add3A_352 = arith.addi %multiple_of3A_308, %add3A_351 : i32
        %multiple_of3A_353 = tpu.assume_multiple %add3A_352, 16 : i32
        %get3A_354 = arith.constant 1 : i32
        %get3A_355 = arith.constant 0 : i32
        %get3A_356 = arith.index_cast %get3A_354 : i32 to index
        %get3A_357 = arith.index_cast %get3A_355 : i32 to index
        %get3A_358 = arith.index_cast %multiple_of3A_353 : i32 to index
        %get3A_359 = tpu.vector_load %arg8[%get3A_356, %get3A_357, %get3A_358] {strides = array<i32>} : memref<2x8x2048xf32, #tpu.memory_space<vmem>>, vector<1x1x16xf32>,
        %get3A_360 = vector.shape_cast %get3A_359 : vector<1x1x16xf32> to vector<16xf32>
        %get3A_361 = arith.constant 1 : i32
        %get3A_362 = arith.constant 0 : i32
        %get3A_363 = arith.index_cast %get3A_361 : i32 to index
        %get3A_364 = arith.index_cast %get3A_362 : i32 to index
        %get3A_365 = arith.index_cast %multiple_of3A_353 : i32 to index
        %get3A_366 = tpu.vector_load %arg7[%get3A_363, %get3A_364, %get3A_365] {strides = array<i32>} : memref<2x8x2048xf32, #tpu.memory_space<vmem>>, vector<1x1x16xf32>,
        %get3A_367 = vector.shape_cast %get3A_366 : vector<1x1x16xf32> to vector<16xf32>
        %sub3A_368 = arith.subf %get3A_360, %get3A_367 : vector<16xf32>
        %jit3A_369 = arith.constant 0.000000e+00 : f32
        %broadcast_in_dim3A_370 = vector.broadcast %jit3A_369 : f32 to vector<16xf32>
        %select_n3A_371 = arith.select %ne3A_350, %sub3A_368, %broadcast_in_dim3A_370 : vector<16xi1>, vector<16xf32>
        %mul3A_372 = arith.mulf %select_n3A_371, %select_n3A_371 : vector<16xf32>
        %add3A_373 = arith.addf %add3A_344, %mul3A_372 : vector<16xf32>
        %and3A_374 = arith.constant 65536 : i32
        %and3A_375 = vector.broadcast %and3A_374 : i32 to vector<16xi32>
        %and3A_376 = arith.andi %get3A_314, %and3A_375 : vector<16xi32>
        %ne3A_377 = arith.constant 0 : i32
        %ne3A_378 = vector.broadcast %ne3A_377 : i32 to vector<16xi32>
        %ne3A_379 = arith.cmpi ne, %and3A_376, %ne3A_378 : vector<16xi32>
        %add3A_380 = arith.constant 1024 : i32
        %add3A_381 = arith.addi %multiple_of3A_308, %add3A_380 : i32
        %multiple_of3A_382 = tpu.assume_multiple %add3A_381, 16 : i32
        %get3A_383 = arith.constant 1 : i32
        %get3A_384 = arith.constant 0 : i32
        %get3A_385 = arith.index_cast %get3A_383 : i32 to index
        %get3A_386 = arith.index_cast %get3A_384 : i32 to index
        %get3A_387 = arith.index_cast %multiple_of3A_382 : i32 to index
        %get3A_388 = tpu.vector_load %arg8[%get3A_385, %get3A_386, %get3A_387] {strides = array<i32>} : memref<2x8x2048xf32, #tpu.memory_space<vmem>>, vector<1x1x16xf32>,
        %get3A_389 = vector.shape_cast %get3A_388 : vector<1x1x16xf32> to vector<16xf32>
        %get3A_390 = arith.constant 1 : i32
        %get3A_391 = arith.constant 0 : i32
        %get3A_392 = arith.index_cast %get3A_390 : i32 to index
        %get3A_393 = arith.index_cast %get3A_391 : i32 to index
        %get3A_394 = arith.index_cast %multiple_of3A_382 : i32 to index
        %get3A_395 = tpu.vector_load %arg7[%get3A_392, %get3A_393, %get3A_394] {strides = array<i32>} : memref<2x8x2048xf32, #tpu.memory_space<vmem>>, vector<1x1x16xf32>,
        %get3A_396 = vector.shape_cast %get3A_395 : vector<1x1x16xf32> to vector<16xf32>
        %sub3A_397 = arith.subf %get3A_389, %get3A_396 : vector<16xf32>
        %jit3A_398 = arith.constant 0.000000e+00 : f32
        %broadcast_in_dim3A_399 = vector.broadcast %jit3A_398 : f32 to vector<16xf32>
        %select_n3A_400 = arith.select %ne3A_379, %sub3A_397, %broadcast_in_dim3A_399 : vector<16xi1>, vector<16xf32>
        %mul3A_401 = arith.mulf %select_n3A_400, %select_n3A_400 : vector<16xf32>
        %add3A_402 = arith.addf %add3A_373, %mul3A_401 : vector<16xf32>
        %and3A_403 = arith.constant 16777216 : i32
        %and3A_404 = vector.broadcast %and3A_403 : i32 to vector<16xi32>
        %and3A_405 = arith.andi %get3A_314, %and3A_404 : vector<16xi32>
        %ne3A_406 = arith.constant 0 : i32
        %ne3A_407 = vector.broadcast %ne3A_406 : i32 to vector<16xi32>
        %ne3A_408 = arith.cmpi ne, %and3A_405, %ne3A_407 : vector<16xi32>
        %add3A_409 = arith.constant 1536 : i32
        %add3A_410 = arith.addi %multiple_of3A_308, %add3A_409 : i32
        %multiple_of3A_411 = tpu.assume_multiple %add3A_410, 16 : i32
        %get3A_412 = arith.constant 1 : i32
        %get3A_413 = arith.constant 0 : i32
        %get3A_414 = arith.index_cast %get3A_412 : i32 to index
        %get3A_415 = arith.index_cast %get3A_413 : i32 to index
        %get3A_416 = arith.index_cast %multiple_of3A_411 : i32 to index
        %get3A_417 = tpu.vector_load %arg8[%get3A_414, %get3A_415, %get3A_416] {strides = array<i32>} : memref<2x8x2048xf32, #tpu.memory_space<vmem>>, vector<1x1x16xf32>,
        %get3A_418 = vector.shape_cast %get3A_417 : vector<1x1x16xf32> to vector<16xf32>
        %get3A_419 = arith.constant 1 : i32
        %get3A_420 = arith.constant 0 : i32
        %get3A_421 = arith.index_cast %get3A_419 : i32 to index
        %get3A_422 = arith.index_cast %get3A_420 : i32 to index
        %get3A_423 = arith.index_cast %multiple_of3A_411 : i32 to index
        %get3A_424 = tpu.vector_load %arg7[%get3A_421, %get3A_422, %get3A_423] {strides = array<i32>} : memref<2x8x2048xf32, #tpu.memory_space<vmem>>, vector<1x1x16xf32>,
        %get3A_425 = vector.shape_cast %get3A_424 : vector<1x1x16xf32> to vector<16xf32>
        %sub3A_426 = arith.subf %get3A_418, %get3A_425 : vector<16xf32>
        %jit3A_427 = arith.constant 0.000000e+00 : f32
        %broadcast_in_dim3A_428 = vector.broadcast %jit3A_427 : f32 to vector<16xf32>
        %select_n3A_429 = arith.select %ne3A_408, %sub3A_426, %broadcast_in_dim3A_428 : vector<16xi1>, vector<16xf32>
        %mul3A_430 = arith.mulf %select_n3A_429, %select_n3A_429 : vector<16xf32>
        %add3A_431 = arith.addf %add3A_402, %mul3A_430 : vector<16xf32>
        %get3A_432 = arith.constant 1 : i32
        %get3A_433 = arith.constant 1 : i32
        %get3A_434 = arith.index_cast %get3A_432 : i32 to index
        %get3A_435 = arith.index_cast %get3A_433 : i32 to index
        %get3A_436 = arith.index_cast %multiple_of3A_308 : i32 to index
        %get3A_437 = tpu.vector_load %arg9[%get3A_434, %get3A_435, %get3A_436] {strides = array<i32>} : memref<2x8x512xi32, #tpu.memory_space<vmem>>, vector<1x1x16xi32>,
        %get3A_438 = vector.shape_cast %get3A_437 : vector<1x1x16xi32> to vector<16xi32>
        %mul3A_439 = arith.constant 16843009 : i32
        %mul3A_440 = vector.broadcast %mul3A_439 : i32 to vector<16xi32>
        %mul3A_441 = arith.muli %get3A_438, %mul3A_440 : vector<16xi32>
        %shift_right_logical3A_442 = arith.constant 24 : i32
        %shift_right_logical3A_443 = vector.broadcast %shift_right_logical3A_442 : i32 to vector<16xi32>
        %shift_right_logical3A_444 = arith.shrui %mul3A_441, %shift_right_logical3A_443 : vector<16xi32>
        %add3A_445 = arith.addi %add3A_320, %shift_right_logical3A_444 : vector<16xi32>
        %and3A_446 = arith.constant 1 : i32
        %and3A_447 = vector.broadcast %and3A_446 : i32 to vector<16xi32>
        %and3A_448 = arith.andi %get3A_438, %and3A_447 : vector<16xi32>
        %ne3A_449 = arith.constant 0 : i32
        %ne3A_450 = vector.broadcast %ne3A_449 : i32 to vector<16xi32>
        %ne3A_451 = arith.cmpi ne, %and3A_448, %ne3A_450 : vector<16xi32>
        %add3A_452 = arith.constant 0 : i32
        %add3A_453 = arith.addi %multiple_of3A_308, %add3A_452 : i32
        %multiple_of3A_454 = tpu.assume_multiple %add3A_453, 16 : i32
        %get3A_455 = arith.constant 1 : i32
        %get3A_456 = arith.constant 1 : i32
        %get3A_457 = arith.index_cast %get3A_455 : i32 to index
        %get3A_458 = arith.index_cast %get3A_456 : i32 to index
        %get3A_459 = arith.index_cast %multiple_of3A_454 : i32 to index
        %get3A_460 = tpu.vector_load %arg8[%get3A_457, %get3A_458, %get3A_459] {strides = array<i32>} : memref<2x8x2048xf32, #tpu.memory_space<vmem>>, vector<1x1x16xf32>,
        %get3A_461 = vector.shape_cast %get3A_460 : vector<1x1x16xf32> to vector<16xf32>
        %get3A_462 = arith.constant 1 : i32
        %get3A_463 = arith.constant 1 : i32
        %get3A_464 = arith.index_cast %get3A_462 : i32 to index
        %get3A_465 = arith.index_cast %get3A_463 : i32 to index
        %get3A_466 = arith.index_cast %multiple_of3A_454 : i32 to index
        %get3A_467 = tpu.vector_load %arg7[%get3A_464, %get3A_465, %get3A_466] {strides = array<i32>} : memref<2x8x2048xf32, #tpu.memory_space<vmem>>, vector<1x1x16xf32>,
        %get3A_468 = vector.shape_cast %get3A_467 : vector<1x1x16xf32> to vector<16xf32>
        %sub3A_469 = arith.subf %get3A_461, %get3A_468 : vector<16xf32>
        %jit3A_470 = arith.constant 0.000000e+00 : f32
        %broadcast_in_dim3A_471 = vector.broadcast %jit3A_470 : f32 to vector<16xf32>
        %select_n3A_472 = arith.select %ne3A_451, %sub3A_469, %broadcast_in_dim3A_471 : vector<16xi1>, vector<16xf32>
        %mul3A_473 = arith.mulf %select_n3A_472, %select_n3A_472 : vector<16xf32>
        %add3A_474 = arith.addf %add3A_431, %mul3A_473 : vector<16xf32>
        %and3A_475 = arith.constant 256 : i32
        %and3A_476 = vector.broadcast %and3A_475 : i32 to vector<16xi32>
        %and3A_477 = arith.andi %get3A_438, %and3A_476 : vector<16xi32>
        %ne3A_478 = arith.constant 0 : i32
        %ne3A_479 = vector.broadcast %ne3A_478 : i32 to vector<16xi32>
        %ne3A_480 = arith.cmpi ne, %and3A_477, %ne3A_479 : vector<16xi32>
        %add3A_481 = arith.constant 512 : i32
        %add3A_482 = arith.addi %multiple_of3A_308, %add3A_481 : i32
        %multiple_of3A_483 = tpu.assume_multiple %add3A_482, 16 : i32
        %get3A_484 = arith.constant 1 : i32
        %get3A_485 = arith.constant 1 : i32
        %get3A_486 = arith.index_cast %get3A_484 : i32 to index
        %get3A_487 = arith.index_cast %get3A_485 : i32 to index
        %get3A_488 = arith.index_cast %multiple_of3A_483 : i32 to index
        %get3A_489 = tpu.vector_load %arg8[%get3A_486, %get3A_487, %get3A_488] {strides = array<i32>} : memref<2x8x2048xf32, #tpu.memory_space<vmem>>, vector<1x1x16xf32>,
        %get3A_490 = vector.shape_cast %get3A_489 : vector<1x1x16xf32> to vector<16xf32>
        %get3A_491 = arith.constant 1 : i32
        %get3A_492 = arith.constant 1 : i32
        %get3A_493 = arith.index_cast %get3A_491 : i32 to index
        %get3A_494 = arith.index_cast %get3A_492 : i32 to index
        %get3A_495 = arith.index_cast %multiple_of3A_483 : i32 to index
        %get3A_496 = tpu.vector_load %arg7[%get3A_493, %get3A_494, %get3A_495] {strides = array<i32>} : memref<2x8x2048xf32, #tpu.memory_space<vmem>>, vector<1x1x16xf32>,
        %get3A_497 = vector.shape_cast %get3A_496 : vector<1x1x16xf32> to vector<16xf32>
        %sub3A_498 = arith.subf %get3A_490, %get3A_497 : vector<16xf32>
        %jit3A_499 = arith.constant 0.000000e+00 : f32
        %broadcast_in_dim3A_500 = vector.broadcast %jit3A_499 : f32 to vector<16xf32>
        %select_n3A_501 = arith.select %ne3A_480, %sub3A_498, %broadcast_in_dim3A_500 : vector<16xi1>, vector<16xf32>
        %mul3A_502 = arith.mulf %select_n3A_501, %select_n3A_501 : vector<16xf32>
        %add3A_503 = arith.addf %add3A_474, %mul3A_502 : vector<16xf32>
        %and3A_504 = arith.constant 65536 : i32
        %and3A_505 = vector.broadcast %and3A_504 : i32 to vector<16xi32>
        %and3A_506 = arith.andi %get3A_438, %and3A_505 : vector<16xi32>
        %ne3A_507 = arith.constant 0 : i32
        %ne3A_508 = vector.broadcast %ne3A_507 : i32 to vector<16xi32>
        %ne3A_509 = arith.cmpi ne, %and3A_506, %ne3A_508 : vector<16xi32>
        %add3A_510 = arith.constant 1024 : i32
        %add3A_511 = arith.addi %multiple_of3A_308, %add3A_510 : i32
        %multiple_of3A_512 = tpu.assume_multiple %add3A_511, 16 : i32
        %get3A_513 = arith.constant 1 : i32
        %get3A_514 = arith.constant 1 : i32
        %get3A_515 = arith.index_cast %get3A_513 : i32 to index
        %get3A_516 = arith.index_cast %get3A_514 : i32 to index
        %get3A_517 = arith.index_cast %multiple_of3A_512 : i32 to index
        %get3A_518 = tpu.vector_load %arg8[%get3A_515, %get3A_516, %get3A_517] {strides = array<i32>} : memref<2x8x2048xf32, #tpu.memory_space<vmem>>, vector<1x1x16xf32>,
        %get3A_519 = vector.shape_cast %get3A_518 : vector<1x1x16xf32> to vector<16xf32>
        %get3A_520 = arith.constant 1 : i32
        %get3A_521 = arith.constant 1 : i32
        %get3A_522 = arith.index_cast %get3A_520 : i32 to index
        %get3A_523 = arith.index_cast %get3A_521 : i32 to index
        %get3A_524 = arith.index_cast %multiple_of3A_512 : i32 to index
        %get3A_525 = tpu.vector_load %arg7[%get3A_522, %get3A_523, %get3A_524] {strides = array<i32>} : memref<2x8x2048xf32, #tpu.memory_space<vmem>>, vector<1x1x16xf32>,
        %get3A_526 = vector.shape_cast %get3A_525 : vector<1x1x16xf32> to vector<16xf32>
        %sub3A_527 = arith.subf %get3A_519, %get3A_526 : vector<16xf32>
        %jit3A_528 = arith.constant 0.000000e+00 : f32
        %broadcast_in_dim3A_529 = vector.broadcast %jit3A_528 : f32 to vector<16xf32>
        %select_n3A_530 = arith.select %ne3A_509, %sub3A_527, %broadcast_in_dim3A_529 : vector<16xi1>, vector<16xf32>
        %mul3A_531 = arith.mulf %select_n3A_530, %select_n3A_530 : vector<16xf32>
        %add3A_532 = arith.addf %add3A_503, %mul3A_531 : vector<16xf32>
        %and3A_533 = arith.constant 16777216 : i32
        %and3A_534 = vector.broadcast %and3A_533 : i32 to vector<16xi32>
        %and3A_535 = arith.andi %get3A_438, %and3A_534 : vector<16xi32>
        %ne3A_536 = arith.constant 0 : i32
        %ne3A_537 = vector.broadcast %ne3A_536 : i32 to vector<16xi32>
        %ne3A_538 = arith.cmpi ne, %and3A_535, %ne3A_537 : vector<16xi32>
        %add3A_539 = arith.constant 1536 : i32
        %add3A_540 = arith.addi %multiple_of3A_308, %add3A_539 : i32
        %multiple_of3A_541 = tpu.assume_multiple %add3A_540, 16 : i32
        %get3A_542 = arith.constant 1 : i32
        %get3A_543 = arith.constant 1 : i32
        %get3A_544 = arith.index_cast %get3A_542 : i32 to index
        %get3A_545 = arith.index_cast %get3A_543 : i32 to index
        %get3A_546 = arith.index_cast %multiple_of3A_541 : i32 to index
        %get3A_547 = tpu.vector_load %arg8[%get3A_544, %get3A_545, %get3A_546] {strides = array<i32>} : memref<2x8x2048xf32, #tpu.memory_space<vmem>>, vector<1x1x16xf32>,
        %get3A_548 = vector.shape_cast %get3A_547 : vector<1x1x16xf32> to vector<16xf32>
        %get3A_549 = arith.constant 1 : i32
        %get3A_550 = arith.constant 1 : i32
        %get3A_551 = arith.index_cast %get3A_549 : i32 to index
        %get3A_552 = arith.index_cast %get3A_550 : i32 to index
        %get3A_553 = arith.index_cast %multiple_of3A_541 : i32 to index
        %get3A_554 = tpu.vector_load %arg7[%get3A_551, %get3A_552, %get3A_553] {strides = array<i32>} : memref<2x8x2048xf32, #tpu.memory_space<vmem>>, vector<1x1x16xf32>,
        %get3A_555 = vector.shape_cast %get3A_554 : vector<1x1x16xf32> to vector<16xf32>
        %sub3A_556 = arith.subf %get3A_548, %get3A_555 : vector<16xf32>
        %jit3A_557 = arith.constant 0.000000e+00 : f32
        %broadcast_in_dim3A_558 = vector.broadcast %jit3A_557 : f32 to vector<16xf32>
        %select_n3A_559 = arith.select %ne3A_538, %sub3A_556, %broadcast_in_dim3A_558 : vector<16xi1>, vector<16xf32>
        %mul3A_560 = arith.mulf %select_n3A_559, %select_n3A_559 : vector<16xf32>
        %add3A_561 = arith.addf %add3A_532, %mul3A_560 : vector<16xf32>
        %get3A_562 = arith.constant 1 : i32
        %get3A_563 = arith.constant 2 : i32
        %get3A_564 = arith.index_cast %get3A_562 : i32 to index
        %get3A_565 = arith.index_cast %get3A_563 : i32 to index
        %get3A_566 = arith.index_cast %multiple_of3A_308 : i32 to index
        %get3A_567 = tpu.vector_load %arg9[%get3A_564, %get3A_565, %get3A_566] {strides = array<i32>} : memref<2x8x512xi32, #tpu.memory_space<vmem>>, vector<1x1x16xi32>,
        %get3A_568 = vector.shape_cast %get3A_567 : vector<1x1x16xi32> to vector<16xi32>
        %mul3A_569 = arith.constant 16843009 : i32
        %mul3A_570 = vector.broadcast %mul3A_569 : i32 to vector<16xi32>
        %mul3A_571 = arith.muli %get3A_568, %mul3A_570 : vector<16xi32>
        %shift_right_logical3A_572 = arith.constant 24 : i32
        %shift_right_logical3A_573 = vector.broadcast %shift_right_logical3A_572 : i32 to vector<16xi32>
        %shift_right_logical3A_574 = arith.shrui %mul3A_571, %shift_right_logical3A_573 : vector<16xi32>
        %add3A_575 = arith.addi %add3A_445, %shift_right_logical3A_574 : vector<16xi32>
        %and3A_576 = arith.constant 1 : i32
        %and3A_577 = vector.broadcast %and3A_576 : i32 to vector<16xi32>
        %and3A_578 = arith.andi %get3A_568, %and3A_577 : vector<16xi32>
        %ne3A_579 = arith.constant 0 : i32
        %ne3A_580 = vector.broadcast %ne3A_579 : i32 to vector<16xi32>
        %ne3A_581 = arith.cmpi ne, %and3A_578, %ne3A_580 : vector<16xi32>
        %add3A_582 = arith.constant 0 : i32
        %add3A_583 = arith.addi %multiple_of3A_308, %add3A_582 : i32
        %multiple_of3A_584 = tpu.assume_multiple %add3A_583, 16 : i32
        %get3A_585 = arith.constant 1 : i32
        %get3A_586 = arith.constant 2 : i32
        %get3A_587 = arith.index_cast %get3A_585 : i32 to index
        %get3A_588 = arith.index_cast %get3A_586 : i32 to index
        %get3A_589 = arith.index_cast %multiple_of3A_584 : i32 to index
        %get3A_590 = tpu.vector_load %arg8[%get3A_587, %get3A_588, %get3A_589] {strides = array<i32>} : memref<2x8x2048xf32, #tpu.memory_space<vmem>>, vector<1x1x16xf32>,
        %get3A_591 = vector.shape_cast %get3A_590 : vector<1x1x16xf32> to vector<16xf32>
        %get3A_592 = arith.constant 1 : i32
        %get3A_593 = arith.constant 2 : i32
        %get3A_594 = arith.index_cast %get3A_592 : i32 to index
        %get3A_595 = arith.index_cast %get3A_593 : i32 to index
        %get3A_596 = arith.index_cast %multiple_of3A_584 : i32 to index
        %get3A_597 = tpu.vector_load %arg7[%get3A_594, %get3A_595, %get3A_596] {strides = array<i32>} : memref<2x8x2048xf32, #tpu.memory_space<vmem>>, vector<1x1x16xf32>,
        %get3A_598 = vector.shape_cast %get3A_597 : vector<1x1x16xf32> to vector<16xf32>
        %sub3A_599 = arith.subf %get3A_591, %get3A_598 : vector<16xf32>
        %jit3A_600 = arith.constant 0.000000e+00 : f32
        %broadcast_in_dim3A_601 = vector.broadcast %jit3A_600 : f32 to vector<16xf32>
        %select_n3A_602 = arith.select %ne3A_581, %sub3A_599, %broadcast_in_dim3A_601 : vector<16xi1>, vector<16xf32>
        %mul3A_603 = arith.mulf %select_n3A_602, %select_n3A_602 : vector<16xf32>
        %add3A_604 = arith.addf %add3A_561, %mul3A_603 : vector<16xf32>
        %and3A_605 = arith.constant 256 : i32
        %and3A_606 = vector.broadcast %and3A_605 : i32 to vector<16xi32>
        %and3A_607 = arith.andi %get3A_568, %and3A_606 : vector<16xi32>
        %ne3A_608 = arith.constant 0 : i32
        %ne3A_609 = vector.broadcast %ne3A_608 : i32 to vector<16xi32>
        %ne3A_610 = arith.cmpi ne, %and3A_607, %ne3A_609 : vector<16xi32>
        %add3A_611 = arith.constant 512 : i32
        %add3A_612 = arith.addi %multiple_of3A_308, %add3A_611 : i32
        %multiple_of3A_613 = tpu.assume_multiple %add3A_612, 16 : i32
        %get3A_614 = arith.constant 1 : i32
        %get3A_615 = arith.constant 2 : i32
        %get3A_616 = arith.index_cast %get3A_614 : i32 to index
        %get3A_617 = arith.index_cast %get3A_615 : i32 to index
        %get3A_618 = arith.index_cast %multiple_of3A_613 : i32 to index
        %get3A_619 = tpu.vector_load %arg8[%get3A_616, %get3A_617, %get3A_618] {strides = array<i32>} : memref<2x8x2048xf32, #tpu.memory_space<vmem>>, vector<1x1x16xf32>,
        %get3A_620 = vector.shape_cast %get3A_619 : vector<1x1x16xf32> to vector<16xf32>
        %get3A_621 = arith.constant 1 : i32
        %get3A_622 = arith.constant 2 : i32
        %get3A_623 = arith.index_cast %get3A_621 : i32 to index
        %get3A_624 = arith.index_cast %get3A_622 : i32 to index
        %get3A_625 = arith.index_cast %multiple_of3A_613 : i32 to index
        %get3A_626 = tpu.vector_load %arg7[%get3A_623, %get3A_624, %get3A_625] {strides = array<i32>} : memref<2x8x2048xf32, #tpu.memory_space<vmem>>, vector<1x1x16xf32>,
        %get3A_627 = vector.shape_cast %get3A_626 : vector<1x1x16xf32> to vector<16xf32>
        %sub3A_628 = arith.subf %get3A_620, %get3A_627 : vector<16xf32>
        %jit3A_629 = arith.constant 0.000000e+00 : f32
        %broadcast_in_dim3A_630 = vector.broadcast %jit3A_629 : f32 to vector<16xf32>
        %select_n3A_631 = arith.select %ne3A_610, %sub3A_628, %broadcast_in_dim3A_630 : vector<16xi1>, vector<16xf32>
        %mul3A_632 = arith.mulf %select_n3A_631, %select_n3A_631 : vector<16xf32>
        %add3A_633 = arith.addf %add3A_604, %mul3A_632 : vector<16xf32>
        %and3A_634 = arith.constant 65536 : i32
        %and3A_635 = vector.broadcast %and3A_634 : i32 to vector<16xi32>
        %and3A_636 = arith.andi %get3A_568, %and3A_635 : vector<16xi32>
        %ne3A_637 = arith.constant 0 : i32
        %ne3A_638 = vector.broadcast %ne3A_637 : i32 to vector<16xi32>
        %ne3A_639 = arith.cmpi ne, %and3A_636, %ne3A_638 : vector<16xi32>
        %add3A_640 = arith.constant 1024 : i32
        %add3A_641 = arith.addi %multiple_of3A_308, %add3A_640 : i32
        %multiple_of3A_642 = tpu.assume_multiple %add3A_641, 16 : i32
        %get3A_643 = arith.constant 1 : i32
        %get3A_644 = arith.constant 2 : i32
        %get3A_645 = arith.index_cast %get3A_643 : i32 to index
        %get3A_646 = arith.index_cast %get3A_644 : i32 to index
        %get3A_647 = arith.index_cast %multiple_of3A_642 : i32 to index
        %get3A_648 = tpu.vector_load %arg8[%get3A_645, %get3A_646, %get3A_647] {strides = array<i32>} : memref<2x8x2048xf32, #tpu.memory_space<vmem>>, vector<1x1x16xf32>,
        %get3A_649 = vector.shape_cast %get3A_648 : vector<1x1x16xf32> to vector<16xf32>
        %get3A_650 = arith.constant 1 : i32
        %get3A_651 = arith.constant 2 : i32
        %get3A_652 = arith.index_cast %get3A_650 : i32 to index
        %get3A_653 = arith.index_cast %get3A_651 : i32 to index
        %get3A_654 = arith.index_cast %multiple_of3A_642 : i32 to index
        %get3A_655 = tpu.vector_load %arg7[%get3A_652, %get3A_653, %get3A_654] {strides = array<i32>} : memref<2x8x2048xf32, #tpu.memory_space<vmem>>, vector<1x1x16xf32>,
        %get3A_656 = vector.shape_cast %get3A_655 : vector<1x1x16xf32> to vector<16xf32>
        %sub3A_657 = arith.subf %get3A_649, %get3A_656 : vector<16xf32>
        %jit3A_658 = arith.constant 0.000000e+00 : f32
        %broadcast_in_dim3A_659 = vector.broadcast %jit3A_658 : f32 to vector<16xf32>
        %select_n3A_660 = arith.select %ne3A_639, %sub3A_657, %broadcast_in_dim3A_659 : vector<16xi1>, vector<16xf32>
        %mul3A_661 = arith.mulf %select_n3A_660, %select_n3A_660 : vector<16xf32>
        %add3A_662 = arith.addf %add3A_633, %mul3A_661 : vector<16xf32>
        %and3A_663 = arith.constant 16777216 : i32
        %and3A_664 = vector.broadcast %and3A_663 : i32 to vector<16xi32>
        %and3A_665 = arith.andi %get3A_568, %and3A_664 : vector<16xi32>
        %ne3A_666 = arith.constant 0 : i32
        %ne3A_667 = vector.broadcast %ne3A_666 : i32 to vector<16xi32>
        %ne3A_668 = arith.cmpi ne, %and3A_665, %ne3A_667 : vector<16xi32>
        %add3A_669 = arith.constant 1536 : i32
        %add3A_670 = arith.addi %multiple_of3A_308, %add3A_669 : i32
        %multiple_of3A_671 = tpu.assume_multiple %add3A_670, 16 : i32
        %get3A_672 = arith.constant 1 : i32
        %get3A_673 = arith.constant 2 : i32
        %get3A_674 = arith.index_cast %get3A_672 : i32 to index
        %get3A_675 = arith.index_cast %get3A_673 : i32 to index
        %get3A_676 = arith.index_cast %multiple_of3A_671 : i32 to index
        %get3A_677 = tpu.vector_load %arg8[%get3A_674, %get3A_675, %get3A_676] {strides = array<i32>} : memref<2x8x2048xf32, #tpu.memory_space<vmem>>, vector<1x1x16xf32>,
        %get3A_678 = vector.shape_cast %get3A_677 : vector<1x1x16xf32> to vector<16xf32>
        %get3A_679 = arith.constant 1 : i32
        %get3A_680 = arith.constant 2 : i32
        %get3A_681 = arith.index_cast %get3A_679 : i32 to index
        %get3A_682 = arith.index_cast %get3A_680 : i32 to index
        %get3A_683 = arith.index_cast %multiple_of3A_671 : i32 to index
        %get3A_684 = tpu.vector_load %arg7[%get3A_681, %get3A_682, %get3A_683] {strides = array<i32>} : memref<2x8x2048xf32, #tpu.memory_space<vmem>>, vector<1x1x16xf32>,
        %get3A_685 = vector.shape_cast %get3A_684 : vector<1x1x16xf32> to vector<16xf32>
        %sub3A_686 = arith.subf %get3A_678, %get3A_685 : vector<16xf32>
        %jit3A_687 = arith.constant 0.000000e+00 : f32
        %broadcast_in_dim3A_688 = vector.broadcast %jit3A_687 : f32 to vector<16xf32>
        %select_n3A_689 = arith.select %ne3A_668, %sub3A_686, %broadcast_in_dim3A_688 : vector<16xi1>, vector<16xf32>
        %mul3A_690 = arith.mulf %select_n3A_689, %select_n3A_689 : vector<16xf32>
        %add3A_691 = arith.addf %add3A_662, %mul3A_690 : vector<16xf32>
        %get3A_692 = arith.constant 1 : i32
        %get3A_693 = arith.constant 3 : i32
        %get3A_694 = arith.index_cast %get3A_692 : i32 to index
        %get3A_695 = arith.index_cast %get3A_693 : i32 to index
        %get3A_696 = arith.index_cast %multiple_of3A_308 : i32 to index
        %get3A_697 = tpu.vector_load %arg9[%get3A_694, %get3A_695, %get3A_696] {strides = array<i32>} : memref<2x8x512xi32, #tpu.memory_space<vmem>>, vector<1x1x16xi32>,
        %get3A_698 = vector.shape_cast %get3A_697 : vector<1x1x16xi32> to vector<16xi32>
        %mul3A_699 = arith.constant 16843009 : i32
        %mul3A_700 = vector.broadcast %mul3A_699 : i32 to vector<16xi32>
        %mul3A_701 = arith.muli %get3A_698, %mul3A_700 : vector<16xi32>
        %shift_right_logical3A_702 = arith.constant 24 : i32
        %shift_right_logical3A_703 = vector.broadcast %shift_right_logical3A_702 : i32 to vector<16xi32>
        %shift_right_logical3A_704 = arith.shrui %mul3A_701, %shift_right_logical3A_703 : vector<16xi32>
        %add3A_705 = arith.addi %add3A_575, %shift_right_logical3A_704 : vector<16xi32>
        %and3A_706 = arith.constant 1 : i32
        %and3A_707 = vector.broadcast %and3A_706 : i32 to vector<16xi32>
        %and3A_708 = arith.andi %get3A_698, %and3A_707 : vector<16xi32>
        %ne3A_709 = arith.constant 0 : i32
        %ne3A_710 = vector.broadcast %ne3A_709 : i32 to vector<16xi32>
        %ne3A_711 = arith.cmpi ne, %and3A_708, %ne3A_710 : vector<16xi32>
        %add3A_712 = arith.constant 0 : i32
        %add3A_713 = arith.addi %multiple_of3A_308, %add3A_712 : i32
        %multiple_of3A_714 = tpu.assume_multiple %add3A_713, 16 : i32
        %get3A_715 = arith.constant 1 : i32
        %get3A_716 = arith.constant 3 : i32
        %get3A_717 = arith.index_cast %get3A_715 : i32 to index
        %get3A_718 = arith.index_cast %get3A_716 : i32 to index
        %get3A_719 = arith.index_cast %multiple_of3A_714 : i32 to index
        %get3A_720 = tpu.vector_load %arg8[%get3A_717, %get3A_718, %get3A_719] {strides = array<i32>} : memref<2x8x2048xf32, #tpu.memory_space<vmem>>, vector<1x1x16xf32>,
        %get3A_721 = vector.shape_cast %get3A_720 : vector<1x1x16xf32> to vector<16xf32>
        %get3A_722 = arith.constant 1 : i32
        %get3A_723 = arith.constant 3 : i32
        %get3A_724 = arith.index_cast %get3A_722 : i32 to index
        %get3A_725 = arith.index_cast %get3A_723 : i32 to index
        %get3A_726 = arith.index_cast %multiple_of3A_714 : i32 to index
        %get3A_727 = tpu.vector_load %arg7[%get3A_724, %get3A_725, %get3A_726] {strides = array<i32>} : memref<2x8x2048xf32, #tpu.memory_space<vmem>>, vector<1x1x16xf32>,
        %get3A_728 = vector.shape_cast %get3A_727 : vector<1x1x16xf32> to vector<16xf32>
        %sub3A_729 = arith.subf %get3A_721, %get3A_728 : vector<16xf32>
        %jit3A_730 = arith.constant 0.000000e+00 : f32
        %broadcast_in_dim3A_731 = vector.broadcast %jit3A_730 : f32 to vector<16xf32>
        %select_n3A_732 = arith.select %ne3A_711, %sub3A_729, %broadcast_in_dim3A_731 : vector<16xi1>, vector<16xf32>
        %mul3A_733 = arith.mulf %select_n3A_732, %select_n3A_732 : vector<16xf32>
        %add3A_734 = arith.addf %add3A_691, %mul3A_733 : vector<16xf32>
        %and3A_735 = arith.constant 256 : i32
        %and3A_736 = vector.broadcast %and3A_735 : i32 to vector<16xi32>
        %and3A_737 = arith.andi %get3A_698, %and3A_736 : vector<16xi32>
        %ne3A_738 = arith.constant 0 : i32
        %ne3A_739 = vector.broadcast %ne3A_738 : i32 to vector<16xi32>
        %ne3A_740 = arith.cmpi ne, %and3A_737, %ne3A_739 : vector<16xi32>
        %add3A_741 = arith.constant 512 : i32
        %add3A_742 = arith.addi %multiple_of3A_308, %add3A_741 : i32
        %multiple_of3A_743 = tpu.assume_multiple %add3A_742, 16 : i32
        %get3A_744 = arith.constant 1 : i32
        %get3A_745 = arith.constant 3 : i32
        %get3A_746 = arith.index_cast %get3A_744 : i32 to index
        %get3A_747 = arith.index_cast %get3A_745 : i32 to index
        %get3A_748 = arith.index_cast %multiple_of3A_743 : i32 to index
        %get3A_749 = tpu.vector_load %arg8[%get3A_746, %get3A_747, %get3A_748] {strides = array<i32>} : memref<2x8x2048xf32, #tpu.memory_space<vmem>>, vector<1x1x16xf32>,
        %get3A_750 = vector.shape_cast %get3A_749 : vector<1x1x16xf32> to vector<16xf32>
        %get3A_751 = arith.constant 1 : i32
        %get3A_752 = arith.constant 3 : i32
        %get3A_753 = arith.index_cast %get3A_751 : i32 to index
        %get3A_754 = arith.index_cast %get3A_752 : i32 to index
        %get3A_755 = arith.index_cast %multiple_of3A_743 : i32 to index
        %get3A_756 = tpu.vector_load %arg7[%get3A_753, %get3A_754, %get3A_755] {strides = array<i32>} : memref<2x8x2048xf32, #tpu.memory_space<vmem>>, vector<1x1x16xf32>,
        %get3A_757 = vector.shape_cast %get3A_756 : vector<1x1x16xf32> to vector<16xf32>
        %sub3A_758 = arith.subf %get3A_750, %get3A_757 : vector<16xf32>
        %jit3A_759 = arith.constant 0.000000e+00 : f32
        %broadcast_in_dim3A_760 = vector.broadcast %jit3A_759 : f32 to vector<16xf32>
        %select_n3A_761 = arith.select %ne3A_740, %sub3A_758, %broadcast_in_dim3A_760 : vector<16xi1>, vector<16xf32>
        %mul3A_762 = arith.mulf %select_n3A_761, %select_n3A_761 : vector<16xf32>
        %add3A_763 = arith.addf %add3A_734, %mul3A_762 : vector<16xf32>
        %and3A_764 = arith.constant 65536 : i32
        %and3A_765 = vector.broadcast %and3A_764 : i32 to vector<16xi32>
        %and3A_766 = arith.andi %get3A_698, %and3A_765 : vector<16xi32>
        %ne3A_767 = arith.constant 0 : i32
        %ne3A_768 = vector.broadcast %ne3A_767 : i32 to vector<16xi32>
        %ne3A_769 = arith.cmpi ne, %and3A_766, %ne3A_768 : vector<16xi32>
        %add3A_770 = arith.constant 1024 : i32
        %add3A_771 = arith.addi %multiple_of3A_308, %add3A_770 : i32
        %multiple_of3A_772 = tpu.assume_multiple %add3A_771, 16 : i32
        %get3A_773 = arith.constant 1 : i32
        %get3A_774 = arith.constant 3 : i32
        %get3A_775 = arith.index_cast %get3A_773 : i32 to index
        %get3A_776 = arith.index_cast %get3A_774 : i32 to index
        %get3A_777 = arith.index_cast %multiple_of3A_772 : i32 to index
        %get3A_778 = tpu.vector_load %arg8[%get3A_775, %get3A_776, %get3A_777] {strides = array<i32>} : memref<2x8x2048xf32, #tpu.memory_space<vmem>>, vector<1x1x16xf32>,
        %get3A_779 = vector.shape_cast %get3A_778 : vector<1x1x16xf32> to vector<16xf32>
        %get3A_780 = arith.constant 1 : i32
        %get3A_781 = arith.constant 3 : i32
        %get3A_782 = arith.index_cast %get3A_780 : i32 to index
        %get3A_783 = arith.index_cast %get3A_781 : i32 to index
        %get3A_784 = arith.index_cast %multiple_of3A_772 : i32 to index
        %get3A_785 = tpu.vector_load %arg7[%get3A_782, %get3A_783, %get3A_784] {strides = array<i32>} : memref<2x8x2048xf32, #tpu.memory_space<vmem>>, vector<1x1x16xf32>,
        %get3A_786 = vector.shape_cast %get3A_785 : vector<1x1x16xf32> to vector<16xf32>
        %sub3A_787 = arith.subf %get3A_779, %get3A_786 : vector<16xf32>
        %jit3A_788 = arith.constant 0.000000e+00 : f32
        %broadcast_in_dim3A_789 = vector.broadcast %jit3A_788 : f32 to vector<16xf32>
        %select_n3A_790 = arith.select %ne3A_769, %sub3A_787, %broadcast_in_dim3A_789 : vector<16xi1>, vector<16xf32>
        %mul3A_791 = arith.mulf %select_n3A_790, %select_n3A_790 : vector<16xf32>
        %add3A_792 = arith.addf %add3A_763, %mul3A_791 : vector<16xf32>
        %and3A_793 = arith.constant 16777216 : i32
        %and3A_794 = vector.broadcast %and3A_793 : i32 to vector<16xi32>
        %and3A_795 = arith.andi %get3A_698, %and3A_794 : vector<16xi32>
        %ne3A_796 = arith.constant 0 : i32
        %ne3A_797 = vector.broadcast %ne3A_796 : i32 to vector<16xi32>
        %ne3A_798 = arith.cmpi ne, %and3A_795, %ne3A_797 : vector<16xi32>
        %add3A_799 = arith.constant 1536 : i32
        %add3A_800 = arith.addi %multiple_of3A_308, %add3A_799 : i32
        %multiple_of3A_801 = tpu.assume_multiple %add3A_800, 16 : i32
        %get3A_802 = arith.constant 1 : i32
        %get3A_803 = arith.constant 3 : i32
        %get3A_804 = arith.index_cast %get3A_802 : i32 to index
        %get3A_805 = arith.index_cast %get3A_803 : i32 to index
        %get3A_806 = arith.index_cast %multiple_of3A_801 : i32 to index
        %get3A_807 = tpu.vector_load %arg8[%get3A_804, %get3A_805, %get3A_806] {strides = array<i32>} : memref<2x8x2048xf32, #tpu.memory_space<vmem>>, vector<1x1x16xf32>,
        %get3A_808 = vector.shape_cast %get3A_807 : vector<1x1x16xf32> to vector<16xf32>
        %get3A_809 = arith.constant 1 : i32
        %get3A_810 = arith.constant 3 : i32
        %get3A_811 = arith.index_cast %get3A_809 : i32 to index
        %get3A_812 = arith.index_cast %get3A_810 : i32 to index
        %get3A_813 = arith.index_cast %multiple_of3A_801 : i32 to index
        %get3A_814 = tpu.vector_load %arg7[%get3A_811, %get3A_812, %get3A_813] {strides = array<i32>} : memref<2x8x2048xf32, #tpu.memory_space<vmem>>, vector<1x1x16xf32>,
        %get3A_815 = vector.shape_cast %get3A_814 : vector<1x1x16xf32> to vector<16xf32>
        %sub3A_816 = arith.subf %get3A_808, %get3A_815 : vector<16xf32>
        %jit3A_817 = arith.constant 0.000000e+00 : f32
        %broadcast_in_dim3A_818 = vector.broadcast %jit3A_817 : f32 to vector<16xf32>
        %select_n3A_819 = arith.select %ne3A_798, %sub3A_816, %broadcast_in_dim3A_818 : vector<16xi1>, vector<16xf32>
        %mul3A_820 = arith.mulf %select_n3A_819, %select_n3A_819 : vector<16xf32>
        %add3A_821 = arith.addf %add3A_792, %mul3A_820 : vector<16xf32>
        %get3A_822 = arith.constant 1 : i32
        %get3A_823 = arith.constant 4 : i32
        %get3A_824 = arith.index_cast %get3A_822 : i32 to index
        %get3A_825 = arith.index_cast %get3A_823 : i32 to index
        %get3A_826 = arith.index_cast %multiple_of3A_308 : i32 to index
        %get3A_827 = tpu.vector_load %arg9[%get3A_824, %get3A_825, %get3A_826] {strides = array<i32>} : memref<2x8x512xi32, #tpu.memory_space<vmem>>, vector<1x1x16xi32>,
        %get3A_828 = vector.shape_cast %get3A_827 : vector<1x1x16xi32> to vector<16xi32>
        %mul3A_829 = arith.constant 16843009 : i32
        %mul3A_830 = vector.broadcast %mul3A_829 : i32 to vector<16xi32>
        %mul3A_831 = arith.muli %get3A_828, %mul3A_830 : vector<16xi32>
        %shift_right_logical3A_832 = arith.constant 24 : i32
        %shift_right_logical3A_833 = vector.broadcast %shift_right_logical3A_832 : i32 to vector<16xi32>
        %shift_right_logical3A_834 = arith.shrui %mul3A_831, %shift_right_logical3A_833 : vector<16xi32>
        %add3A_835 = arith.addi %add3A_705, %shift_right_logical3A_834 : vector<16xi32>
        %and3A_836 = arith.constant 1 : i32
        %and3A_837 = vector.broadcast %and3A_836 : i32 to vector<16xi32>
        %and3A_838 = arith.andi %get3A_828, %and3A_837 : vector<16xi32>
        %ne3A_839 = arith.constant 0 : i32
        %ne3A_840 = vector.broadcast %ne3A_839 : i32 to vector<16xi32>
        %ne3A_841 = arith.cmpi ne, %and3A_838, %ne3A_840 : vector<16xi32>
        %add3A_842 = arith.constant 0 : i32
        %add3A_843 = arith.addi %multiple_of3A_308, %add3A_842 : i32
        %multiple_of3A_844 = tpu.assume_multiple %add3A_843, 16 : i32
        %get3A_845 = arith.constant 1 : i32
        %get3A_846 = arith.constant 4 : i32
        %get3A_847 = arith.index_cast %get3A_845 : i32 to index
        %get3A_848 = arith.index_cast %get3A_846 : i32 to index
        %get3A_849 = arith.index_cast %multiple_of3A_844 : i32 to index
        %get3A_850 = tpu.vector_load %arg8[%get3A_847, %get3A_848, %get3A_849] {strides = array<i32>} : memref<2x8x2048xf32, #tpu.memory_space<vmem>>, vector<1x1x16xf32>,
        %get3A_851 = vector.shape_cast %get3A_850 : vector<1x1x16xf32> to vector<16xf32>
        %get3A_852 = arith.constant 1 : i32
        %get3A_853 = arith.constant 4 : i32
        %get3A_854 = arith.index_cast %get3A_852 : i32 to index
        %get3A_855 = arith.index_cast %get3A_853 : i32 to index
        %get3A_856 = arith.index_cast %multiple_of3A_844 : i32 to index
        %get3A_857 = tpu.vector_load %arg7[%get3A_854, %get3A_855, %get3A_856] {strides = array<i32>} : memref<2x8x2048xf32, #tpu.memory_space<vmem>>, vector<1x1x16xf32>,
        %get3A_858 = vector.shape_cast %get3A_857 : vector<1x1x16xf32> to vector<16xf32>
        %sub3A_859 = arith.subf %get3A_851, %get3A_858 : vector<16xf32>
        %jit3A_860 = arith.constant 0.000000e+00 : f32
        %broadcast_in_dim3A_861 = vector.broadcast %jit3A_860 : f32 to vector<16xf32>
        %select_n3A_862 = arith.select %ne3A_841, %sub3A_859, %broadcast_in_dim3A_861 : vector<16xi1>, vector<16xf32>
        %mul3A_863 = arith.mulf %select_n3A_862, %select_n3A_862 : vector<16xf32>
        %add3A_864 = arith.addf %add3A_821, %mul3A_863 : vector<16xf32>
        %and3A_865 = arith.constant 256 : i32
        %and3A_866 = vector.broadcast %and3A_865 : i32 to vector<16xi32>
        %and3A_867 = arith.andi %get3A_828, %and3A_866 : vector<16xi32>
        %ne3A_868 = arith.constant 0 : i32
        %ne3A_869 = vector.broadcast %ne3A_868 : i32 to vector<16xi32>
        %ne3A_870 = arith.cmpi ne, %and3A_867, %ne3A_869 : vector<16xi32>
        %add3A_871 = arith.constant 512 : i32
        %add3A_872 = arith.addi %multiple_of3A_308, %add3A_871 : i32
        %multiple_of3A_873 = tpu.assume_multiple %add3A_872, 16 : i32
        %get3A_874 = arith.constant 1 : i32
        %get3A_875 = arith.constant 4 : i32
        %get3A_876 = arith.index_cast %get3A_874 : i32 to index
        %get3A_877 = arith.index_cast %get3A_875 : i32 to index
        %get3A_878 = arith.index_cast %multiple_of3A_873 : i32 to index
        %get3A_879 = tpu.vector_load %arg8[%get3A_876, %get3A_877, %get3A_878] {strides = array<i32>} : memref<2x8x2048xf32, #tpu.memory_space<vmem>>, vector<1x1x16xf32>,
        %get3A_880 = vector.shape_cast %get3A_879 : vector<1x1x16xf32> to vector<16xf32>
        %get3A_881 = arith.constant 1 : i32
        %get3A_882 = arith.constant 4 : i32
        %get3A_883 = arith.index_cast %get3A_881 : i32 to index
        %get3A_884 = arith.index_cast %get3A_882 : i32 to index
        %get3A_885 = arith.index_cast %multiple_of3A_873 : i32 to index
        %get3A_886 = tpu.vector_load %arg7[%get3A_883, %get3A_884, %get3A_885] {strides = array<i32>} : memref<2x8x2048xf32, #tpu.memory_space<vmem>>, vector<1x1x16xf32>,
        %get3A_887 = vector.shape_cast %get3A_886 : vector<1x1x16xf32> to vector<16xf32>
        %sub3A_888 = arith.subf %get3A_880, %get3A_887 : vector<16xf32>
        %jit3A_889 = arith.constant 0.000000e+00 : f32
        %broadcast_in_dim3A_890 = vector.broadcast %jit3A_889 : f32 to vector<16xf32>
        %select_n3A_891 = arith.select %ne3A_870, %sub3A_888, %broadcast_in_dim3A_890 : vector<16xi1>, vector<16xf32>
        %mul3A_892 = arith.mulf %select_n3A_891, %select_n3A_891 : vector<16xf32>
        %add3A_893 = arith.addf %add3A_864, %mul3A_892 : vector<16xf32>
        %and3A_894 = arith.constant 65536 : i32
        %and3A_895 = vector.broadcast %and3A_894 : i32 to vector<16xi32>
        %and3A_896 = arith.andi %get3A_828, %and3A_895 : vector<16xi32>
        %ne3A_897 = arith.constant 0 : i32
        %ne3A_898 = vector.broadcast %ne3A_897 : i32 to vector<16xi32>
        %ne3A_899 = arith.cmpi ne, %and3A_896, %ne3A_898 : vector<16xi32>
        %add3A_900 = arith.constant 1024 : i32
        %add3A_901 = arith.addi %multiple_of3A_308, %add3A_900 : i32
        %multiple_of3A_902 = tpu.assume_multiple %add3A_901, 16 : i32
        %get3A_903 = arith.constant 1 : i32
        %get3A_904 = arith.constant 4 : i32
        %get3A_905 = arith.index_cast %get3A_903 : i32 to index
        %get3A_906 = arith.index_cast %get3A_904 : i32 to index
        %get3A_907 = arith.index_cast %multiple_of3A_902 : i32 to index
        %get3A_908 = tpu.vector_load %arg8[%get3A_905, %get3A_906, %get3A_907] {strides = array<i32>} : memref<2x8x2048xf32, #tpu.memory_space<vmem>>, vector<1x1x16xf32>,
        %get3A_909 = vector.shape_cast %get3A_908 : vector<1x1x16xf32> to vector<16xf32>
        %get3A_910 = arith.constant 1 : i32
        %get3A_911 = arith.constant 4 : i32
        %get3A_912 = arith.index_cast %get3A_910 : i32 to index
        %get3A_913 = arith.index_cast %get3A_911 : i32 to index
        %get3A_914 = arith.index_cast %multiple_of3A_902 : i32 to index
        %get3A_915 = tpu.vector_load %arg7[%get3A_912, %get3A_913, %get3A_914] {strides = array<i32>} : memref<2x8x2048xf32, #tpu.memory_space<vmem>>, vector<1x1x16xf32>,
        %get3A_916 = vector.shape_cast %get3A_915 : vector<1x1x16xf32> to vector<16xf32>
        %sub3A_917 = arith.subf %get3A_909, %get3A_916 : vector<16xf32>
        %jit3A_918 = arith.constant 0.000000e+00 : f32
        %broadcast_in_dim3A_919 = vector.broadcast %jit3A_918 : f32 to vector<16xf32>
        %select_n3A_920 = arith.select %ne3A_899, %sub3A_917, %broadcast_in_dim3A_919 : vector<16xi1>, vector<16xf32>
        %mul3A_921 = arith.mulf %select_n3A_920, %select_n3A_920 : vector<16xf32>
        %add3A_922 = arith.addf %add3A_893, %mul3A_921 : vector<16xf32>
        %and3A_923 = arith.constant 16777216 : i32
        %and3A_924 = vector.broadcast %and3A_923 : i32 to vector<16xi32>
        %and3A_925 = arith.andi %get3A_828, %and3A_924 : vector<16xi32>
        %ne3A_926 = arith.constant 0 : i32
        %ne3A_927 = vector.broadcast %ne3A_926 : i32 to vector<16xi32>
        %ne3A_928 = arith.cmpi ne, %and3A_925, %ne3A_927 : vector<16xi32>
        %add3A_929 = arith.constant 1536 : i32
        %add3A_930 = arith.addi %multiple_of3A_308, %add3A_929 : i32
        %multiple_of3A_931 = tpu.assume_multiple %add3A_930, 16 : i32
        %get3A_932 = arith.constant 1 : i32
        %get3A_933 = arith.constant 4 : i32
        %get3A_934 = arith.index_cast %get3A_932 : i32 to index
        %get3A_935 = arith.index_cast %get3A_933 : i32 to index
        %get3A_936 = arith.index_cast %multiple_of3A_931 : i32 to index
        %get3A_937 = tpu.vector_load %arg8[%get3A_934, %get3A_935, %get3A_936] {strides = array<i32>} : memref<2x8x2048xf32, #tpu.memory_space<vmem>>, vector<1x1x16xf32>,
        %get3A_938 = vector.shape_cast %get3A_937 : vector<1x1x16xf32> to vector<16xf32>
        %get3A_939 = arith.constant 1 : i32
        %get3A_940 = arith.constant 4 : i32
        %get3A_941 = arith.index_cast %get3A_939 : i32 to index
        %get3A_942 = arith.index_cast %get3A_940 : i32 to index
        %get3A_943 = arith.index_cast %multiple_of3A_931 : i32 to index
        %get3A_944 = tpu.vector_load %arg7[%get3A_941, %get3A_942, %get3A_943] {strides = array<i32>} : memref<2x8x2048xf32, #tpu.memory_space<vmem>>, vector<1x1x16xf32>,
        %get3A_945 = vector.shape_cast %get3A_944 : vector<1x1x16xf32> to vector<16xf32>
        %sub3A_946 = arith.subf %get3A_938, %get3A_945 : vector<16xf32>
        %jit3A_947 = arith.constant 0.000000e+00 : f32
        %broadcast_in_dim3A_948 = vector.broadcast %jit3A_947 : f32 to vector<16xf32>
        %select_n3A_949 = arith.select %ne3A_928, %sub3A_946, %broadcast_in_dim3A_948 : vector<16xi1>, vector<16xf32>
        %mul3A_950 = arith.mulf %select_n3A_949, %select_n3A_949 : vector<16xf32>
        %add3A_951 = arith.addf %add3A_922, %mul3A_950 : vector<16xf32>
        %get3A_952 = arith.constant 1 : i32
        %get3A_953 = arith.constant 5 : i32
        %get3A_954 = arith.index_cast %get3A_952 : i32 to index
        %get3A_955 = arith.index_cast %get3A_953 : i32 to index
        %get3A_956 = arith.index_cast %multiple_of3A_308 : i32 to index
        %get3A_957 = tpu.vector_load %arg9[%get3A_954, %get3A_955, %get3A_956] {strides = array<i32>} : memref<2x8x512xi32, #tpu.memory_space<vmem>>, vector<1x1x16xi32>,
        %get3A_958 = vector.shape_cast %get3A_957 : vector<1x1x16xi32> to vector<16xi32>
        %mul3A_959 = arith.constant 16843009 : i32
        %mul3A_960 = vector.broadcast %mul3A_959 : i32 to vector<16xi32>
        %mul3A_961 = arith.muli %get3A_958, %mul3A_960 : vector<16xi32>
        %shift_right_logical3A_962 = arith.constant 24 : i32
        %shift_right_logical3A_963 = vector.broadcast %shift_right_logical3A_962 : i32 to vector<16xi32>
        %shift_right_logical3A_964 = arith.shrui %mul3A_961, %shift_right_logical3A_963 : vector<16xi32>
        %add3A_965 = arith.addi %add3A_835, %shift_right_logical3A_964 : vector<16xi32>
        %and3A_966 = arith.constant 1 : i32
        %and3A_967 = vector.broadcast %and3A_966 : i32 to vector<16xi32>
        %and3A_968 = arith.andi %get3A_958, %and3A_967 : vector<16xi32>
        %ne3A_969 = arith.constant 0 : i32
        %ne3A_970 = vector.broadcast %ne3A_969 : i32 to vector<16xi32>
        %ne3A_971 = arith.cmpi ne, %and3A_968, %ne3A_970 : vector<16xi32>
        %add3A_972 = arith.constant 0 : i32
        %add3A_973 = arith.addi %multiple_of3A_308, %add3A_972 : i32
        %multiple_of3A_974 = tpu.assume_multiple %add3A_973, 16 : i32
        %get3A_975 = arith.constant 1 : i32
        %get3A_976 = arith.constant 5 : i32
        %get3A_977 = arith.index_cast %get3A_975 : i32 to index
        %get3A_978 = arith.index_cast %get3A_976 : i32 to index
        %get3A_979 = arith.index_cast %multiple_of3A_974 : i32 to index
        %get3A_980 = tpu.vector_load %arg8[%get3A_977, %get3A_978, %get3A_979] {strides = array<i32>} : memref<2x8x2048xf32, #tpu.memory_space<vmem>>, vector<1x1x16xf32>,
        %get3A_981 = vector.shape_cast %get3A_980 : vector<1x1x16xf32> to vector<16xf32>
        %get3A_982 = arith.constant 1 : i32
        %get3A_983 = arith.constant 5 : i32
        %get3A_984 = arith.index_cast %get3A_982 : i32 to index
        %get3A_985 = arith.index_cast %get3A_983 : i32 to index
        %get3A_986 = arith.index_cast %multiple_of3A_974 : i32 to index
        %get3A_987 = tpu.vector_load %arg7[%get3A_984, %get3A_985, %get3A_986] {strides = array<i32>} : memref<2x8x2048xf32, #tpu.memory_space<vmem>>, vector<1x1x16xf32>,
        %get3A_988 = vector.shape_cast %get3A_987 : vector<1x1x16xf32> to vector<16xf32>
        %sub3A_989 = arith.subf %get3A_981, %get3A_988 : vector<16xf32>
        %jit3A_990 = arith.constant 0.000000e+00 : f32
        %broadcast_in_dim3A_991 = vector.broadcast %jit3A_990 : f32 to vector<16xf32>
        %select_n3A_992 = arith.select %ne3A_971, %sub3A_989, %broadcast_in_dim3A_991 : vector<16xi1>, vector<16xf32>
        %mul3A_993 = arith.mulf %select_n3A_992, %select_n3A_992 : vector<16xf32>
        %add3A_994 = arith.addf %add3A_951, %mul3A_993 : vector<16xf32>
        %and3A_995 = arith.constant 256 : i32
        %and3A_996 = vector.broadcast %and3A_995 : i32 to vector<16xi32>
        %and3A_997 = arith.andi %get3A_958, %and3A_996 : vector<16xi32>
        %ne3A_998 = arith.constant 0 : i32
        %ne3A_999 = vector.broadcast %ne3A_998 : i32 to vector<16xi32>
        %ne3A_1000 = arith.cmpi ne, %and3A_997, %ne3A_999 : vector<16xi32>
        %add3A_1001 = arith.constant 512 : i32
        %add3A_1002 = arith.addi %multiple_of3A_308, %add3A_1001 : i32
        %multiple_of3A_1003 = tpu.assume_multiple %add3A_1002, 16 : i32
        %get3A_1004 = arith.constant 1 : i32
        %get3A_1005 = arith.constant 5 : i32
        %get3A_1006 = arith.index_cast %get3A_1004 : i32 to index
        %get3A_1007 = arith.index_cast %get3A_1005 : i32 to index
        %get3A_1008 = arith.index_cast %multiple_of3A_1003 : i32 to index
        %get3A_1009 = tpu.vector_load %arg8[%get3A_1006, %get3A_1007, %get3A_1008] {strides = array<i32>} : memref<2x8x2048xf32, #tpu.memory_space<vmem>>, vector<1x1x16xf32>,
        %get3A_1010 = vector.shape_cast %get3A_1009 : vector<1x1x16xf32> to vector<16xf32>
        %get3A_1011 = arith.constant 1 : i32
        %get3A_1012 = arith.constant 5 : i32
        %get3A_1013 = arith.index_cast %get3A_1011 : i32 to index
        %get3A_1014 = arith.index_cast %get3A_1012 : i32 to index
        %get3A_1015 = arith.index_cast %multiple_of3A_1003 : i32 to index
        %get3A_1016 = tpu.vector_load %arg7[%get3A_1013, %get3A_1014, %get3A_1015] {strides = array<i32>} : memref<2x8x2048xf32, #tpu.memory_space<vmem>>, vector<1x1x16xf32>,
        %get3A_1017 = vector.shape_cast %get3A_1016 : vector<1x1x16xf32> to vector<16xf32>
        %sub3A_1018 = arith.subf %get3A_1010, %get3A_1017 : vector<16xf32>
        %jit3A_1019 = arith.constant 0.000000e+00 : f32
        %broadcast_in_dim3A_1020 = vector.broadcast %jit3A_1019 : f32 to vector<16xf32>
        %select_n3A_1021 = arith.select %ne3A_1000, %sub3A_1018, %broadcast_in_dim3A_1020 : vector<16xi1>, vector<16xf32>
        %mul3A_1022 = arith.mulf %select_n3A_1021, %select_n3A_1021 : vector<16xf32>
        %add3A_1023 = arith.addf %add3A_994, %mul3A_1022 : vector<16xf32>
        %and3A_1024 = arith.constant 65536 : i32
        %and3A_1025 = vector.broadcast %and3A_1024 : i32 to vector<16xi32>
        %and3A_1026 = arith.andi %get3A_958, %and3A_1025 : vector<16xi32>
        %ne3A_1027 = arith.constant 0 : i32
        %ne3A_1028 = vector.broadcast %ne3A_1027 : i32 to vector<16xi32>
        %ne3A_1029 = arith.cmpi ne, %and3A_1026, %ne3A_1028 : vector<16xi32>
        %add3A_1030 = arith.constant 1024 : i32
        %add3A_1031 = arith.addi %multiple_of3A_308, %add3A_1030 : i32
        %multiple_of3A_1032 = tpu.assume_multiple %add3A_1031, 16 : i32
        %get3A_1033 = arith.constant 1 : i32
        %get3A_1034 = arith.constant 5 : i32
        %get3A_1035 = arith.index_cast %get3A_1033 : i32 to index
        %get3A_1036 = arith.index_cast %get3A_1034 : i32 to index
        %get3A_1037 = arith.index_cast %multiple_of3A_1032 : i32 to index
        %get3A_1038 = tpu.vector_load %arg8[%get3A_1035, %get3A_1036, %get3A_1037] {strides = array<i32>} : memref<2x8x2048xf32, #tpu.memory_space<vmem>>, vector<1x1x16xf32>,
        %get3A_1039 = vector.shape_cast %get3A_1038 : vector<1x1x16xf32> to vector<16xf32>
        %get3A_1040 = arith.constant 1 : i32
        %get3A_1041 = arith.constant 5 : i32
        %get3A_1042 = arith.index_cast %get3A_1040 : i32 to index
        %get3A_1043 = arith.index_cast %get3A_1041 : i32 to index
        %get3A_1044 = arith.index_cast %multiple_of3A_1032 : i32 to index
        %get3A_1045 = tpu.vector_load %arg7[%get3A_1042, %get3A_1043, %get3A_1044] {strides = array<i32>} : memref<2x8x2048xf32, #tpu.memory_space<vmem>>, vector<1x1x16xf32>,
        %get3A_1046 = vector.shape_cast %get3A_1045 : vector<1x1x16xf32> to vector<16xf32>
        %sub3A_1047 = arith.subf %get3A_1039, %get3A_1046 : vector<16xf32>
        %jit3A_1048 = arith.constant 0.000000e+00 : f32
        %broadcast_in_dim3A_1049 = vector.broadcast %jit3A_1048 : f32 to vector<16xf32>
        %select_n3A_1050 = arith.select %ne3A_1029, %sub3A_1047, %broadcast_in_dim3A_1049 : vector<16xi1>, vector<16xf32>
        %mul3A_1051 = arith.mulf %select_n3A_1050, %select_n3A_1050 : vector<16xf32>
        %add3A_1052 = arith.addf %add3A_1023, %mul3A_1051 : vector<16xf32>
        %and3A_1053 = arith.constant 16777216 : i32
        %and3A_1054 = vector.broadcast %and3A_1053 : i32 to vector<16xi32>
        %and3A_1055 = arith.andi %get3A_958, %and3A_1054 : vector<16xi32>
        %ne3A_1056 = arith.constant 0 : i32
        %ne3A_1057 = vector.broadcast %ne3A_1056 : i32 to vector<16xi32>
        %ne3A_1058 = arith.cmpi ne, %and3A_1055, %ne3A_1057 : vector<16xi32>
        %add3A_1059 = arith.constant 1536 : i32
        %add3A_1060 = arith.addi %multiple_of3A_308, %add3A_1059 : i32
        %multiple_of3A_1061 = tpu.assume_multiple %add3A_1060, 16 : i32
        %get3A_1062 = arith.constant 1 : i32
        %get3A_1063 = arith.constant 5 : i32
        %get3A_1064 = arith.index_cast %get3A_1062 : i32 to index
        %get3A_1065 = arith.index_cast %get3A_1063 : i32 to index
        %get3A_1066 = arith.index_cast %multiple_of3A_1061 : i32 to index
        %get3A_1067 = tpu.vector_load %arg8[%get3A_1064, %get3A_1065, %get3A_1066] {strides = array<i32>} : memref<2x8x2048xf32, #tpu.memory_space<vmem>>, vector<1x1x16xf32>,
        %get3A_1068 = vector.shape_cast %get3A_1067 : vector<1x1x16xf32> to vector<16xf32>
        %get3A_1069 = arith.constant 1 : i32
        %get3A_1070 = arith.constant 5 : i32
        %get3A_1071 = arith.index_cast %get3A_1069 : i32 to index
        %get3A_1072 = arith.index_cast %get3A_1070 : i32 to index
        %get3A_1073 = arith.index_cast %multiple_of3A_1061 : i32 to index
        %get3A_1074 = tpu.vector_load %arg7[%get3A_1071, %get3A_1072, %get3A_1073] {strides = array<i32>} : memref<2x8x2048xf32, #tpu.memory_space<vmem>>, vector<1x1x16xf32>,
        %get3A_1075 = vector.shape_cast %get3A_1074 : vector<1x1x16xf32> to vector<16xf32>
        %sub3A_1076 = arith.subf %get3A_1068, %get3A_1075 : vector<16xf32>
        %jit3A_1077 = arith.constant 0.000000e+00 : f32
        %broadcast_in_dim3A_1078 = vector.broadcast %jit3A_1077 : f32 to vector<16xf32>
        %select_n3A_1079 = arith.select %ne3A_1058, %sub3A_1076, %broadcast_in_dim3A_1078 : vector<16xi1>, vector<16xf32>
        %mul3A_1080 = arith.mulf %select_n3A_1079, %select_n3A_1079 : vector<16xf32>
        %add3A_1081 = arith.addf %add3A_1052, %mul3A_1080 : vector<16xf32>
        %get3A_1082 = arith.constant 1 : i32
        %get3A_1083 = arith.constant 6 : i32
        %get3A_1084 = arith.index_cast %get3A_1082 : i32 to index
        %get3A_1085 = arith.index_cast %get3A_1083 : i32 to index
        %get3A_1086 = arith.index_cast %multiple_of3A_308 : i32 to index
        %get3A_1087 = tpu.vector_load %arg9[%get3A_1084, %get3A_1085, %get3A_1086] {strides = array<i32>} : memref<2x8x512xi32, #tpu.memory_space<vmem>>, vector<1x1x16xi32>,
        %get3A_1088 = vector.shape_cast %get3A_1087 : vector<1x1x16xi32> to vector<16xi32>
        %mul3A_1089 = arith.constant 16843009 : i32
        %mul3A_1090 = vector.broadcast %mul3A_1089 : i32 to vector<16xi32>
        %mul3A_1091 = arith.muli %get3A_1088, %mul3A_1090 : vector<16xi32>
        %shift_right_logical3A_1092 = arith.constant 24 : i32
        %shift_right_logical3A_1093 = vector.broadcast %shift_right_logical3A_1092 : i32 to vector<16xi32>
        %shift_right_logical3A_1094 = arith.shrui %mul3A_1091, %shift_right_logical3A_1093 : vector<16xi32>
        %add3A_1095 = arith.addi %add3A_965, %shift_right_logical3A_1094 : vector<16xi32>
        %and3A_1096 = arith.constant 1 : i32
        %and3A_1097 = vector.broadcast %and3A_1096 : i32 to vector<16xi32>
        %and3A_1098 = arith.andi %get3A_1088, %and3A_1097 : vector<16xi32>
        %ne3A_1099 = arith.constant 0 : i32
        %ne3A_1100 = vector.broadcast %ne3A_1099 : i32 to vector<16xi32>
        %ne3A_1101 = arith.cmpi ne, %and3A_1098, %ne3A_1100 : vector<16xi32>
        %add3A_1102 = arith.constant 0 : i32
        %add3A_1103 = arith.addi %multiple_of3A_308, %add3A_1102 : i32
        %multiple_of3A_1104 = tpu.assume_multiple %add3A_1103, 16 : i32
        %get3A_1105 = arith.constant 1 : i32
        %get3A_1106 = arith.constant 6 : i32
        %get3A_1107 = arith.index_cast %get3A_1105 : i32 to index
        %get3A_1108 = arith.index_cast %get3A_1106 : i32 to index
        %get3A_1109 = arith.index_cast %multiple_of3A_1104 : i32 to index
        %get3A_1110 = tpu.vector_load %arg8[%get3A_1107, %get3A_1108, %get3A_1109] {strides = array<i32>} : memref<2x8x2048xf32, #tpu.memory_space<vmem>>, vector<1x1x16xf32>,
        %get3A_1111 = vector.shape_cast %get3A_1110 : vector<1x1x16xf32> to vector<16xf32>
        %get3A_1112 = arith.constant 1 : i32
        %get3A_1113 = arith.constant 6 : i32
        %get3A_1114 = arith.index_cast %get3A_1112 : i32 to index
        %get3A_1115 = arith.index_cast %get3A_1113 : i32 to index
        %get3A_1116 = arith.index_cast %multiple_of3A_1104 : i32 to index
        %get3A_1117 = tpu.vector_load %arg7[%get3A_1114, %get3A_1115, %get3A_1116] {strides = array<i32>} : memref<2x8x2048xf32, #tpu.memory_space<vmem>>, vector<1x1x16xf32>,
        %get3A_1118 = vector.shape_cast %get3A_1117 : vector<1x1x16xf32> to vector<16xf32>
        %sub3A_1119 = arith.subf %get3A_1111, %get3A_1118 : vector<16xf32>
        %jit3A_1120 = arith.constant 0.000000e+00 : f32
        %broadcast_in_dim3A_1121 = vector.broadcast %jit3A_1120 : f32 to vector<16xf32>
        %select_n3A_1122 = arith.select %ne3A_1101, %sub3A_1119, %broadcast_in_dim3A_1121 : vector<16xi1>, vector<16xf32>
        %mul3A_1123 = arith.mulf %select_n3A_1122, %select_n3A_1122 : vector<16xf32>
        %add3A_1124 = arith.addf %add3A_1081, %mul3A_1123 : vector<16xf32>
        %and3A_1125 = arith.constant 256 : i32
        %and3A_1126 = vector.broadcast %and3A_1125 : i32 to vector<16xi32>
        %and3A_1127 = arith.andi %get3A_1088, %and3A_1126 : vector<16xi32>
        %ne3A_1128 = arith.constant 0 : i32
        %ne3A_1129 = vector.broadcast %ne3A_1128 : i32 to vector<16xi32>
        %ne3A_1130 = arith.cmpi ne, %and3A_1127, %ne3A_1129 : vector<16xi32>
        %add3A_1131 = arith.constant 512 : i32
        %add3A_1132 = arith.addi %multiple_of3A_308, %add3A_1131 : i32
        %multiple_of3A_1133 = tpu.assume_multiple %add3A_1132, 16 : i32
        %get3A_1134 = arith.constant 1 : i32
        %get3A_1135 = arith.constant 6 : i32
        %get3A_1136 = arith.index_cast %get3A_1134 : i32 to index
        %get3A_1137 = arith.index_cast %get3A_1135 : i32 to index
        %get3A_1138 = arith.index_cast %multiple_of3A_1133 : i32 to index
        %get3A_1139 = tpu.vector_load %arg8[%get3A_1136, %get3A_1137, %get3A_1138] {strides = array<i32>} : memref<2x8x2048xf32, #tpu.memory_space<vmem>>, vector<1x1x16xf32>,
        %get3A_1140 = vector.shape_cast %get3A_1139 : vector<1x1x16xf32> to vector<16xf32>
        %get3A_1141 = arith.constant 1 : i32
        %get3A_1142 = arith.constant 6 : i32
        %get3A_1143 = arith.index_cast %get3A_1141 : i32 to index
        %get3A_1144 = arith.index_cast %get3A_1142 : i32 to index
        %get3A_1145 = arith.index_cast %multiple_of3A_1133 : i32 to index
        %get3A_1146 = tpu.vector_load %arg7[%get3A_1143, %get3A_1144, %get3A_1145] {strides = array<i32>} : memref<2x8x2048xf32, #tpu.memory_space<vmem>>, vector<1x1x16xf32>,
        %get3A_1147 = vector.shape_cast %get3A_1146 : vector<1x1x16xf32> to vector<16xf32>
        %sub3A_1148 = arith.subf %get3A_1140, %get3A_1147 : vector<16xf32>
        %jit3A_1149 = arith.constant 0.000000e+00 : f32
        %broadcast_in_dim3A_1150 = vector.broadcast %jit3A_1149 : f32 to vector<16xf32>
        %select_n3A_1151 = arith.select %ne3A_1130, %sub3A_1148, %broadcast_in_dim3A_1150 : vector<16xi1>, vector<16xf32>
        %mul3A_1152 = arith.mulf %select_n3A_1151, %select_n3A_1151 : vector<16xf32>
        %add3A_1153 = arith.addf %add3A_1124, %mul3A_1152 : vector<16xf32>
        %and3A_1154 = arith.constant 65536 : i32
        %and3A_1155 = vector.broadcast %and3A_1154 : i32 to vector<16xi32>
        %and3A_1156 = arith.andi %get3A_1088, %and3A_1155 : vector<16xi32>
        %ne3A_1157 = arith.constant 0 : i32
        %ne3A_1158 = vector.broadcast %ne3A_1157 : i32 to vector<16xi32>
        %ne3A_1159 = arith.cmpi ne, %and3A_1156, %ne3A_1158 : vector<16xi32>
        %add3A_1160 = arith.constant 1024 : i32
        %add3A_1161 = arith.addi %multiple_of3A_308, %add3A_1160 : i32
        %multiple_of3A_1162 = tpu.assume_multiple %add3A_1161, 16 : i32
        %get3A_1163 = arith.constant 1 : i32
        %get3A_1164 = arith.constant 6 : i32
        %get3A_1165 = arith.index_cast %get3A_1163 : i32 to index
        %get3A_1166 = arith.index_cast %get3A_1164 : i32 to index
        %get3A_1167 = arith.index_cast %multiple_of3A_1162 : i32 to index
        %get3A_1168 = tpu.vector_load %arg8[%get3A_1165, %get3A_1166, %get3A_1167] {strides = array<i32>} : memref<2x8x2048xf32, #tpu.memory_space<vmem>>, vector<1x1x16xf32>,
        %get3A_1169 = vector.shape_cast %get3A_1168 : vector<1x1x16xf32> to vector<16xf32>
        %get3A_1170 = arith.constant 1 : i32
        %get3A_1171 = arith.constant 6 : i32
        %get3A_1172 = arith.index_cast %get3A_1170 : i32 to index
        %get3A_1173 = arith.index_cast %get3A_1171 : i32 to index
        %get3A_1174 = arith.index_cast %multiple_of3A_1162 : i32 to index
        %get3A_1175 = tpu.vector_load %arg7[%get3A_1172, %get3A_1173, %get3A_1174] {strides = array<i32>} : memref<2x8x2048xf32, #tpu.memory_space<vmem>>, vector<1x1x16xf32>,
        %get3A_1176 = vector.shape_cast %get3A_1175 : vector<1x1x16xf32> to vector<16xf32>
        %sub3A_1177 = arith.subf %get3A_1169, %get3A_1176 : vector<16xf32>
        %jit3A_1178 = arith.constant 0.000000e+00 : f32
        %broadcast_in_dim3A_1179 = vector.broadcast %jit3A_1178 : f32 to vector<16xf32>
        %select_n3A_1180 = arith.select %ne3A_1159, %sub3A_1177, %broadcast_in_dim3A_1179 : vector<16xi1>, vector<16xf32>
        %mul3A_1181 = arith.mulf %select_n3A_1180, %select_n3A_1180 : vector<16xf32>
        %add3A_1182 = arith.addf %add3A_1153, %mul3A_1181 : vector<16xf32>
        %and3A_1183 = arith.constant 16777216 : i32
        %and3A_1184 = vector.broadcast %and3A_1183 : i32 to vector<16xi32>
        %and3A_1185 = arith.andi %get3A_1088, %and3A_1184 : vector<16xi32>
        %ne3A_1186 = arith.constant 0 : i32
        %ne3A_1187 = vector.broadcast %ne3A_1186 : i32 to vector<16xi32>
        %ne3A_1188 = arith.cmpi ne, %and3A_1185, %ne3A_1187 : vector<16xi32>
        %add3A_1189 = arith.constant 1536 : i32
        %add3A_1190 = arith.addi %multiple_of3A_308, %add3A_1189 : i32
        %multiple_of3A_1191 = tpu.assume_multiple %add3A_1190, 16 : i32
        %get3A_1192 = arith.constant 1 : i32
        %get3A_1193 = arith.constant 6 : i32
        %get3A_1194 = arith.index_cast %get3A_1192 : i32 to index
        %get3A_1195 = arith.index_cast %get3A_1193 : i32 to index
        %get3A_1196 = arith.index_cast %multiple_of3A_1191 : i32 to index
        %get3A_1197 = tpu.vector_load %arg8[%get3A_1194, %get3A_1195, %get3A_1196] {strides = array<i32>} : memref<2x8x2048xf32, #tpu.memory_space<vmem>>, vector<1x1x16xf32>,
        %get3A_1198 = vector.shape_cast %get3A_1197 : vector<1x1x16xf32> to vector<16xf32>
        %get3A_1199 = arith.constant 1 : i32
        %get3A_1200 = arith.constant 6 : i32
        %get3A_1201 = arith.index_cast %get3A_1199 : i32 to index
        %get3A_1202 = arith.index_cast %get3A_1200 : i32 to index
        %get3A_1203 = arith.index_cast %multiple_of3A_1191 : i32 to index
        %get3A_1204 = tpu.vector_load %arg7[%get3A_1201, %get3A_1202, %get3A_1203] {strides = array<i32>} : memref<2x8x2048xf32, #tpu.memory_space<vmem>>, vector<1x1x16xf32>,
        %get3A_1205 = vector.shape_cast %get3A_1204 : vector<1x1x16xf32> to vector<16xf32>
        %sub3A_1206 = arith.subf %get3A_1198, %get3A_1205 : vector<16xf32>
        %jit3A_1207 = arith.constant 0.000000e+00 : f32
        %broadcast_in_dim3A_1208 = vector.broadcast %jit3A_1207 : f32 to vector<16xf32>
        %select_n3A_1209 = arith.select %ne3A_1188, %sub3A_1206, %broadcast_in_dim3A_1208 : vector<16xi1>, vector<16xf32>
        %mul3A_1210 = arith.mulf %select_n3A_1209, %select_n3A_1209 : vector<16xf32>
        %add3A_1211 = arith.addf %add3A_1182, %mul3A_1210 : vector<16xf32>
        %get3A_1212 = arith.constant 1 : i32
        %get3A_1213 = arith.constant 7 : i32
        %get3A_1214 = arith.index_cast %get3A_1212 : i32 to index
        %get3A_1215 = arith.index_cast %get3A_1213 : i32 to index
        %get3A_1216 = arith.index_cast %multiple_of3A_308 : i32 to index
        %get3A_1217 = tpu.vector_load %arg9[%get3A_1214, %get3A_1215, %get3A_1216] {strides = array<i32>} : memref<2x8x512xi32, #tpu.memory_space<vmem>>, vector<1x1x16xi32>,
        %get3A_1218 = vector.shape_cast %get3A_1217 : vector<1x1x16xi32> to vector<16xi32>
        %mul3A_1219 = arith.constant 16843009 : i32
        %mul3A_1220 = vector.broadcast %mul3A_1219 : i32 to vector<16xi32>
        %mul3A_1221 = arith.muli %get3A_1218, %mul3A_1220 : vector<16xi32>
        %shift_right_logical3A_1222 = arith.constant 24 : i32
        %shift_right_logical3A_1223 = vector.broadcast %shift_right_logical3A_1222 : i32 to vector<16xi32>
        %shift_right_logical3A_1224 = arith.shrui %mul3A_1221, %shift_right_logical3A_1223 : vector<16xi32>
        %add3A_1225 = arith.addi %add3A_1095, %shift_right_logical3A_1224 : vector<16xi32>
        %and3A_1226 = arith.constant 1 : i32
        %and3A_1227 = vector.broadcast %and3A_1226 : i32 to vector<16xi32>
        %and3A_1228 = arith.andi %get3A_1218, %and3A_1227 : vector<16xi32>
        %ne3A_1229 = arith.constant 0 : i32
        %ne3A_1230 = vector.broadcast %ne3A_1229 : i32 to vector<16xi32>
        %ne3A_1231 = arith.cmpi ne, %and3A_1228, %ne3A_1230 : vector<16xi32>
        %add3A_1232 = arith.constant 0 : i32
        %add3A_1233 = arith.addi %multiple_of3A_308, %add3A_1232 : i32
        %multiple_of3A_1234 = tpu.assume_multiple %add3A_1233, 16 : i32
        %get3A_1235 = arith.constant 1 : i32
        %get3A_1236 = arith.constant 7 : i32
        %get3A_1237 = arith.index_cast %get3A_1235 : i32 to index
        %get3A_1238 = arith.index_cast %get3A_1236 : i32 to index
        %get3A_1239 = arith.index_cast %multiple_of3A_1234 : i32 to index
        %get3A_1240 = tpu.vector_load %arg8[%get3A_1237, %get3A_1238, %get3A_1239] {strides = array<i32>} : memref<2x8x2048xf32, #tpu.memory_space<vmem>>, vector<1x1x16xf32>,
        %get3A_1241 = vector.shape_cast %get3A_1240 : vector<1x1x16xf32> to vector<16xf32>
        %get3A_1242 = arith.constant 1 : i32
        %get3A_1243 = arith.constant 7 : i32
        %get3A_1244 = arith.index_cast %get3A_1242 : i32 to index
        %get3A_1245 = arith.index_cast %get3A_1243 : i32 to index
        %get3A_1246 = arith.index_cast %multiple_of3A_1234 : i32 to index
        %get3A_1247 = tpu.vector_load %arg7[%get3A_1244, %get3A_1245, %get3A_1246] {strides = array<i32>} : memref<2x8x2048xf32, #tpu.memory_space<vmem>>, vector<1x1x16xf32>,
        %get3A_1248 = vector.shape_cast %get3A_1247 : vector<1x1x16xf32> to vector<16xf32>
        %sub3A_1249 = arith.subf %get3A_1241, %get3A_1248 : vector<16xf32>
        %jit3A_1250 = arith.constant 0.000000e+00 : f32
        %broadcast_in_dim3A_1251 = vector.broadcast %jit3A_1250 : f32 to vector<16xf32>
        %select_n3A_1252 = arith.select %ne3A_1231, %sub3A_1249, %broadcast_in_dim3A_1251 : vector<16xi1>, vector<16xf32>
        %mul3A_1253 = arith.mulf %select_n3A_1252, %select_n3A_1252 : vector<16xf32>
        %add3A_1254 = arith.addf %add3A_1211, %mul3A_1253 : vector<16xf32>
        %and3A_1255 = arith.constant 256 : i32
        %and3A_1256 = vector.broadcast %and3A_1255 : i32 to vector<16xi32>
        %and3A_1257 = arith.andi %get3A_1218, %and3A_1256 : vector<16xi32>
        %ne3A_1258 = arith.constant 0 : i32
        %ne3A_1259 = vector.broadcast %ne3A_1258 : i32 to vector<16xi32>
        %ne3A_1260 = arith.cmpi ne, %and3A_1257, %ne3A_1259 : vector<16xi32>
        %add3A_1261 = arith.constant 512 : i32
        %add3A_1262 = arith.addi %multiple_of3A_308, %add3A_1261 : i32
        %multiple_of3A_1263 = tpu.assume_multiple %add3A_1262, 16 : i32
        %get3A_1264 = arith.constant 1 : i32
        %get3A_1265 = arith.constant 7 : i32
        %get3A_1266 = arith.index_cast %get3A_1264 : i32 to index
        %get3A_1267 = arith.index_cast %get3A_1265 : i32 to index
        %get3A_1268 = arith.index_cast %multiple_of3A_1263 : i32 to index
        %get3A_1269 = tpu.vector_load %arg8[%get3A_1266, %get3A_1267, %get3A_1268] {strides = array<i32>} : memref<2x8x2048xf32, #tpu.memory_space<vmem>>, vector<1x1x16xf32>,
        %get3A_1270 = vector.shape_cast %get3A_1269 : vector<1x1x16xf32> to vector<16xf32>
        %get3A_1271 = arith.constant 1 : i32
        %get3A_1272 = arith.constant 7 : i32
        %get3A_1273 = arith.index_cast %get3A_1271 : i32 to index
        %get3A_1274 = arith.index_cast %get3A_1272 : i32 to index
        %get3A_1275 = arith.index_cast %multiple_of3A_1263 : i32 to index
        %get3A_1276 = tpu.vector_load %arg7[%get3A_1273, %get3A_1274, %get3A_1275] {strides = array<i32>} : memref<2x8x2048xf32, #tpu.memory_space<vmem>>, vector<1x1x16xf32>,
        %get3A_1277 = vector.shape_cast %get3A_1276 : vector<1x1x16xf32> to vector<16xf32>
        %sub3A_1278 = arith.subf %get3A_1270, %get3A_1277 : vector<16xf32>
        %jit3A_1279 = arith.constant 0.000000e+00 : f32
        %broadcast_in_dim3A_1280 = vector.broadcast %jit3A_1279 : f32 to vector<16xf32>
        %select_n3A_1281 = arith.select %ne3A_1260, %sub3A_1278, %broadcast_in_dim3A_1280 : vector<16xi1>, vector<16xf32>
        %mul3A_1282 = arith.mulf %select_n3A_1281, %select_n3A_1281 : vector<16xf32>
        %add3A_1283 = arith.addf %add3A_1254, %mul3A_1282 : vector<16xf32>
        %and3A_1284 = arith.constant 65536 : i32
        %and3A_1285 = vector.broadcast %and3A_1284 : i32 to vector<16xi32>
        %and3A_1286 = arith.andi %get3A_1218, %and3A_1285 : vector<16xi32>
        %ne3A_1287 = arith.constant 0 : i32
        %ne3A_1288 = vector.broadcast %ne3A_1287 : i32 to vector<16xi32>
        %ne3A_1289 = arith.cmpi ne, %and3A_1286, %ne3A_1288 : vector<16xi32>
        %add3A_1290 = arith.constant 1024 : i32
        %add3A_1291 = arith.addi %multiple_of3A_308, %add3A_1290 : i32
        %multiple_of3A_1292 = tpu.assume_multiple %add3A_1291, 16 : i32
        %get3A_1293 = arith.constant 1 : i32
        %get3A_1294 = arith.constant 7 : i32
        %get3A_1295 = arith.index_cast %get3A_1293 : i32 to index
        %get3A_1296 = arith.index_cast %get3A_1294 : i32 to index
        %get3A_1297 = arith.index_cast %multiple_of3A_1292 : i32 to index
        %get3A_1298 = tpu.vector_load %arg8[%get3A_1295, %get3A_1296, %get3A_1297] {strides = array<i32>} : memref<2x8x2048xf32, #tpu.memory_space<vmem>>, vector<1x1x16xf32>,
        %get3A_1299 = vector.shape_cast %get3A_1298 : vector<1x1x16xf32> to vector<16xf32>
        %get3A_1300 = arith.constant 1 : i32
        %get3A_1301 = arith.constant 7 : i32
        %get3A_1302 = arith.index_cast %get3A_1300 : i32 to index
        %get3A_1303 = arith.index_cast %get3A_1301 : i32 to index
        %get3A_1304 = arith.index_cast %multiple_of3A_1292 : i32 to index
        %get3A_1305 = tpu.vector_load %arg7[%get3A_1302, %get3A_1303, %get3A_1304] {strides = array<i32>} : memref<2x8x2048xf32, #tpu.memory_space<vmem>>, vector<1x1x16xf32>,
        %get3A_1306 = vector.shape_cast %get3A_1305 : vector<1x1x16xf32> to vector<16xf32>
        %sub3A_1307 = arith.subf %get3A_1299, %get3A_1306 : vector<16xf32>
        %jit3A_1308 = arith.constant 0.000000e+00 : f32
        %broadcast_in_dim3A_1309 = vector.broadcast %jit3A_1308 : f32 to vector<16xf32>
        %select_n3A_1310 = arith.select %ne3A_1289, %sub3A_1307, %broadcast_in_dim3A_1309 : vector<16xi1>, vector<16xf32>
        %mul3A_1311 = arith.mulf %select_n3A_1310, %select_n3A_1310 : vector<16xf32>
        %add3A_1312 = arith.addf %add3A_1283, %mul3A_1311 : vector<16xf32>
        %and3A_1313 = arith.constant 16777216 : i32
        %and3A_1314 = vector.broadcast %and3A_1313 : i32 to vector<16xi32>
        %and3A_1315 = arith.andi %get3A_1218, %and3A_1314 : vector<16xi32>
        %ne3A_1316 = arith.constant 0 : i32
        %ne3A_1317 = vector.broadcast %ne3A_1316 : i32 to vector<16xi32>
        %ne3A_1318 = arith.cmpi ne, %and3A_1315, %ne3A_1317 : vector<16xi32>
        %add3A_1319 = arith.constant 1536 : i32
        %add3A_1320 = arith.addi %multiple_of3A_308, %add3A_1319 : i32
        %multiple_of3A_1321 = tpu.assume_multiple %add3A_1320, 16 : i32
        %get3A_1322 = arith.constant 1 : i32
        %get3A_1323 = arith.constant 7 : i32
        %get3A_1324 = arith.index_cast %get3A_1322 : i32 to index
        %get3A_1325 = arith.index_cast %get3A_1323 : i32 to index
        %get3A_1326 = arith.index_cast %multiple_of3A_1321 : i32 to index
        %get3A_1327 = tpu.vector_load %arg8[%get3A_1324, %get3A_1325, %get3A_1326] {strides = array<i32>} : memref<2x8x2048xf32, #tpu.memory_space<vmem>>, vector<1x1x16xf32>,
        %get3A_1328 = vector.shape_cast %get3A_1327 : vector<1x1x16xf32> to vector<16xf32>
        %get3A_1329 = arith.constant 1 : i32
        %get3A_1330 = arith.constant 7 : i32
        %get3A_1331 = arith.index_cast %get3A_1329 : i32 to index
        %get3A_1332 = arith.index_cast %get3A_1330 : i32 to index
        %get3A_1333 = arith.index_cast %multiple_of3A_1321 : i32 to index
        %get3A_1334 = tpu.vector_load %arg7[%get3A_1331, %get3A_1332, %get3A_1333] {strides = array<i32>} : memref<2x8x2048xf32, #tpu.memory_space<vmem>>, vector<1x1x16xf32>,
        %get3A_1335 = vector.shape_cast %get3A_1334 : vector<1x1x16xf32> to vector<16xf32>
        %sub3A_1336 = arith.subf %get3A_1328, %get3A_1335 : vector<16xf32>
        %jit3A_1337 = arith.constant 0.000000e+00 : f32
        %broadcast_in_dim3A_1338 = vector.broadcast %jit3A_1337 : f32 to vector<16xf32>
        %select_n3A_1339 = arith.select %ne3A_1318, %sub3A_1336, %broadcast_in_dim3A_1338 : vector<16xi1>, vector<16xf32>
        %mul3A_1340 = arith.mulf %select_n3A_1339, %select_n3A_1339 : vector<16xf32>
        %add3A_1341 = arith.addf %add3A_1312, %mul3A_1340 : vector<16xf32>
        scf.yield %add3A_1341, %add3A_1225 : vector<16xf32>, vector<16xi32>
      }
      %scan3A_302 = arith.constant 32 : i32
      scf.yield %scan3A_301#0, %scan3A_301#1 : vector<16xf32>, vector<16xi32>
    }
    %scan3A_57 = arith.constant 12 : i32
    %dma_wait3A = arith.constant 0 : i32
    %dma_wait3A_58 = arith.constant 0 : i32
    %dma_wait3A_59 = arith.constant 0 : i32
    %dma_wait3A_60 = tpu.memref_slice %arg7[%dma_wait3A, %dma_wait3A_58, %dma_wait3A_59] : memref<2x8x2048xf32, #tpu.memory_space<vmem>> -> memref<1x8x2048xf32, #tpu.memory_space<vmem>>
    %dma_wait3A_61 = tpu.memref_squeeze %dma_wait3A_60 : memref<1x8x2048xf32, #tpu.memory_space<vmem>> -> memref<8x2048xf32, #tpu.memory_space<vmem>>
    %dma_wait3A_62 = arith.constant 0 : i32
    %dma_wait3A_63 = tpu.memref_slice %arg2[%add3A_4, %dma_wait3A_62] : memref<16384x2048xf32, #tpu.memory_space<hbm>> -> memref<8x2048xf32, #tpu.memory_space<hbm>>
    %dma_wait3A_64 = arith.constant 0 : i32
    %dma_wait3A_65 = arith.constant 0 : i32
    %dma_wait3A_66 = tpu.memref_slice %arg7[%dma_wait3A, %dma_wait3A_64, %dma_wait3A_65] : memref<2x8x2048xf32, #tpu.memory_space<vmem>> -> memref<1x8x2048xf32, #tpu.memory_space<vmem>>
    %dma_wait3A_67 = tpu.memref_squeeze %dma_wait3A_66 : memref<1x8x2048xf32, #tpu.memory_space<vmem>> -> memref<8x2048xf32, #tpu.memory_space<vmem>>
    %dma_wait3A_68 = arith.constant 0 : i32
    %dma_wait3A_69 = tpu.memref_slice %arg2[%add3A_4, %dma_wait3A_68] : memref<16384x2048xf32, #tpu.memory_space<hbm>> -> memref<8x2048xf32, #tpu.memory_space<hbm>>
    tpu.wait_dma2 semaphore(%arg12 : memref<!tpu.dma_semaphore, #tpu.memory_space<semaphore_mem>>) src(%dma_wait3A_69 : memref<8x2048xf32, #tpu.memory_space<hbm>>) dst(%dma_wait3A_67 : memref<8x2048xf32, #tpu.memory_space<vmem>>)
    %dma_wait3A_70 = arith.constant 0 : i32
    %dma_wait3A_71 = arith.constant 0 : i32
    %dma_wait3A_72 = arith.constant 0 : i32
    %dma_wait3A_73 = tpu.memref_slice %arg8[%dma_wait3A_70, %dma_wait3A_71, %dma_wait3A_72] : memref<2x8x2048xf32, #tpu.memory_space<vmem>> -> memref<1x8x2048xf32, #tpu.memory_space<vmem>>
    %dma_wait3A_74 = tpu.memref_squeeze %dma_wait3A_73 : memref<1x8x2048xf32, #tpu.memory_space<vmem>> -> memref<8x2048xf32, #tpu.memory_space<vmem>>
    %dma_wait3A_75 = arith.constant 0 : i32
    %dma_wait3A_76 = tpu.memref_slice %arg3[%add3A_4, %dma_wait3A_75] : memref<16384x2048xf32, #tpu.memory_space<hbm>> -> memref<8x2048xf32, #tpu.memory_space<hbm>>
    %dma_wait3A_77 = arith.constant 0 : i32
    %dma_wait3A_78 = arith.constant 0 : i32
    %dma_wait3A_79 = tpu.memref_slice %arg8[%dma_wait3A_70, %dma_wait3A_77, %dma_wait3A_78] : memref<2x8x2048xf32, #tpu.memory_space<vmem>> -> memref<1x8x2048xf32, #tpu.memory_space<vmem>>
    %dma_wait3A_80 = tpu.memref_squeeze %dma_wait3A_79 : memref<1x8x2048xf32, #tpu.memory_space<vmem>> -> memref<8x2048xf32, #tpu.memory_space<vmem>>
    %dma_wait3A_81 = arith.constant 0 : i32
    %dma_wait3A_82 = tpu.memref_slice %arg3[%add3A_4, %dma_wait3A_81] : memref<16384x2048xf32, #tpu.memory_space<hbm>> -> memref<8x2048xf32, #tpu.memory_space<hbm>>
    tpu.wait_dma2 semaphore(%arg14 : memref<!tpu.dma_semaphore, #tpu.memory_space<semaphore_mem>>) src(%dma_wait3A_82 : memref<8x2048xf32, #tpu.memory_space<hbm>>) dst(%dma_wait3A_80 : memref<8x2048xf32, #tpu.memory_space<vmem>>)
    %dma_wait3A_83 = arith.constant 0 : i32
    %dma_wait3A_84 = arith.constant 0 : i32
    %dma_wait3A_85 = arith.constant 0 : i32
    %dma_wait3A_86 = tpu.memref_slice %arg9[%dma_wait3A_83, %dma_wait3A_84, %dma_wait3A_85] : memref<2x8x512xi32, #tpu.memory_space<vmem>> -> memref<1x8x512xi32, #tpu.memory_space<vmem>>
    %dma_wait3A_87 = tpu.memref_squeeze %dma_wait3A_86 : memref<1x8x512xi32, #tpu.memory_space<vmem>> -> memref<8x512xi32, #tpu.memory_space<vmem>>
    %dma_wait3A_88 = arith.constant 0 : i32
    %dma_wait3A_89 = tpu.memref_slice %arg4[%mul3A_6, %dma_wait3A_88] : memref<6144x512xi32, #tpu.memory_space<hbm>> -> memref<8x512xi32, #tpu.memory_space<hbm>>
    %dma_wait3A_90 = arith.constant 0 : i32
    %dma_wait3A_91 = arith.constant 0 : i32
    %dma_wait3A_92 = tpu.memref_slice %arg9[%dma_wait3A_83, %dma_wait3A_90, %dma_wait3A_91] : memref<2x8x512xi32, #tpu.memory_space<vmem>> -> memref<1x8x512xi32, #tpu.memory_space<vmem>>
    %dma_wait3A_93 = tpu.memref_squeeze %dma_wait3A_92 : memref<1x8x512xi32, #tpu.memory_space<vmem>> -> memref<8x512xi32, #tpu.memory_space<vmem>>
    %dma_wait3A_94 = arith.constant 0 : i32
    %dma_wait3A_95 = tpu.memref_slice %arg4[%mul3A_6, %dma_wait3A_94] : memref<6144x512xi32, #tpu.memory_space<hbm>> -> memref<8x512xi32, #tpu.memory_space<hbm>>
    tpu.wait_dma2 semaphore(%arg16 : memref<!tpu.dma_semaphore, #tpu.memory_space<semaphore_mem>>) src(%dma_wait3A_95 : memref<8x512xi32, #tpu.memory_space<hbm>>) dst(%dma_wait3A_93 : memref<8x512xi32, #tpu.memory_space<vmem>>)
    %swap3A = arith.constant 0 : index
    %swap3A_96 = tpu.vector_load %arg10[%swap3A] {strides = array<i32>} : memref<16xf32, #tpu.memory_space<vmem>>, vector<16xf32>,
    %swap3A_97 = vector.shape_cast %swap3A_96 : vector<16xf32> to vector<16xf32>
    %swap3A_98 = vector.shape_cast %scan3A_56#0 : vector<16xf32> to vector<16xf32>
    tpu.vector_store %arg10[%swap3A], %swap3A_98 {strides = array<i32>} : memref<16xf32, #tpu.memory_space<vmem>>, vector<16xf32>,
    %convert_element_type3A = arith.sitofp %scan3A_56#1 : vector<16xi32> to vector<16xf32>
    %swap3A_99 = arith.constant 0 : index
    %swap3A_100 = tpu.vector_load %arg11[%swap3A_99] {strides = array<i32>} : memref<16xf32, #tpu.memory_space<vmem>>, vector<16xf32>,
    %swap3A_101 = vector.shape_cast %swap3A_100 : vector<16xf32> to vector<16xf32>
    %swap3A_102 = vector.shape_cast %convert_element_type3A : vector<16xf32> to vector<16xf32>
    tpu.vector_store %arg11[%swap3A_99], %swap3A_102 {strides = array<i32>} : memref<16xf32, #tpu.memory_space<vmem>>, vector<16xf32>,
    %mul3A_103 = arith.constant 16 : i32
    %mul3A_104 = arith.muli %add3A, %mul3A_103 : i32
    "tpu.region"() ({
      %run_scoped3A = tpu.sem_alloc : memref<!tpu.dma_semaphore, #tpu.memory_space<semaphore_mem>>
      %dma_start3A_107 = tpu.memref_slice %arg5[%mul3A_104] : memref<512xf32, #tpu.memory_space<hbm>> -> memref<16xf32, #tpu.memory_space<hbm>>
      %dma_start3A_108 = tpu.memref_slice %arg5[%mul3A_104] : memref<512xf32, #tpu.memory_space<hbm>> -> memref<16xf32, #tpu.memory_space<hbm>>
      tpu.enqueue_dma source(%arg10 : memref<16xf32, #tpu.memory_space<vmem>>) target(%dma_start3A_108 : memref<16xf32, #tpu.memory_space<hbm>>) target_semaphore(%run_scoped3A : memref<!tpu.dma_semaphore, #tpu.memory_space<semaphore_mem>>)
      %dma_wait3A_109 = tpu.memref_slice %arg5[%mul3A_104] : memref<512xf32, #tpu.memory_space<hbm>> -> memref<16xf32, #tpu.memory_space<hbm>>
      %dma_wait3A_110 = tpu.memref_slice %arg5[%mul3A_104] : memref<512xf32, #tpu.memory_space<hbm>> -> memref<16xf32, #tpu.memory_space<hbm>>
      tpu.wait_dma2 semaphore(%run_scoped3A : memref<!tpu.dma_semaphore, #tpu.memory_space<semaphore_mem>>) src(%arg10 : memref<16xf32, #tpu.memory_space<vmem>>) dst(%dma_wait3A_110 : memref<16xf32, #tpu.memory_space<hbm>>)
      tpu.yield
    }) : () -> ()
    %mul3A_105 = arith.constant 16 : i32
    %mul3A_106 = arith.muli %add3A, %mul3A_105 : i32
    "tpu.region"() ({
      %run_scoped3A = tpu.sem_alloc : memref<!tpu.dma_semaphore, #tpu.memory_space<semaphore_mem>>
      %dma_start3A_107 = tpu.memref_slice %arg6[%mul3A_106] : memref<512xf32, #tpu.memory_space<hbm>> -> memref<16xf32, #tpu.memory_space<hbm>>
      %dma_start3A_108 = tpu.memref_slice %arg6[%mul3A_106] : memref<512xf32, #tpu.memory_space<hbm>> -> memref<16xf32, #tpu.memory_space<hbm>>
      tpu.enqueue_dma source(%arg11 : memref<16xf32, #tpu.memory_space<vmem>>) target(%dma_start3A_108 : memref<16xf32, #tpu.memory_space<hbm>>) target_semaphore(%run_scoped3A : memref<!tpu.dma_semaphore, #tpu.memory_space<semaphore_mem>>)
      %dma_wait3A_109 = tpu.memref_slice %arg6[%mul3A_106] : memref<512xf32, #tpu.memory_space<hbm>> -> memref<16xf32, #tpu.memory_space<hbm>>
      %dma_wait3A_110 = tpu.memref_slice %arg6[%mul3A_106] : memref<512xf32, #tpu.memory_space<hbm>> -> memref<16xf32, #tpu.memory_space<hbm>>
      tpu.wait_dma2 semaphore(%run_scoped3A : memref<!tpu.dma_semaphore, #tpu.memory_space<semaphore_mem>>) src(%arg11 : memref<16xf32, #tpu.memory_space<vmem>>) dst(%dma_wait3A_110 : memref<16xf32, #tpu.memory_space<hbm>>)
      tpu.yield
    }) : () -> ()
    return
  }
}

module attributes {stable_mosaic.version = 14 : i64} {
  func.func @_pack_kernel(%arg0: i32, %arg1: memref<512x2048xi32, #tpu.memory_space<vmem>>, %arg2: memref<512x512xi32, #tpu.memory_space<vmem>>) attributes {dimension_semantics = [#tpu.dimension_semantics<arbitrary>], iteration_bounds = array<i64: 12>, scalar_prefetch = 0 : i64, scratch_operands = 0 : i64, tpu.core_type = #tpu.core_type<tc>, window_params = [{transform_indices = @transform_0, window_bounds = array<i64: 512, 2048>}, {transform_indices = @transform_1, window_bounds = array<i64: 512, 512>}]} {
    %get3A = arith.constant 0 : index
    %get3A_0 = arith.constant 0 : index
    %get3A_1 = vector.load %arg1[%get3A, %get3A_0] : memref<512x2048xi32, #tpu.memory_space<vmem>>, vector<512x2048xi32>
    %get3A_2 = arith.constant dense<0> : vector<512x2048xi32>
    %get3A_3 = arith.cmpi ne, %get3A_1, %get3A_2 : vector<512x2048xi32>
    %convert_element_type3A = arith.extui %get3A_3 : vector<512x2048xi1> to vector<512x2048xi32>
    %slice3A = vector.extract_strided_slice %convert_element_type3A {offsets = [0, 0], sizes = [512, 512], strides = [1, 1]} : vector<512x2048xi32> to vector<512x512xi32>
    %slice3A_4 = vector.extract_strided_slice %convert_element_type3A {offsets = [0, 512], sizes = [512, 512], strides = [1, 1]} : vector<512x2048xi32> to vector<512x512xi32>
    %shift_left3A = arith.constant 8 : i32
    %shift_left3A_5 = vector.broadcast %shift_left3A : i32 to vector<512x512xi32>
    %shift_left3A_6 = arith.shli %slice3A_4, %shift_left3A_5 : vector<512x512xi32>
    %or3A = arith.ori %slice3A, %shift_left3A_6 : vector<512x512xi32>
    %slice3A_7 = vector.extract_strided_slice %convert_element_type3A {offsets = [0, 1024], sizes = [512, 512], strides = [1, 1]} : vector<512x2048xi32> to vector<512x512xi32>
    %shift_left3A_8 = arith.constant 16 : i32
    %shift_left3A_9 = vector.broadcast %shift_left3A_8 : i32 to vector<512x512xi32>
    %shift_left3A_10 = arith.shli %slice3A_7, %shift_left3A_9 : vector<512x512xi32>
    %or3A_11 = arith.ori %or3A, %shift_left3A_10 : vector<512x512xi32>
    %slice3A_12 = vector.extract_strided_slice %convert_element_type3A {offsets = [0, 1536], sizes = [512, 512], strides = [1, 1]} : vector<512x2048xi32> to vector<512x512xi32>
    %shift_left3A_13 = arith.constant 24 : i32
    %shift_left3A_14 = vector.broadcast %shift_left3A_13 : i32 to vector<512x512xi32>
    %shift_left3A_15 = arith.shli %slice3A_12, %shift_left3A_14 : vector<512x512xi32>
    %or3A_16 = arith.ori %or3A_11, %shift_left3A_15 : vector<512x512xi32>
    %swap3A = arith.constant 0 : index
    %swap3A_17 = arith.constant 0 : index
    %swap3A_18 = vector.load %arg2[%swap3A, %swap3A_17] : memref<512x512xi32, #tpu.memory_space<vmem>>, vector<512x512xi32>
    tpu.vector_store %arg2[%swap3A, %swap3A_17], %or3A_16 {strides = array<i32>} : memref<512x512xi32, #tpu.memory_space<vmem>>, vector<512x512xi32>,
    return
  }
  func.func @transform_0(%arg0: i32) -> (i32, i32) {
    %add3A = arith.constant 20 : i32
    %add3A_0 = arith.addi %arg0, %add3A : i32
    %c0_i32 = arith.constant 0 : i32
    %c0_i32_1 = arith.constant 0 : i32
    return %add3A_0, %c0_i32 : i32, i32
  }
  func.func @transform_1(%arg0: i32) -> (i32, i32) {
    %c0_i32 = arith.constant 0 : i32
    %c0_i32_0 = arith.constant 0 : i32
    return %arg0, %c0_i32 : i32, i32
  }
}

module attributes {stable_mosaic.version = 14 : i64} {
  func.func @_tc_kernel(%arg0: i32, %arg1: memref<512x2048xf32, #tpu.memory_space<vmem>>, %arg2: memref<512x2048xf32, #tpu.memory_space<vmem>>, %arg3: memref<512x2048xi32, #tpu.memory_space<vmem>>, %arg4: memref<1x1xf32, #tpu.memory_space<smem>>, %arg5: memref<1x1xf32, #tpu.memory_space<smem>>) attributes {dimension_semantics = [#tpu.dimension_semantics<arbitrary>], iteration_bounds = array<i64: 20>, scalar_prefetch = 0 : i64, scratch_operands = 0 : i64, tpu.core_type = #tpu.core_type<tc>, window_params = [{transform_indices = @transform_0, window_bounds = array<i64: 512, 2048>}, {transform_indices = @transform_1, window_bounds = array<i64: 512, 2048>}, {transform_indices = @transform_2, window_bounds = array<i64: 512, 2048>}, {transform_indices = @transform_3, window_bounds = array<i64: 1, 1>}, {transform_indices = @transform_4, window_bounds = array<i64: 1, 1>}]} {
    %eq3A = arith.constant 0 : i32
    %eq3A_0 = arith.cmpi eq, %arg0, %eq3A : i32
    %convert_element_type3A = arith.extui %eq3A_0 : i1 to i32
    %cond3A = arith.constant 0 : i32
    %cond3A_1 = arith.cmpi ne, %convert_element_type3A, %cond3A : i32
    scf.if %cond3A_1 {
      %swap3A_38 = arith.constant 0.000000e+00 : f32
      %swap3A_39 = arith.constant 0 : index
      %swap3A_40 = arith.constant 0 : index
      %swap3A_41 = memref.load %arg4[%swap3A_39, %swap3A_40] : memref<1x1xf32, #tpu.memory_space<smem>>
      memref.store %swap3A_38, %arg4[%swap3A_39, %swap3A_40] : memref<1x1xf32, #tpu.memory_space<smem>>
      %swap3A_42 = arith.constant 0.000000e+00 : f32
      %swap3A_43 = arith.constant 0 : index
      %swap3A_44 = arith.constant 0 : index
      %swap3A_45 = memref.load %arg5[%swap3A_43, %swap3A_44] : memref<1x1xf32, #tpu.memory_space<smem>>
      memref.store %swap3A_42, %arg5[%swap3A_43, %swap3A_44] : memref<1x1xf32, #tpu.memory_space<smem>>
    } else {
    }
    %get3A = arith.constant 0 : index
    %get3A_2 = arith.constant 0 : index
    %get3A_3 = vector.load %arg3[%get3A, %get3A_2] : memref<512x2048xi32, #tpu.memory_space<vmem>>, vector<512x2048xi32>
    %get3A_4 = arith.constant dense<0> : vector<512x2048xi32>
    %get3A_5 = arith.cmpi ne, %get3A_3, %get3A_4 : vector<512x2048xi32>
    %get3A_6 = arith.constant 0 : index
    %get3A_7 = arith.constant 0 : index
    %get3A_8 = vector.load %arg2[%get3A_6, %get3A_7] : memref<512x2048xf32, #tpu.memory_space<vmem>>, vector<512x2048xf32>
    %get3A_9 = arith.constant 0 : index
    %get3A_10 = arith.constant 0 : index
    %get3A_11 = vector.load %arg1[%get3A_9, %get3A_10] : memref<512x2048xf32, #tpu.memory_space<vmem>>, vector<512x2048xf32>
    %sub3A = arith.subf %get3A_8, %get3A_11 : vector<512x2048xf32>
    %jit3A = arith.constant 0.000000e+00 : f32
    %broadcast_in_dim3A = vector.broadcast %jit3A : f32 to vector<512x2048xf32>
    %select_n3A = arith.select %get3A_5, %sub3A, %broadcast_in_dim3A : vector<512x2048xi1>, vector<512x2048xf32>
    %jit3A_12 = arith.constant 1.000000e+00 : f32
    %jit3A_13 = arith.constant 0.000000e+00 : f32
    %broadcast_in_dim3A_14 = vector.broadcast %jit3A_12 : f32 to vector<512x2048xf32>
    %broadcast_in_dim3A_15 = vector.broadcast %jit3A_13 : f32 to vector<512x2048xf32>
    %select_n3A_16 = arith.select %get3A_5, %broadcast_in_dim3A_14, %broadcast_in_dim3A_15 : vector<512x2048xi1>, vector<512x2048xf32>
    %get3A_17 = arith.constant 0 : index
    %get3A_18 = arith.constant 0 : index
    %get3A_19 = memref.load %arg4[%get3A_17, %get3A_18] : memref<1x1xf32, #tpu.memory_space<smem>>
    %mul3A = arith.mulf %select_n3A, %select_n3A : vector<512x2048xf32>
    %reduce_sum3A = vector.shape_cast %mul3A : vector<512x2048xf32> to vector<1x512x2048xf32>
    %reduce_sum3A_20 = arith.constant dense<0.000000e+00> : vector<1xf32>
    %reduce_sum3A_21 = vector.multi_reduction <add>, %reduce_sum3A, %reduce_sum3A_20 [1, 2] : vector<1x512x2048xf32> to vector<1xf32>
    %reduce_sum3A_22 = vector.shape_cast %reduce_sum3A_21 : vector<1xf32> to vector<1x1x1xf32>
    %reduce_sum3A_23 = vector.extract %reduce_sum3A_22[0, 0, 0] : f32 from vector<1x1x1xf32>
    %add3A = arith.addf %get3A_19, %reduce_sum3A_23 : f32
    %swap3A = arith.constant 0 : index
    %swap3A_24 = arith.constant 0 : index
    %swap3A_25 = memref.load %arg4[%swap3A, %swap3A_24] : memref<1x1xf32, #tpu.memory_space<smem>>
    memref.store %add3A, %arg4[%swap3A, %swap3A_24] : memref<1x1xf32, #tpu.memory_space<smem>>
    %get3A_26 = arith.constant 0 : index
    %get3A_27 = arith.constant 0 : index
    %get3A_28 = memref.load %arg5[%get3A_26, %get3A_27] : memref<1x1xf32, #tpu.memory_space<smem>>
    %reduce_sum3A_29 = vector.shape_cast %select_n3A_16 : vector<512x2048xf32> to vector<1x512x2048xf32>
    %reduce_sum3A_30 = arith.constant dense<0.000000e+00> : vector<1xf32>
    %reduce_sum3A_31 = vector.multi_reduction <add>, %reduce_sum3A_29, %reduce_sum3A_30 [1, 2] : vector<1x512x2048xf32> to vector<1xf32>
    %reduce_sum3A_32 = vector.shape_cast %reduce_sum3A_31 : vector<1xf32> to vector<1x1x1xf32>
    %reduce_sum3A_33 = vector.extract %reduce_sum3A_32[0, 0, 0] : f32 from vector<1x1x1xf32>
    %add3A_34 = arith.addf %get3A_28, %reduce_sum3A_33 : f32
    %swap3A_35 = arith.constant 0 : index
    %swap3A_36 = arith.constant 0 : index
    %swap3A_37 = memref.load %arg5[%swap3A_35, %swap3A_36] : memref<1x1xf32, #tpu.memory_space<smem>>
    memref.store %add3A_34, %arg5[%swap3A_35, %swap3A_36] : memref<1x1xf32, #tpu.memory_space<smem>>
    return
  }
  func.func @transform_0(%arg0: i32) -> (i32, i32) {
    %c0_i32 = arith.constant 0 : i32
    %c0_i32_0 = arith.constant 0 : i32
    return %arg0, %c0_i32 : i32, i32
  }
  func.func @transform_1(%arg0: i32) -> (i32, i32) {
    %c0_i32 = arith.constant 0 : i32
    %c0_i32_0 = arith.constant 0 : i32
    return %arg0, %c0_i32 : i32, i32
  }
  func.func @transform_2(%arg0: i32) -> (i32, i32) {
    %c0_i32 = arith.constant 0 : i32
    %c0_i32_0 = arith.constant 0 : i32
    return %arg0, %c0_i32 : i32, i32
  }
  func.func @transform_3(%arg0: i32) -> (i32, i32) {
    %c0_i32 = arith.constant 0 : i32
    %c0_i32_0 = arith.constant 0 : i32
    %c0_i32_1 = arith.constant 0 : i32
    return %c0_i32, %c0_i32_0 : i32, i32
  }
  func.func @transform_4(%arg0: i32) -> (i32, i32) {
    %c0_i32 = arith.constant 0 : i32
    %c0_i32_0 = arith.constant 0 : i32
    %c0_i32_1 = arith.constant 0 : i32
    return %c0_i32, %c0_i32_0 : i32, i32
  }
}

</mosaic_0001>

<sc_bundles>
// kernel: kernel.5.cloned.1.call-start
scs
__scs_entry_jumppad:
0x0: {  	(pc) =	sbr.rel $0x88, $3  }
0x1: {  	(tag) =	ssettag $0x0;
	lr =	simm.s32 $0x1  }
0x2: {  	[smem:$0x3F9E] =	sst lr;
	_ =	strace $0xD0000000  }
0x3: {  	_ = 	snop  }
0x4: {  	_ = 	snop  }
0x5: {  	_ = 	snop  }
0x6: {  	_ = 	snop  }
0x7: {  	_ = 	snop  }
__scs_overlays_trampoline_lowered:
0x8: {  	[smem:$0x3FAD] =	sst s0  }
0x9: {  	[smem:$0x3FAE] =	sst s1  }
0xa: {  	[smem:$0x3FAF] =	sst s2  }
0xb: {  	[smem:$0x3FB0] =	sst s3  }
0xc: {  	[smem:$0x3FB1] =	sst s4  }
0xd: {  	[smem:$0x3FB2] =	sst s5  }
0xe: {  	[smem:$0x3FB3] =	sst s6  }
0xf: {  	[smem:$0x3FB4] =	sst s7  }
0x10: {  	[smem:$0x3FB5] =	sst s8  }
0x11: {  	[smem:$0x3FB6] =	sst s9;
	s0 =	simm.s32 @!p0 $0x0  }
0x12: {  	s1 =	sld [smem:$0x3F9C];
	s0 =	simm.s32 @p0 $0x1  }
0x13: {  	[smem:$0x3FB7] =	sst s0;
	s0 =	simm.s32 @!p1 $0x0  }
0x14: {  	s2 =	sld [smem:$0x3F9B];
	s0 =	simm.s32 @p1 $0x1  }
0x15: {  	[smem:$0x3FB8] =	sst s0;
	s0 =	simm.s32 @!p2 $0x0  }
0x16: {  	s3 =	sld [smem:$0x3FDB];
	s0 =	simm.s32 @p2 $0x1  }
0x17: {  	s4 =	simm.s32 $0x1BF5;
	[smem:$0x3FBA] =	sst s0  }
0x18: {  	s0 =	sld [smem:$0x3F9D];
	_ =	swait.ge [sflag:s4], $0x0  }
0x19: {  	s7 =	sld [smem:$0x3F9E]  }
0x1a: {  	s8 =	sadd.s32 $0xFFFFE003, lr  }
0x1b: {  	s9 =	sadd.s32 $0xFFFFFEF7, lr;
	s5 =	simm.s32 $0xFFFFFFFF;
	p2 =	slt.u32 s8, $0xFFFFF086  }
0x1c: {  	p1 =	slt.u32 s9, $0xF7A;
	s5 =	simm.s32 @!p2 $0x0  }
0x1d: {  	s5 =	simm.s32 @p1 $0x1;
	p0 =	seq.s32 s7, s2  }
0x1e: {  	s7 =	smul.u32 @!p0 $0xF7A, s2;
	p2 =	seq.s32 @!p0 s5, $0x0  }
0x1f: {  	s9 =	smul.u32 $0xF7A, s1;
	s8 =	simm.s32 @!p0 $0x1BF5;
	p2 =	por !p2, p0  }
0x20: {  	[sflag:s8] =	ssyncset.s32 @!p0 $0xFFFFF086;
	s6 =	sadd.s32 @!p0 s3, s7;
	s7 =	simm.s32 @!p0 $0x108  }
0x21: {  	s3 =	sadd.s32 s3, s9;
	s6 =	sadd.s32 @!p0 $0x88, s6;
	s7 =	simm.s32 @p2 $0x1082  }
0x22: {  	[simem:s7], [sflag:s8] =	dma.local @!p0 [hbm:s6], $0xF7A  }
0x23: {  	s9 =	sor.u32 $0xD0000000, s2;
	s6 =	simm.s32 $0x108;
	_ =	swait.ge @!p0 [sflag:s8], $0x0  }
0x24: {  	s3 =	sadd.s32 $0x88, s3;
	s6 =	simm.s32 @!p1 $0x1082;
	[sflag:s4] =	ssyncset.s32 $0xFFFFF086  }
0x25: {  	[simem:s6], [sflag:s4] =	dma.local [hbm:s3], $0xF7A  }
0x26: {  	[smem:$0x3F9E] =	sst s1;
	(tag) =	ssettag s2;
	_ =	strace s9  }
0x27: {  	s1 =	sld [smem:$0x3FAE]  }
0x28: {  	s2 =	sld [smem:$0x3FAF]  }
0x29: {  	s4 =	sld [smem:$0x3FB1]  }
0x2a: {  	p0 =	seq.s32 s5, $0x0;
	s5 =	sld [smem:$0x3FB2]  }
0x2b: {  	s6 =	sld [smem:$0x3FB3]  }
0x2c: {  	s7 =	sld [smem:$0x3FB4]  }
0x2d: {  	s3 =	simm.s32 $0x108;
	s8 =	sld [smem:$0x3FB5]  }
0x2e: {  	s3 =	simm.s32 @!p0 $0x1082;
	s9 =	sld [smem:$0x3FB6]  }
0x2f: {  	lr =	sadd.s32 s0, s3;
	s0 =	sld [smem:$0x3FAD]  }
0x30: {  	s3 =	sld [smem:$0x3FB0]  }
0x31: {  	[smem:$0x3FB9] =	sst s10  }
0x32: {  	s10 =	sld [smem:$0x3FB7];
	_ =	sdelay $0x3  }
0x33: {  	p0 =	seq.s32 s10, $0x1;
	s10 =	sld [smem:$0x3FB9];
	_ =	sdelay $0x3  }
0x34: {  	[smem:$0x3FB9] =	sst s10  }
0x35: {  	s10 =	sld [smem:$0x3FB8];
	_ =	sdelay $0x3  }
0x36: {  	p1 =	seq.s32 s10, $0x1;
	s10 =	sld [smem:$0x3FB9];
	_ =	sdelay $0x3  }
0x37: {  	[smem:$0x3FB9] =	sst s10  }
0x38: {  	s10 =	sld [smem:$0x3FBA]  }
0x39: {  	_ = 	snop;
	(pc) =	sbr.ind lr, $3  }
0x3a: {  	_ = 	snop  }
0x3b: {  	_ = 	snop  }
0x3c: {  	p2 =	seq.s32 s10, $0x1;
	s10 =	sld [smem:$0x3FB9]  }
0x3d: {  	_ =	shalt  }
0x3e: {  	_ =	shalt  }
0x3f: {  	_ =	shalt  }
0x40: {  	_ =	shalt  }
0x41: {  	_ =	shalt  }
0x42: {  	_ =	shalt  }
0x43: {  	_ =	shalt  }
0x44: {  	_ =	shalt  }
0x45: {  	_ =	shalt  }
0x46: {  	_ =	shalt  }
0x47: {  	_ =	shalt  }
0x48: {  	_ =	shalt  }
0x49: {  	_ =	shalt  }
0x4a: {  	_ =	shalt  }
0x4b: {  	_ =	shalt  }
0x4c: {  	_ =	shalt  }
0x4d: {  	_ =	shalt  }
0x4e: {  	_ =	shalt  }
0x4f: {  	_ =	shalt  }
0x50: {  	_ =	shalt  }
0x51: {  	_ =	shalt  }
0x52: {  	_ =	shalt  }
0x53: {  	_ =	shalt  }
0x54: {  	_ =	shalt  }
0x55: {  	_ =	shalt  }
0x56: {  	_ =	shalt  }
0x57: {  	_ =	shalt  }
0x58: {  	_ =	shalt  }
0x59: {  	_ =	shalt  }
0x5a: {  	_ =	shalt  }
0x5b: {  	_ =	shalt  }
0x5c: {  	_ =	shalt  }
0x5d: {  	_ =	shalt  }
0x5e: {  	_ =	shalt  }
0x5f: {  	_ =	shalt  }
0x60: {  	_ =	shalt  }
0x61: {  	_ =	shalt  }
0x62: {  	_ =	shalt  }
0x63: {  	_ =	shalt  }
0x64: {  	_ =	shalt  }
0x65: {  	_ =	shalt  }
0x66: {  	_ =	shalt  }
0x67: {  	_ =	shalt  }
0x68: {  	_ =	shalt  }
0x69: {  	_ =	shalt  }
0x6a: {  	_ =	shalt  }
0x6b: {  	_ =	shalt  }
0x6c: {  	_ =	shalt  }
0x6d: {  	_ =	shalt  }
0x6e: {  	_ =	shalt  }
0x6f: {  	_ =	shalt  }
0x70: {  	_ =	shalt  }
0x71: {  	_ =	shalt  }
0x72: {  	_ =	shalt  }
0x73: {  	_ =	shalt  }
0x74: {  	_ =	shalt  }
0x75: {  	_ =	shalt  }
0x76: {  	_ =	shalt  }
0x77: {  	_ =	shalt  }
0x78: {  	_ =	shalt  }
0x79: {  	_ =	shalt  }
0x7a: {  	_ =	shalt  }
0x7b: {  	_ =	shalt  }
0x7c: {  	_ =	shalt  }
0x7d: {  	_ =	shalt  }
0x7e: {  	_ =	shalt  }
0x7f: {  	_ =	shalt  }
0x80: {  	_ =	shalt  }
0x81: {  	_ =	shalt  }
0x82: {  	_ =	shalt  }
0x83: {  	_ =	shalt  }
0x84: {  	_ =	shalt  }
0x85: {  	_ =	shalt  }
0x86: {  	_ =	shalt  }
0x87: {  	_ =	shalt  }
.Lfunc_end0:
.L_simem_size_0:
called_computation_lowered:
.L_overlay_start_0:
0x88: {  	s2 =	sld [smem:$0x3FD9]  }
0x89: {  	s3 =	sld [smem:$0x3FFE];
	_ =	sdelay $0x1  }
0x8a: {  	s1 =	srdreg.scid  }
0x8b: {  	s0 =	sand.u32 $0x1, s1  }
0x8c: {  	s17 =	sshll.u32 s0, $0xA;
	s2 =	sadd.s32 s3, s2  }
0x8d: {  	s2 =	sadd.s32 s2, s17  }
0x8e: {  	[smem:$0x3FC5] =	sst s2  }
0x8f: {  	_ = 	snop  }
0x90: {  	s2 =	sld [smem:$0x3FC9]  }
0x91: {  	s18 =	sld [smem:$0x3FC8];
	(tm) =	ssettm $0x1  }
0x92: {  	s4 =	sld [smem:$0x3FFB];
	_ =	sdelay $0x3  }
0x93: {  	_ =	strace s4  }
0x94: {  	s4 =	sld [smem:$0x3FFC];
	_ =	sdelay $0x3  }
0x95: {  	_ =	strace s4  }
0x96: {  	s4 =	sld [smem:$0x3FFD];
	_ =	sdelay $0x3  }
0x97: {  	_ =	strace s4  }
0x98: {  	_ =	strace $0x8FFFFFFF  }
0x99: {  	s19 =	sld [smem:$0x3FDB];
	_ =	sdelay $0x1  }
0x9a: {  	s5 =	simm.s32 $_scs_section_size  }
0x9b: {  	s6 =	simm.s32 $_size__tile_overlayer_lowered;
	s7 =	simm.s32 $_tile_overlayer_lowered  }
0x9c: {  	s22 =	simm.s32 $0x1BFF;
	s21 =	sshll.u32 s7, $0x1;
	s4 =	sadd.s32 s5, s19  }
0x9d: {  	s8 =	simm.s32 $0x0;
	s20 =	sshll.u32 s6, $0x1;
	s6 =	sadd.s32 s21, s4  }
0x9e: {  	[timem:s8], [sflag:s22] =	dma.local [hbm:s6], s20  }
0x9f: {  	_ =	swait.ge [sflag:s22], s20  }
0xa0: {  	s5 =	ssub.s32 $0x0, s20;
	[sflag:s22] =	ssyncset.done $0x0  }
0xa1: {  	[sflag:s22] =	ssyncadd.s32 s5;
	_ =	sdelay $0x1  }
0xa2: {  	s23 =	simm.s32 $0x1B8B  }
0xa3: {  	_ =	swait.ge [sflag:s23], $0x1  }
0xa4: {  	[sflag:s23] =	ssyncset.done $0x0  }
0xa5: {  	s25 =	simm.s32 $0x1B8E;
	s24 =	sld [smem:$0x3FFE];
	[sflag:s23] =	ssyncadd.s32 $0xFFFFFFFF  }
0xa6: {  	s26 =	simm.s32 $execute0_lowered;
	[smem:$0x3FD2] =	sst s25  }
0xa7: {  	s6 =	sshll.u32 s26, $0x1;
	_ =	strace $0x80000046;
	[dreg:$0x1] =	wrdreg $0xFFFFFFFF  }
0xa8: {  	s28 =	simm.s32 $_size_execute0_lowered;
	s4 =	sadd.s32 s4, s6;
	[dreg:$0x0] =	wrdreg $0x0  }
0xa9: {  	s6 =	sshll.u32 s28, $0x1;
	[dreg:$0x2] =	wrdreg s4  }
0xaa: {  	[dreg:$0x3] =	wrdreg s6  }
0xab: {  	[dreg:$0x4] =	wrdreg $0xC0  }
0xac: {  	_ =	task [dreg:s8], $0x5FFFF  }
0xad: {  	[dreg:$0x1] =	wrdreg $0xFFFFFFFF  }
0xae: {  	[dreg:$0x0] =	wrdreg $0x60  }
0xaf: {  	[dreg:$0x2] =	wrdreg s2  }
0xb0: {  	[dreg:$0x3] =	wrdreg s18  }
0xb1: {  	[dreg:$0x4] =	wrdreg s24  }
0xb2: {  	[dreg:$0x5] =	wrdreg $0x9  }
0xb3: {  	_ =	task.clear_ibuf [dreg:s8], $0x6FFFF;
	_ =	strace $0x90000046  }
0xb4: {  	s29 =	simm.s32 $0x9;
	_ =	strace $0x80000048  }
0xb5: {  	_ =	swait.ge [sflag:s29], $0x1  }
0xb6: {  	[sflag:s29] =	ssyncadd.s32 $0xFFFFFFFF  }
0xb7: {  	_ =	strace $0x90000048  }
0xb8: {  	_ =	sfence  }
0xb9: {  	s30 =	sld [smem:$0x0];
	_ =	sdelay $0x2  }
0xba: {  	s31 =	sshll.u32 s1, $0xD;
	s1 =	sshrl.u32 s1, $0x2  }
0xbb: {  	s3 =	sand.u32 $0x4000, s31;
	s1 =	sadd.s32 s1, s30  }
0xbc: {  	s0 =	sor.u32 s3, s0;
	s1 =	sshll.u32 s1, $0x11  }
0xbd: {  	s0 =	sor.u32 s1, s0  }
0xbe: {  	s0 =	sadd.s32 $0x8F2B, s0  }
0xbf: {  	[sflag:s0] =	ssyncadd.remote.s32 $0x1  }
0xc0: {  	_ =	sfence.sel $0xFFFF  }
0xc1: {  	[dreg:$0x0] =	wrdreg $0xFFFFFFFF;
	(pc) =	sbr.abs _section_cstart, $3  }
0xc2: {  	[dreg:$0x1] =	wrdreg $0xFFFFFFFF  }
0xc3: {  	_ =	task.clear_ibuf [dreg:s8], $0x2FFFF;
	_ =	strace $0x9FFFFFFF  }
0xc4: {  	(tm) =	ssettm $0x7FFFFFFF  }
0xc5: {  	_ =	shalt  }
tec
execute0_lowered:
.L_overlay_start_1:
0x0: {  	(tag) =	ssettag $0x1  }
0x1: {  	s1 =	rddreg [dreg:$0x0]  }
0x2: {  	s3 =	rddreg [dreg:$0x1]  }
0x3: {  	s0 =	rddreg [dreg:$0x2]  }
0x4: {  	s2 =	srdreg.scid;
	s5 =	stileid.u32;
	s4 =	simm.s32 $0x0  }
0x5: {  	s14 =	simm.s32 $0x8000;
	s15 =	simm.s32 $0x10000;
	s16 =	simm.s32 $0x4000  }
0x6: {  	s17 =	simm.s32 $0xC000;
	s18 =	simm.s32 $0x11000;
	s19 =	simm.s32 $0x1  }
0x7: {  	s20 =	simm.s32 $0x3;
	s21 =	simm.s32 $0x5;
	s22 =	simm.s32 $0x2  }
0x8: {  	s23 =	simm.s32 $0x4;
	s2 =	sand.u32 $0x1, s2;
	s5 =	sshll.u32 s5, $0x1  }
0x9: {  	s24 =	simm.s32 $0x6;
	s26 =	simm.s32 $0x7;
	s8 =	sor.u32 s2, s5  }
0xa: {  	s29 =	simm.s32 $0x0;
	[smem:$0x7FF] =	sst s4;
	s5 =	smul.u32 $0xC0, s8  }
0xb: {  	s6 =	sadd.s32 $0x400200, s0;
	_ =	strace $0x80000047;
	s2 =	ssub.s32 $0x2, s2  }
0xc: {  	s9 =	sshll.u32 s8, $0x1;
	s11 =	smul.u32 $0x3000, s8;
	s7 =	sadd.s32 $0x2800, s5  }
0xd: {  	s10 =	sshrl.u32 s2, $0x1;
	s0 =	sadd.s32 s9, s0;
	s28 =	sshll.u32 s7, $0x8  }
0xe: {  	s2 =	ssub.s32 s2, s10;
	s10 =	sadd.s32 s6, s11;
	s30 =	sadd.s32 s1, s28  }
0xf: {  	s11 =	sadd.s32 $0x460400, s0;
	s31 =	sadd.s32 s3, s28;
	[dreg:$0x4] =	wrdreg s30  }
0x10: {  	s12 =	sadd.s32 $0x460200, s0;
	s13 =	smax.u32 s2, $0x1;
	[dreg:$0x5] =	wrdreg s31  }
.LBB2_1:
0x11: {  	s0 =	rddreg [dreg:$0x4]  }
0x12: {  	[tilespmem:s4], [sflag:$0x1] =	stream.linear.gather [hbm4b:s0+s4], $0x4000, $0x38;
	[tilespmem:$0x12100] =	vst v63  }
0x13: {  	s31 =	rddreg [dreg:$0x5]  }
0x14: {  	[tilespmem:s14], [sflag:$0x3] =	stream.linear.gather [hbm4b:s31+s4], $0x4000, $0x38;
	[tilespmem:$0x12100] =	vst v63  }
0x15: {  	s30 =	simm.s32 $0x0  }
0x16: {  	v22 =	vimm.f32 $0.0e+00;
	v3 =	vimm.s32 $0x0;
	[tilespmem:s15], [sflag:$0x5] =	stream.linear.gather [hbm4b:s10+s4], $0x1000, $0x38;
	[tilespmem:$0x12100] =	vst v63  }
.LBB2_2:
0x17: {  	s0 =	sshll.u32 s30, $0x4  }
0x18: {  	s0 =	sor.u32 $0x8, s0  }
0x19: {  	s2 =	sadd.s32 s7, s0  }
0x1a: {  	s25 =	sshll.u32 s2, $0x8  }
0x1b: {  	s0 =	sadd.s32 s5, s0;
	s2 =	simm.s32 $0x0;
	s31 =	sadd.s32 s1, s25  }
0x1c: {  	[tilespmem:s16], [sflag:$0x2] =	stream.linear.gather [hbm4b:s31+s2], $0x4000, $0x38;
	[tilespmem:$0x12100] =	vst v63  }
0x1d: {  	s0 =	sshll.u32 s0, $0x6;
	s25 =	sadd.s32 s3, s25  }
0x1e: {  	[tilespmem:s17], [sflag:$0x4] =	stream.linear.gather [hbm4b:s25+s2], $0x4000, $0x38;
	[tilespmem:$0x12100] =	vst v63  }
0x1f: {  	s0 =	sadd.s32 s6, s0  }
0x20: {  	[tilespmem:s18], [sflag:$0x6] =	stream.linear.gather [hbm4b:s0+s2], $0x1000, $0x38;
	[tilespmem:$0x12100] =	vst v63  }
0x21: {  	_ =	swait.ge [sflag:s19], $0x4000  }
0x22: {  	[sflag:s19] =	ssyncset.done $0x0  }
0x23: {  	[sflag:s19] =	ssyncadd.s32 $0xFFFFC000  }
0x24: {  	_ =	swait.ge [sflag:s20], $0x4000  }
0x25: {  	[sflag:s20] =	ssyncset.done $0x0  }
0x26: {  	[sflag:s20] =	ssyncadd.s32 $0xFFFFC000  }
0x27: {  	_ =	swait.ge [sflag:s21], $0x1000  }
0x28: {  	s28 =	sor.u32 s2, s2;
	[sflag:s21] =	ssyncset.done $0x0  }
0x29: {  	s8 =	sor.u32 $0x3380, s28;
	[sflag:s21] =	ssyncadd.s32 $0xFFFFF000  }
0x2a: {  	v2 =	vld [tilespmem:s8+$0x8000]  }
0x2b: {  	s31 =	sor.u32 $0x2380, s28;
	v4 =	vld [tilespmem:s8+$0x0]  }
0x2c: {  	v8 =	vld [tilespmem:s31+$0x8000]  }
0x2d: {  	s9 =	sor.u32 $0x1380, s28;
	v9 =	vld [tilespmem:s31+$0x0]  }
0x2e: {  	v13 =	vld [tilespmem:s9+$0x8000]  }
0x2f: {  	s31 =	sor.u32 $0x380, s28;
	v17 =	vld [tilespmem:s9+$0x0]  }
0x30: {  	v14 =	vld [tilespmem:s31+$0x10000]  }
0x31: {  	s25 =	sand.u32 $0x70, s2;
	s28 =	sand.u32 $0xC00, s2;
	v18 =	vld [tilespmem:s31+$0x8000]  }
0x32: {  	s0 =	sor.u32 s25, s28;
	v20 =	vld [tilespmem:s31+$0x0]  }
0x33: {  	v23 =	vld [tilespmem:s0+$0xB300]  }
0x34: {  	v24 =	vld [tilespmem:s0+$0x3300]  }
0x35: {  	v5 =	vld [tilespmem:s0+$0x10300]  }
0x36: {  	v19 =	vld [tilespmem:s0+$0x10280]  }
0x37: {  	v21 =	vld [tilespmem:s0+$0x10200]  }
0x38: {  	v25 =	vld [tilespmem:s0+$0xB100]  }
0x39: {  	v26 =	vld [tilespmem:s0+$0x10100]  }
0x3a: {  	v27 =	vld [tilespmem:s0+$0x10080]  }
0x3b: {  	v28 =	vld [tilespmem:s0+$0x10000]  }
0x3c: {  	v29 =	vld [tilespmem:s0+$0x8000]  }
0x3d: {  	v30 =	vld [tilespmem:s0+$0x0];
	v7 =	vsub.f32 v2, v4  }
0x3e: {  	v31 =	vld [tilespmem:s0+$0x9000];
	v4 =	vsub.f32 v8, v9;
	v9 =	vsub.f32 v13, v17  }
0x3f: {  	v32 =	vld [tilespmem:s0+$0x1000];
	v0 =	vmul.u32 $0x1010101, v14;
	v16 =	vand.u32 $0x1000000, v14;
	v15 =	vand.u32 $0x10000, v14  }
0x40: {  	v33 =	vld [tilespmem:s0+$0xA000];
	v12 =	vand.u32 $0x100, v14;
	v14 =	vand.u32 $0x1, v14;
	v13 =	vsub.f32 v18, v20  }
0x41: {  	v34 =	vld [tilespmem:s0+$0x2000];
	v1 =	vmul.u32 $0x1010101, v5;
	v6 =	vmul.u32 $0x1010101, v19;
	v2 =	vmul.u32 $0x1010101, v21  }
0x42: {  	v35 =	vld [tilespmem:s0+$0x3000];
	v8 =	vmul.u32 $0x1010101, v27;
	v11 =	vmul.u32 $0x1010101, v26;
	v10 =	vmul.u32 $0x1010101, v28  }
0x43: {  	v49 =	vld [tilespmem:s0+$0x9080];
	v17 =	vand.u32 $0x1, v28;
	v29 =	vsub.f32 v29, v30;
	v18 =	vand.u32 $0x1000000, v5  }
0x44: {  	v30 =	vld [tilespmem:s0+$0xB000];
	v48 =	vand.u32 $0x10000, v28;
	vm0 =	veq.s32 v17, $0x0;
	v17 =	vsub.f32 v23, v24  }
0x45: {  	v23 =	vand.u32 $0x100, v28;
	v24 =	vsub.f32 v31, v32;
	v20 =	vsel vm0, $0x0, v29;
	v29 =	vld [tilespmem:s0+$0x8080]  }
0x46: {  	v33 =	vsub.f32 v33, v34;
	vm12 =	veq.s32 v23, $0x0;
	v23 =	vld [tilespmem:s0+$0x80];
	v31 =	vmul.f32 v20, v20  }
0x47: {  	v50 =	vld [tilespmem:s0+$0xA080];
	v51 =	vand.u32 $0x1, v27;
	v52 =	vand.u32 $0x100, v27;
	v24 =	vsel vm12, $0x0, v24  }
0x48: {  	vm13 =	veq.s32 v48, $0x0;
	v24 =	vmul.f32 v24, v24;
	v22 =	vadd.f32 v31, v22;
	v31 =	vld [tilespmem:s0+$0x1080]  }
0x49: {  	v56 =	vld [tilespmem:s0+$0x3100];
	v28 =	vand.u32 $0x1000000, v28;
	v32 =	vsel vm13, $0x0, v33;
	v30 =	vsub.f32 v30, v35  }
0x4a: {  	vm14 =	veq.s32 v28, $0x0;
	v28 =	vld [tilespmem:s0+$0x2080];
	v22 =	vadd.f32 v24, v22;
	v24 =	vmul.f32 v32, v32  }
0x4b: {  	v54 =	vand.u32 $0x10000, v27;
	v30 =	vsel vm14, $0x0, v30;
	v23 =	vsub.f32 v29, v23;
	v29 =	vld [tilespmem:s0+$0xB080]  }
0x4c: {  	vm15 =	veq.s32 v51, $0x0;
	v22 =	vadd.f32 v24, v22;
	v24 =	vmul.f32 v30, v30;
	v30 =	vld [tilespmem:s0+$0x3080]  }
0x4d: {  	v53 =	vld [tilespmem:s0+$0x8100];
	v27 =	vand.u32 $0x1000000, v27;
	v23 =	vsel vm15, $0x0, v23;
	v31 =	vsub.f32 v49, v31  }
0x4e: {  	vm4 =	veq.s32 v52, $0x0;
	v23 =	vmul.f32 v23, v23;
	v22 =	vadd.f32 v24, v22;
	v24 =	vld [tilespmem:s0+$0x100]  }
0x4f: {  	v55 =	vld [tilespmem:s0+$0x9100];
	v25 =	vsub.f32 v25, v56;
	v28 =	vsub.f32 v50, v28;
	v31 =	vsel vm4, $0x0, v31  }
0x50: {  	vm5 =	veq.s32 v54, $0x0;
	v22 =	vadd.f32 v23, v22;
	v23 =	vmul.f32 v31, v31;
	v31 =	vld [tilespmem:s0+$0x1100]  }
0x51: {  	s2 =	sand.u32 $0xFFFFFC00, s2;
	vm6 =	veq.s32 v27, $0x0;
	v27 =	vld [tilespmem:s0+$0x2100];
	v28 =	vsel vm5, $0x0, v28;
	v29 =	vsub.f32 v29, v30  }
0x52: {  	s2 =	sadd.s32 $0x0, s2;
	vm3 =	veq.s32 v12, $0x0;
	v30 =	vld [tilespmem:s0+$0xA100];
	v22 =	vadd.f32 v23, v22;
	v23 =	vmul.f32 v28, v28  }
0x53: {  	s8 =	sor.u32 $0x180, s2;
	v28 =	vsel vm6, $0x0, v29;
	v29 =	vand.u32 $0x1, v26;
	v24 =	vsub.f32 v53, v24  }
0x54: {  	v57 =	vld [tilespmem:s8+$0x8000];
	v23 =	vadd.f32 v23, v22;
	v28 =	vmul.f32 v28, v28;
	vm7 =	veq.s32 v29, $0x0  }
0x55: {  	v22 =	vld [tilespmem:s8+$0x10000];
	v29 =	vand.u32 $0x100, v26;
	v24 =	vsel vm7, $0x0, v24;
	v31 =	vsub.f32 v55, v31  }
0x56: {  	s9 =	sor.u32 $0x1180, s2;
	vm8 =	veq.s32 v29, $0x0;
	v23 =	vadd.f32 v28, v23;
	v24 =	vmul.f32 v24, v24;
	v28 =	vld [tilespmem:s8+$0x0]  }
0x57: {  	v27 =	vsub.f32 v30, v27;
	v30 =	vld [tilespmem:s9+$0x8000];
	v29 =	vsel vm8, $0x0, v31;
	v31 =	vand.u32 $0x10000, v26  }
0x58: {  	s28 =	sor.u32 $0x2180, s2;
	v23 =	vadd.f32 v24, v23;
	v24 =	vmul.f32 v29, v29;
	vm9 =	veq.s32 v31, $0x0;
	v29 =	vld [tilespmem:s9+$0x0]  }
0x59: {  	v20 =	vand.u32 $0x10000, v5;
	v26 =	vand.u32 $0x1000000, v26;
	v31 =	vld [tilespmem:s28+$0x8000];
	v27 =	vsel vm9, $0x0, v27  }
0x5a: {  	s2 =	sor.u32 $0x3180, s2;
	vm10 =	veq.s32 v26, $0x0;
	v26 =	vld [tilespmem:s28+$0x0];
	v23 =	vadd.f32 v24, v23;
	v24 =	vmul.f32 v27, v27  }
0x5b: {  	v58 =	vld [tilespmem:s2+$0x8000];
	v25 =	vsel vm10, $0x0, v25;
	v27 =	vand.u32 $0x1, v22;
	v28 =	vsub.f32 v57, v28  }
0x5c: {  	vm11 =	veq.s32 v27, $0x0;
	v23 =	vadd.f32 v24, v23;
	v24 =	vmul.f32 v25, v25;
	v25 =	vld [tilespmem:s2+$0x0]  }
0x5d: {  	v27 =	vsel vm11, $0x0, v28;
	v28 =	vand.u32 $0x100, v22;
	v29 =	vsub.f32 v30, v29;
	v30 =	vld [tilespmem:s0+$0x8200]  }
0x5e: {  	v23 =	vadd.f32 v24, v23;
	v24 =	vmul.f32 v27, v27;
	vm12 =	veq.s32 v28, $0x0;
	v27 =	vld [tilespmem:s0+$0x200]  }
0x5f: {  	v26 =	vsub.f32 v31, v26;
	v31 =	vld [tilespmem:s0+$0x9200];
	v28 =	vsel vm12, $0x0, v29;
	v29 =	vand.u32 $0x10000, v22  }
0x60: {  	v23 =	vadd.f32 v24, v23;
	v24 =	vmul.f32 v28, v28;
	vm13 =	veq.s32 v29, $0x0;
	v28 =	vld [tilespmem:s0+$0x1200]  }
0x61: {  	v59 =	vld [tilespmem:s0+$0xA200];
	v29 =	vand.u32 $0x1000000, v22;
	v26 =	vsel vm13, $0x0, v26;
	v25 =	vsub.f32 v58, v25  }
0x62: {  	vm14 =	veq.s32 v29, $0x0;
	v23 =	vadd.f32 v24, v23;
	v24 =	vmul.f32 v26, v26;
	v26 =	vld [tilespmem:s0+$0x2200]  }
0x63: {  	v29 =	vand.u32 $0x1, v21;
	v25 =	vsel vm14, $0x0, v25;
	v27 =	vsub.f32 v30, v27;
	v30 =	vld [tilespmem:s0+$0xB200]  }
0x64: {  	vm15 =	veq.s32 v29, $0x0;
	v23 =	vadd.f32 v24, v23;
	v24 =	vmul.f32 v25, v25;
	v25 =	vld [tilespmem:s0+$0x3200]  }
0x65: {  	v29 =	vand.u32 $0x100, v21;
	v27 =	vsel vm15, $0x0, v27;
	v28 =	vsub.f32 v31, v28;
	v31 =	vld [tilespmem:s0+$0x8280]  }
0x66: {  	vm4 =	veq.s32 v29, $0x0;
	v23 =	vadd.f32 v24, v23;
	v24 =	vmul.f32 v27, v27;
	v27 =	vld [tilespmem:s0+$0x280]  }
0x67: {  	v60 =	vld [tilespmem:s0+$0x9280];
	v29 =	vand.u32 $0x10000, v21;
	v28 =	vsel vm4, $0x0, v28;
	v26 =	vsub.f32 v59, v26  }
0x68: {  	vm5 =	veq.s32 v29, $0x0;
	v23 =	vadd.f32 v24, v23;
	v24 =	vmul.f32 v28, v28;
	v28 =	vld [tilespmem:s0+$0x1280]  }
0x69: {  	v21 =	vand.u32 $0x1000000, v21;
	v29 =	vld [tilespmem:s0+$0xA280];
	v26 =	vsel vm5, $0x0, v26;
	v25 =	vsub.f32 v30, v25  }
0x6a: {  	vm6 =	veq.s32 v21, $0x0;
	v21 =	vld [tilespmem:s0+$0x2280];
	v23 =	vadd.f32 v24, v23;
	v24 =	vmul.f32 v26, v26  }
0x6b: {  	v30 =	vld [tilespmem:s0+$0xB280];
	v26 =	vand.u32 $0x1, v19;
	v25 =	vsel vm6, $0x0, v25;
	v27 =	vsub.f32 v31, v27  }
0x6c: {  	vm7 =	veq.s32 v26, $0x0;
	v23 =	vadd.f32 v24, v23;
	v24 =	vmul.f32 v25, v25;
	v25 =	vld [tilespmem:s0+$0x3280]  }
0x6d: {  	v31 =	vld [tilespmem:s0+$0x8300];
	v26 =	vsel vm7, $0x0, v27;
	v27 =	vand.u32 $0x100, v19;
	v28 =	vsub.f32 v60, v28  }
0x6e: {  	v23 =	vadd.f32 v24, v23;
	v24 =	vmul.f32 v26, v26;
	vm8 =	veq.s32 v27, $0x0;
	v26 =	vld [tilespmem:s0+$0x300]  }
0x6f: {  	v61 =	vld [tilespmem:s0+$0x9300];
	v21 =	vsub.f32 v29, v21;
	v27 =	vsel vm8, $0x0, v28;
	v28 =	vand.u32 $0x10000, v19  }
0x70: {  	s31 =	simm.s32 $0x80;
	v62 =	vld [tilespmem:s0+$0x1300];
	s2 =	simm.s32 $0x10;
	v23 =	vadd.f32 v24, v23;
	v24 =	vmul.f32 v27, v27;
	vm9 =	veq.s32 v28, $0x0  }
0x71: {  	v63 =	vld [tilespmem:s0+$0xA300];
	s25 =	sor.u32 s2, s31;
	v19 =	vand.u32 $0x1000000, v19;
	v21 =	vsel vm9, $0x0, v21;
	v25 =	vsub.f32 v30, v25  }
0x72: {  	s9 =	sor.u32 $0x1380, s25;
	vm10 =	veq.s32 v19, $0x0;
	v19 =	vld [tilespmem:s0+$0x2300];
	v23 =	vadd.f32 v24, v23;
	v21 =	vmul.f32 v21, v21  }
0x73: {  	s28 =	sor.u32 $0x3380, s25;
	s8 =	sor.u32 $0x2380, s25;
	s25 =	sor.u32 $0x380, s25;
	v32 =	vld [tilespmem:s9+$0x0];
	v24 =	vsel vm10, $0x0, v25;
	v25 =	vand.u32 $0x1, v5;
	v26 =	vsub.f32 v31, v26  }
0x74: {  	v33 =	vld [tilespmem:s25+$0x8000];
	v21 =	vadd.f32 v21, v23;
	v23 =	vmul.f32 v24, v24;
	vm11 =	veq.s32 v25, $0x0  }
0x75: {  	v29 =	vld [tilespmem:s8+$0x8000];
	v5 =	vand.u32 $0x100, v5;
	v25 =	vsub.f32 v61, v62;
	v24 =	vsel vm11, $0x0, v26  }
0x76: {  	v27 =	vld [tilespmem:s28+$0x8000];
	vm12 =	veq.s32 v5, $0x0;
	v21 =	vadd.f32 v23, v21;
	v23 =	vmul.f32 v24, v24  }
0x77: {  	vm1 =	veq.s32 v20, $0x0;
	v30 =	vld [tilespmem:s9+$0x8000];
	v19 =	vsub.f32 v63, v19;
	v5 =	vsel vm12, $0x0, v25  }
0x78: {  	vm13 =	veq.s32 v16, $0x0;
	s9 =	sand.u32 $0xC00, s31;
	v31 =	vld [tilespmem:s8+$0x0];
	s8 =	sand.u32 $0x70, s2;
	v16 =	vadd.f32 v23, v21;
	v21 =	vmul.f32 v5, v5  }
0x79: {  	vm2 =	veq.s32 v18, $0x0;
	v10 =	vshrl.u32 v10, $0x18;
	v28 =	vld [tilespmem:s28+$0x0];
	s0 =	sor.u32 s8, s9;
	v19 =	vsel vm1, $0x0, v19  }
0x7a: {  	vm14 =	veq.s32 v15, $0x0;
	v20 =	vld [tilespmem:s0+$0xB300];
	v15 =	vadd.f32 v21, v16;
	v16 =	vmul.f32 v19, v19  }
0x7b: {  	v12 =	vshrl.u32 v1, $0x18;
	v17 =	vsel vm2, $0x0, v17;
	v10 =	vadd.s32 v3, v10;
	v1 =	vld [tilespmem:s0+$0x10300]  }
0x7c: {  	vm15 =	veq.s32 v14, $0x0;
	v3 =	vld [tilespmem:s0+$0x10200];
	v14 =	vadd.f32 v16, v15;
	v15 =	vmul.f32 v17, v17  }
0x7d: {  	v26 =	vld [tilespmem:s0+$0x10000];
	v16 =	vshrl.u32 v2, $0x18;
	v2 =	vsel vm15, $0x0, v13  }
0x7e: {  	v9 =	vsel vm3, $0x0, v9;
	v25 =	vld [tilespmem:s25+$0x0];
	v13 =	vadd.f32 v15, v14;
	v14 =	vmul.f32 v2, v2  }
0x7f: {  	v11 =	vshrl.u32 v11, $0x18;
	v8 =	vshrl.u32 v8, $0x18;
	v22 =	vmul.u32 $0x1010101, v22;
	v24 =	vld [tilespmem:s0+$0x3300]  }
0x80: {  	v9 =	vmul.f32 v9, v9;
	v8 =	vadd.s32 v8, v10;
	v5 =	vld [tilespmem:s25+$0x10000];
	v10 =	vadd.f32 v14, v13  }
0x81: {  	v8 =	vadd.s32 v11, v8;
	v11 =	vshrl.u32 v22, $0x18;
	v17 =	vld [tilespmem:s0+$0xB100];
	v13 =	vsel vm14, $0x0, v4  }
0x82: {  	v8 =	vadd.s32 v11, v8;
	v2 =	vld [tilespmem:s0+$0x10280];
	v11 =	vmul.f32 v13, v13;
	v9 =	vadd.f32 v9, v10  }
0x83: {  	v6 =	vshrl.u32 v6, $0x18;
	v7 =	vsel vm13, $0x0, v7;
	v8 =	vadd.s32 v16, v8;
	v4 =	vld [tilespmem:s0+$0x10100]  }
0x84: {  	v7 =	vmul.f32 v7, v7;
	s25 =	simm.s32 $0x20;
	v8 =	vadd.s32 v6, v8;
	v10 =	vld [tilespmem:s0+$0x10080];
	v6 =	vadd.f32 v11, v9  }
.LBB2_3:
0x85: {  	p0 =	sne.s32 s25, $0x1F0;
	v18 =	vld [tilespmem:s0+$0x8000];
	v8 =	vadd.s32 v12, v8;
	v9 =	vshrl.u32 v0, $0x18;
	v0 =	vmul.u32 $0x1010101, v5  }
0x86: {  	v12 =	vmul.u32 $0x1010101, v1;
	v34 =	vld [tilespmem:s0+$0x0];
	v9 =	vadd.s32 v9, v8;
	v35 =	vadd.f32 v7, v6  }
0x87: {  	v23 =	vand.u32 $0x1000000, v5;
	v6 =	vmul.u32 $0x1010101, v2;
	v7 =	vsub.f32 v27, v28;
	v36 =	vld [tilespmem:s0+$0x9000]  }
0x88: {  	v13 =	vmul.u32 $0x1010101, v3;
	v22 =	vand.u32 $0x10000, v5;
	v8 =	vsub.f32 v29, v31;
	v27 =	vld [tilespmem:s0+$0x1000]  }
0x89: {  	v19 =	vand.u32 $0x100, v5;
	v16 =	vmul.u32 $0x1010101, v4;
	v11 =	vmul.u32 $0x1010101, v10;
	v28 =	vld [tilespmem:s0+$0xA000]  }
0x8a: {  	v21 =	vand.u32 $0x1, v5;
	v14 =	vsub.f32 v30, v32;
	v15 =	vmul.u32 $0x1010101, v26;
	v29 =	vld [tilespmem:s0+$0x2000]  }
0x8b: {  	v5 =	vand.u32 $0x1, v26;
	v30 =	vsub.f32 v18, v34;
	v31 =	vld [tilespmem:s0+$0xB000];
	v18 =	vsub.f32 v33, v25  }
0x8c: {  	v20 =	vsub.f32 v20, v24;
	vm0 =	veq.s32 v5, $0x0;
	v25 =	vand.u32 $0x1000000, v1;
	v32 =	vld [tilespmem:s0+$0x3000]  }
0x8d: {  	v24 =	vand.u32 $0x100, v26;
	v5 =	vsel vm0, $0x0, v30;
	v27 =	vsub.f32 v36, v27;
	v30 =	vld [tilespmem:s0+$0x8080]  }
0x8e: {  	vm0 =	veq.s32 v24, $0x0;
	v33 =	vmul.f32 v5, v5;
	v24 =	vld [tilespmem:s0+$0x80];
	v5 =	vand.u32 $0x10000, v1  }
0x8f: {  	v34 =	vand.u32 $0x10000, v26;
	v27 =	vsel vm0, $0x0, v27;
	v28 =	vsub.f32 v28, v29;
	v29 =	vld [tilespmem:s0+$0x9080]  }
0x90: {  	vm0 =	veq.s32 v34, $0x0;
	v33 =	vadd.f32 v33, v35;
	v27 =	vmul.f32 v27, v27;
	v34 =	vld [tilespmem:s0+$0x1080]  }
0x91: {  	v26 =	vand.u32 $0x1000000, v26;
	v28 =	vsel vm0, $0x0, v28;
	v31 =	vsub.f32 v31, v32;
	v32 =	vld [tilespmem:s0+$0xA080]  }
0x92: {  	vm0 =	veq.s32 v26, $0x0;
	v27 =	vadd.f32 v27, v33;
	v28 =	vmul.f32 v28, v28;
	v26 =	vld [tilespmem:s0+$0x2080]  }
0x93: {  	v33 =	vand.u32 $0x1, v10;
	v31 =	vsel vm0, $0x0, v31;
	v24 =	vsub.f32 v30, v24;
	v30 =	vld [tilespmem:s0+$0xB080]  }
0x94: {  	vm0 =	veq.s32 v33, $0x0;
	v27 =	vadd.f32 v28, v27;
	v28 =	vmul.f32 v31, v31;
	v31 =	vld [tilespmem:s0+$0x3080]  }
0x95: {  	v33 =	vand.u32 $0x100, v10;
	v24 =	vsel vm0, $0x0, v24;
	v29 =	vsub.f32 v29, v34;
	v34 =	vld [tilespmem:s0+$0x8100]  }
0x96: {  	vm0 =	veq.s32 v33, $0x0;
	v27 =	vadd.f32 v28, v27;
	v24 =	vmul.f32 v24, v24;
	v28 =	vld [tilespmem:s0+$0x100]  }
0x97: {  	v33 =	vand.u32 $0x10000, v10;
	v29 =	vsel vm0, $0x0, v29;
	v26 =	vsub.f32 v32, v26;
	v32 =	vld [tilespmem:s0+$0x9100]  }
0x98: {  	vm0 =	veq.s32 v33, $0x0;
	v24 =	vadd.f32 v24, v27;
	v27 =	vmul.f32 v29, v29;
	v29 =	vld [tilespmem:s0+$0x1100]  }
0x99: {  	s28 =	sand.u32 $0xFFFFFC00, s31;
	v10 =	vand.u32 $0x1000000, v10;
	v26 =	vsel vm0, $0x0, v26;
	v30 =	vsub.f32 v30, v31;
	v31 =	vld [tilespmem:s0+$0xA100]  }
0x9a: {  	s28 =	sadd.s32 s28, s2;
	s2 =	smov.u32 s25;
	vm0 =	veq.s32 v10, $0x0;
	v24 =	vadd.f32 v27, v24;
	v26 =	vmul.f32 v26, v26;
	v27 =	vld [tilespmem:s0+$0x2100]  }
0x9b: {  	s8 =	sor.u32 $0x180, s28;
	v10 =	vsel vm0, $0x0, v30;
	v30 =	vand.u32 $0x1, v4;
	v28 =	vsub.f32 v34, v28;
	v33 =	vld [tilespmem:s0+$0x3100]  }
0x9c: {  	v24 =	vadd.f32 v26, v24;
	v26 =	vmul.f32 v10, v10;
	vm0 =	veq.s32 v30, $0x0;
	v10 =	vld [tilespmem:s8+$0x10000]  }
0x9d: {  	v30 =	vand.u32 $0x100, v4;
	v28 =	vsel vm0, $0x0, v28;
	v29 =	vsub.f32 v32, v29;
	v32 =	vld [tilespmem:s8+$0x8000]  }
0x9e: {  	vm0 =	veq.s32 v30, $0x0;
	v24 =	vadd.f32 v26, v24;
	v26 =	vmul.f32 v28, v28;
	v28 =	vld [tilespmem:s8+$0x0];
	s8 =	sor.u32 $0x1180, s28  }
0x9f: {  	v30 =	vand.u32 $0x10000, v4;
	v29 =	vsel vm0, $0x0, v29;
	v27 =	vsub.f32 v31, v27;
	v31 =	vld [tilespmem:s8+$0x8000]  }
0xa0: {  	vm0 =	veq.s32 v30, $0x0;
	v24 =	vadd.f32 v26, v24;
	v26 =	vmul.f32 v29, v29;
	v29 =	vld [tilespmem:s8+$0x0];
	s8 =	sor.u32 $0x2180, s28  }
0xa1: {  	v4 =	vand.u32 $0x1000000, v4;
	v17 =	vsub.f32 v17, v33;
	v27 =	vsel vm0, $0x0, v27;
	v30 =	vld [tilespmem:s8+$0x8000]  }
0xa2: {  	vm0 =	veq.s32 v4, $0x0;
	v24 =	vadd.f32 v26, v24;
	v26 =	vmul.f32 v27, v27;
	v4 =	vld [tilespmem:s8+$0x0];
	s8 =	sor.u32 $0x3180, s28  }
0xa3: {  	v17 =	vsel vm0, $0x0, v17;
	v27 =	vand.u32 $0x1, v10;
	v28 =	vsub.f32 v32, v28;
	v32 =	vld [tilespmem:s8+$0x8000]  }
0xa4: {  	v17 =	vmul.f32 v17, v17;
	vm0 =	veq.s32 v27, $0x0;
	v24 =	vadd.f32 v26, v24;
	v26 =	vld [tilespmem:s8+$0x0]  }
0xa5: {  	v27 =	vsel vm0, $0x0, v28;
	v28 =	vand.u32 $0x100, v10;
	v29 =	vsub.f32 v31, v29;
	v31 =	vld [tilespmem:s0+$0x8200]  }
0xa6: {  	v17 =	vadd.f32 v17, v24;
	v24 =	vmul.f32 v27, v27;
	vm0 =	veq.s32 v28, $0x0;
	v27 =	vld [tilespmem:s0+$0x200]  }
0xa7: {  	v28 =	vsel vm0, $0x0, v29;
	v29 =	vand.u32 $0x10000, v10;
	v4 =	vsub.f32 v30, v4;
	v30 =	vld [tilespmem:s0+$0x9200]  }
0xa8: {  	v17 =	vadd.f32 v24, v17;
	v24 =	vmul.f32 v28, v28;
	vm0 =	veq.s32 v29, $0x0;
	v28 =	vld [tilespmem:s0+$0x1200]  }
0xa9: {  	v29 =	vand.u32 $0x1000000, v10;
	v4 =	vsel vm0, $0x0, v4;
	v26 =	vsub.f32 v32, v26;
	v32 =	vld [tilespmem:s0+$0xA200]  }
0xaa: {  	vm0 =	veq.s32 v29, $0x0;
	v17 =	vadd.f32 v24, v17;
	v4 =	vmul.f32 v4, v4;
	v24 =	vld [tilespmem:s0+$0x2200]  }
0xab: {  	v29 =	vand.u32 $0x1, v3;
	v26 =	vsel vm0, $0x0, v26;
	v27 =	vsub.f32 v31, v27;
	v31 =	vld [tilespmem:s0+$0xB200]  }
0xac: {  	vm0 =	veq.s32 v29, $0x0;
	v4 =	vadd.f32 v4, v17;
	v17 =	vmul.f32 v26, v26;
	v26 =	vld [tilespmem:s0+$0x3200]  }
0xad: {  	v29 =	vand.u32 $0x100, v3;
	v27 =	vsel vm0, $0x0, v27;
	v28 =	vsub.f32 v30, v28;
	v30 =	vld [tilespmem:s0+$0x8280]  }
0xae: {  	vm0 =	veq.s32 v29, $0x0;
	v4 =	vadd.f32 v17, v4;
	v17 =	vmul.f32 v27, v27;
	v27 =	vld [tilespmem:s0+$0x280]  }
0xaf: {  	v29 =	vand.u32 $0x10000, v3;
	v28 =	vsel vm0, $0x0, v28;
	v24 =	vsub.f32 v32, v24;
	v32 =	vld [tilespmem:s0+$0x9280]  }
0xb0: {  	vm0 =	veq.s32 v29, $0x0;
	v4 =	vadd.f32 v17, v4;
	v17 =	vmul.f32 v28, v28;
	v28 =	vld [tilespmem:s0+$0x1280]  }
0xb1: {  	v3 =	vand.u32 $0x1000000, v3;
	v24 =	vsel vm0, $0x0, v24;
	v26 =	vsub.f32 v31, v26;
	v29 =	vld [tilespmem:s0+$0xA280]  }
0xb2: {  	vm0 =	veq.s32 v3, $0x0;
	v4 =	vadd.f32 v17, v4;
	v17 =	vmul.f32 v24, v24;
	v3 =	vld [tilespmem:s0+$0x2280]  }
0xb3: {  	v24 =	vsel vm0, $0x0, v26;
	v26 =	vand.u32 $0x1, v2;
	v27 =	vsub.f32 v30, v27;
	v30 =	vld [tilespmem:s0+$0xB280]  }
0xb4: {  	v4 =	vadd.f32 v17, v4;
	v17 =	vmul.f32 v24, v24;
	vm0 =	veq.s32 v26, $0x0;
	v24 =	vld [tilespmem:s0+$0x3280]  }
0xb5: {  	v26 =	vsel vm0, $0x0, v27;
	v27 =	vand.u32 $0x100, v2;
	v28 =	vsub.f32 v32, v28;
	v31 =	vld [tilespmem:s0+$0x8300]  }
0xb6: {  	v4 =	vadd.f32 v17, v4;
	v17 =	vmul.f32 v26, v26;
	vm0 =	veq.s32 v27, $0x0;
	v26 =	vld [tilespmem:s0+$0x300]  }
0xb7: {  	v27 =	vsel vm0, $0x0, v28;
	v28 =	vand.u32 $0x10000, v2;
	v3 =	vsub.f32 v29, v3;
	v32 =	vld [tilespmem:s0+$0x9300]  }
0xb8: {  	s31 =	sadd.s32 $0x80, s31;
	v4 =	vadd.f32 v17, v4;
	v17 =	vmul.f32 v27, v27;
	vm0 =	veq.s32 v28, $0x0;
	v33 =	vld [tilespmem:s0+$0x1300]  }
0xb9: {  	s8 =	sor.u32 s25, s31;
	v2 =	vand.u32 $0x1000000, v2;
	v3 =	vsel vm0, $0x0, v3;
	v24 =	vsub.f32 v30, v24;
	v34 =	vld [tilespmem:s0+$0xA300]  }
0xba: {  	s28 =	sor.u32 $0x3380, s8;
	vm0 =	veq.s32 v2, $0x0;
	v4 =	vadd.f32 v17, v4;
	v3 =	vmul.f32 v3, v3;
	v2 =	vld [tilespmem:s0+$0x2300]  }
0xbb: {  	v27 =	vld [tilespmem:s28+$0x8000];
	v17 =	vsel vm0, $0x0, v24;
	v24 =	vand.u32 $0x1, v1;
	v26 =	vsub.f32 v31, v26  }
0xbc: {  	s0 =	sor.u32 $0x2380, s8;
	v28 =	vld [tilespmem:s28+$0x0];
	v3 =	vadd.f32 v3, v4;
	v4 =	vmul.f32 v17, v17;
	vm0 =	veq.s32 v24, $0x0  }
0xbd: {  	v1 =	vand.u32 $0x100, v1;
	v29 =	vld [tilespmem:s0+$0x8000];
	v17 =	vsel vm0, $0x0, v26;
	v24 =	vsub.f32 v32, v33  }
0xbe: {  	s28 =	sor.u32 $0x1380, s8;
	vm0 =	veq.s32 v1, $0x0;
	v31 =	vld [tilespmem:s0+$0x0];
	v3 =	vadd.f32 v4, v3;
	v4 =	vmul.f32 v17, v17  }
0xbf: {  	v30 =	vld [tilespmem:s28+$0x8000];
	v1 =	vsel vm0, $0x0, v24;
	v2 =	vsub.f32 v34, v2;
	vm0 =	veq.s32 v23, $0x0  }
0xc0: {  	vm1 =	veq.s32 v5, $0x0;
	s8 =	sor.u32 $0x380, s8;
	v32 =	vld [tilespmem:s28+$0x0];
	v3 =	vadd.f32 v4, v3;
	v1 =	vmul.f32 v1, v1  }
0xc1: {  	v4 =	vmul.u32 $0x1010101, v10;
	v5 =	vld [tilespmem:s8+$0x10000];
	v2 =	vsel vm1, $0x0, v2;
	vm1 =	veq.s32 v22, $0x0  }
0xc2: {  	vm2 =	veq.s32 v25, $0x0;
	s0 =	sand.u32 $0x70, s25;
	s28 =	sand.u32 $0xC00, s31;
	v33 =	vld [tilespmem:s8+$0x8000];
	v1 =	vadd.f32 v1, v3;
	v2 =	vmul.f32 v2, v2  }
0xc3: {  	vm3 =	veq.s32 v19, $0x0;
	s0 =	sor.u32 s0, s28;
	v3 =	vsel vm2, $0x0, v20;
	vm2 =	veq.s32 v21, $0x0;
	v25 =	vld [tilespmem:s8+$0x0]  }
0xc4: {  	v12 =	vshrl.u32 v12, $0x18;
	v3 =	vmul.f32 v3, v3;
	v20 =	vld [tilespmem:s0+$0xB300];
	v2 =	vadd.f32 v2, v1  }
0xc5: {  	v13 =	vshrl.u32 v13, $0x18;
	v10 =	vshrl.u32 v16, $0x18;
	v16 =	vsel vm2, $0x0, v18;
	v24 =	vld [tilespmem:s0+$0x3300]  }
0xc6: {  	v15 =	vshrl.u32 v15, $0x18;
	v16 =	vmul.f32 v16, v16;
	v1 =	vld [tilespmem:s0+$0x10300];
	v17 =	vadd.f32 v3, v2  }
0xc7: {  	v14 =	vsel vm3, $0x0, v14;
	v11 =	vshrl.u32 v11, $0x18;
	v9 =	vadd.s32 v9, v15;
	v2 =	vld [tilespmem:s0+$0x10280]  }
.Ltmp0:
0xc8: {  	v14 =	vmul.f32 v14, v14;
	v9 =	vadd.s32 v11, v9;
	v3 =	vld [tilespmem:s0+$0x10200];
	v11 =	vadd.f32 v16, v17;
	(pc) =	sbr.rel @p0 .LBB2_3-.Ltmp0, $4  }
0xc9: {  	v9 =	vadd.s32 v10, v9;
	v10 =	vshrl.u32 v4, $0x18;
	v8 =	vsel vm1, $0x0, v8;
	v17 =	vld [tilespmem:s0+$0xB100]  }
0xca: {  	v9 =	vadd.s32 v10, v9;
	v4 =	vld [tilespmem:s0+$0x10100];
	v11 =	vadd.f32 v14, v11;
	v14 =	vmul.f32 v8, v8  }
0xcb: {  	v6 =	vshrl.u32 v6, $0x18;
	v7 =	vsel vm0, $0x0, v7;
	v8 =	vadd.s32 v13, v9;
	v10 =	vld [tilespmem:s0+$0x10080]  }
0xcc: {  	s25 =	sadd.s32 $0x10, s25;
	v7 =	vmul.f32 v7, v7;
	v8 =	vadd.s32 v6, v8;
	v26 =	vld [tilespmem:s0+$0x10000];
	v6 =	vadd.f32 v14, v11  }
0xcd: {  	v9 =	vld [tilespmem:s0+$0x8000]  }
0xce: {  	v11 =	vld [tilespmem:s0+$0x0]  }
0xcf: {  	v13 =	vld [tilespmem:s0+$0x9000]  }
0xd0: {  	v14 =	vld [tilespmem:s0+$0x1000]  }
0xd1: {  	v15 =	vld [tilespmem:s0+$0xA000]  }
0xd2: {  	v16 =	vld [tilespmem:s0+$0x2000]  }
0xd3: {  	v18 =	vld [tilespmem:s0+$0xB000]  }
0xd4: {  	v19 =	vld [tilespmem:s0+$0x3000]  }
0xd5: {  	v21 =	vld [tilespmem:s0+$0x8080]  }
0xd6: {  	v22 =	vld [tilespmem:s0+$0x80]  }
0xd7: {  	v23 =	vld [tilespmem:s0+$0x9080]  }
0xd8: {  	v34 =	vld [tilespmem:s0+$0x1080]  }
0xd9: {  	v35 =	vld [tilespmem:s0+$0xA080]  }
0xda: {  	v36 =	vld [tilespmem:s0+$0x2080]  }
0xdb: {  	v37 =	vld [tilespmem:s0+$0xB080]  }
0xdc: {  	v8 =	vadd.s32 v12, v8;
	v60 =	vld [tilespmem:s0+$0x9100]  }
0xdd: {  	v0 =	vshrl.u32 v0, $0x18;
	v47 =	vld [tilespmem:s0+$0x9280];
	v55 =	vand.u32 $0x1, v3;
	v20 =	vsub.f32 v20, v24  }
0xde: {  	v50 =	vld [tilespmem:s0+$0xA280];
	v57 =	vand.u32 $0x100, v3;
	v59 =	vadd.f32 v7, v6;
	v6 =	vsub.f32 v27, v28  }
0xdf: {  	s8 =	sand.u32 $0xFFFFFC00, s31;
	v53 =	vld [tilespmem:s0+$0xB280];
	v7 =	vsub.f32 v29, v31;
	v39 =	vand.u32 $0x1, v4;
	v42 =	vand.u32 $0x1000000, v4  }
0xe0: {  	v27 =	vld [tilespmem:s0+$0x3080];
	s2 =	sadd.s32 s8, s2;
	v40 =	vand.u32 $0x100, v4;
	v41 =	vand.u32 $0x10000, v4;
	vm12 =	veq.s32 v42, $0x0  }
0xe1: {  	v29 =	vld [tilespmem:s0+$0x8100];
	s25 =	sor.u32 $0x1180, s2;
	v28 =	vand.u32 $0x1, v26;
	v31 =	vand.u32 $0x100, v26;
	v11 =	vsub.f32 v9, v11  }
0xe2: {  	s28 =	sor.u32 $0x2180, s2;
	v61 =	vld [tilespmem:s25+$0x8000];
	v9 =	vsub.f32 v30, v32;
	vm0 =	veq.s32 v28, $0x0;
	v13 =	vsub.f32 v13, v14  }
0xe3: {  	s8 =	sor.u32 $0x180, s2;
	s2 =	sor.u32 $0x3180, s2;
	v63 =	vld [tilespmem:s28+$0x8000];
	vm14 =	veq.s32 v31, $0x0;
	v31 =	vand.u32 $0x10000, v26;
	v15 =	vsub.f32 v15, v16  }
0xe4: {  	v38 =	vld [tilespmem:s2+$0x8000];
	v18 =	vsub.f32 v18, v19;
	v21 =	vsub.f32 v21, v22;
	v30 =	vsel vm0, $0x0, v11  }
0xe5: {  	v28 =	vld [tilespmem:s0+$0x100];
	v23 =	vsub.f32 v23, v34;
	v11 =	vsub.f32 v33, v25;
	v25 =	vmul.f32 v30, v30  }
0xe6: {  	v16 =	vld [tilespmem:s0+$0xA100];
	v62 =	vsub.f32 v35, v36;
	vm15 =	veq.s32 v31, $0x0;
	v13 =	vsel vm14, $0x0, v13  }
0xe7: {  	v19 =	vld [tilespmem:s0+$0x3100];
	v31 =	vand.u32 $0x1000000, v26;
	v13 =	vmul.f32 v13, v13;
	v12 =	vadd.f32 v25, v59  }
0xe8: {  	v22 =	vld [tilespmem:s8+$0x8000];
	v36 =	vand.u32 $0x1000000, v10;
	v15 =	vsel vm15, $0x0, v15;
	vm4 =	veq.s32 v31, $0x0  }
0xe9: {  	v31 =	vand.u32 $0x1, v10;
	v30 =	vld [tilespmem:s0+$0x1100];
	v15 =	vmul.f32 v15, v15;
	v13 =	vadd.f32 v13, v12  }
0xea: {  	v18 =	vsel vm4, $0x0, v18;
	vm5 =	veq.s32 v31, $0x0;
	v31 =	vand.u32 $0x100, v10;
	v25 =	vld [tilespmem:s0+$0x2100]  }
0xeb: {  	v28 =	vsub.f32 v29, v28;
	v29 =	vld [tilespmem:s0+$0x8200];
	v13 =	vadd.f32 v15, v13;
	v15 =	vmul.f32 v18, v18  }
0xec: {  	v21 =	vsel vm5, $0x0, v21;
	vm6 =	veq.s32 v31, $0x0;
	v17 =	vsub.f32 v17, v19;
	v19 =	vld [tilespmem:s0+$0xB200]  }
0xed: {  	v31 =	vand.u32 $0x10000, v10;
	v59 =	vld [tilespmem:s0+$0xA300];
	v13 =	vadd.f32 v15, v13;
	v15 =	vmul.f32 v21, v21  }
0xee: {  	v23 =	vsel vm6, $0x0, v23;
	vm7 =	veq.s32 v31, $0x0;
	v12 =	vld [tilespmem:s8+$0x10000];
	v17 =	vsel vm12, $0x0, v17  }
0xef: {  	v14 =	vsub.f32 v60, v30;
	v30 =	vld [tilespmem:s0+$0x9200];
	v13 =	vadd.f32 v15, v13;
	v15 =	vmul.f32 v23, v23  }
0xf0: {  	v27 =	vsub.f32 v37, v27;
	v31 =	vsel vm7, $0x0, v62;
	v45 =	vmul.f32 v17, v17;
	v17 =	vld [tilespmem:s0+$0x280]  }
0xf1: {  	vm8 =	veq.s32 v36, $0x0;
	v60 =	vld [tilespmem:s0+$0x2300];
	v13 =	vadd.f32 v15, v13;
	v15 =	vmul.f32 v31, v31  }
0xf2: {  	vm9 =	veq.s32 v39, $0x0;
	vm10 =	veq.s32 v40, $0x0;
	v27 =	vsel vm8, $0x0, v27;
	v18 =	vld [tilespmem:s8+$0x0]  }
0xf3: {  	v16 =	vsub.f32 v16, v25;
	v25 =	vld [tilespmem:s0+$0xA200];
	v13 =	vadd.f32 v15, v13;
	v15 =	vmul.f32 v27, v27  }
0xf4: {  	vm11 =	veq.s32 v41, $0x0;
	v28 =	vsel vm9, $0x0, v28;
	v14 =	vsel vm10, $0x0, v14;
	v21 =	vld [tilespmem:s25+$0x0]  }
0xf5: {  	v16 =	vsel vm11, $0x0, v16;
	v23 =	vld [tilespmem:s28+$0x0];
	v13 =	vadd.f32 v15, v13;
	v15 =	vmul.f32 v28, v28  }
0xf6: {  	v8 =	vadd.s32 v0, v8;
	v14 =	vmul.f32 v14, v14;
	v43 =	vmul.f32 v16, v16;
	v16 =	vld [tilespmem:s0+$0x3200]  }
0xf7: {  	v44 =	vand.u32 $0x1, v12;
	v18 =	vsub.f32 v22, v18;
	v22 =	vld [tilespmem:s0+$0x8280];
	v13 =	vadd.f32 v15, v13  }
0xf8: {  	v0 =	vmul.u32 $0x1010101, v5;
	v46 =	vand.u32 $0x100, v12;
	vm13 =	veq.s32 v44, $0x0;
	v31 =	vld [tilespmem:s2+$0x0]  }
0xf9: {  	v18 =	vsel vm13, $0x0, v18;
	v21 =	vsub.f32 v61, v21;
	v27 =	vld [tilespmem:s0+$0x200];
	v13 =	vadd.f32 v14, v13  }
0xfa: {  	v49 =	vand.u32 $0x10000, v12;
	vm14 =	veq.s32 v46, $0x0;
	v48 =	vmul.f32 v18, v18;
	v18 =	vld [tilespmem:s0+$0x1280]  }
0xfb: {  	v21 =	vsel vm14, $0x0, v21;
	v23 =	vsub.f32 v63, v23;
	v28 =	vld [tilespmem:s0+$0x1200];
	v13 =	vadd.f32 v43, v13  }
0xfc: {  	s8 =	sshll.u32 s30, $0x1;
	v52 =	vand.u32 $0x1000000, v12;
	vm15 =	veq.s32 v49, $0x0;
	v51 =	vmul.f32 v21, v21;
	v21 =	vld [tilespmem:s0+$0x2280]  }
0xfd: {  	s2 =	smin.u32 s8, $0x15;
	v23 =	vsel vm15, $0x0, v23;
	v31 =	vsub.f32 v38, v31;
	v15 =	vld [tilespmem:s0+$0x2200];
	v13 =	vadd.f32 v45, v13  }
0xfe: {  	v4 =	vmul.u32 $0x1010101, v4;
	vm4 =	veq.s32 v52, $0x0;
	s2 =	sshll.u32 s2, $0x3;
	v54 =	vmul.f32 v23, v23;
	v23 =	vld [tilespmem:s0+$0x3280]  }
0xff: {  	s2 =	sadd.s32 $0x10, s2;
	v31 =	vsel vm4, $0x0, v31;
	v27 =	vsub.f32 v29, v27;
	v29 =	vld [tilespmem:s0+$0x8300];
	v13 =	vadd.f32 v48, v13  }
0x100: {  	v0 =	vshrl.u32 v0, $0x18;
	vm5 =	veq.s32 v55, $0x0;
	s9 =	sadd.s32 s7, s2;
	v56 =	vmul.f32 v31, v31;
	v31 =	vld [tilespmem:s0+$0x300]  }
0x101: {  	s8 =	sshll.u32 s9, $0x8;
	v27 =	vsel vm5, $0x0, v27;
	v28 =	vsub.f32 v30, v28;
	v30 =	vld [tilespmem:s0+$0x9300];
	v13 =	vadd.f32 v51, v13  }
0x102: {  	v26 =	vmul.u32 $0x1010101, v26;
	v10 =	vmul.u32 $0x1010101, v10;
	s2 =	sadd.s32 s5, s2;
	s25 =	sadd.s32 s1, s8;
	v58 =	vmul.f32 v27, v27;
	v27 =	vld [tilespmem:s0+$0x1300];
	s0 =	simm.s32 $0x0  }
0x103: {  	vm6 =	veq.s32 v57, $0x0;
	v62 =	vmul.u32 $0x1010101, v2;
	[tilespmem:s0], [sflag:$0x1] =	stream.linear.gather [hbm4b:s25+s0], $0x4000, $0x38;
	v13 =	vadd.f32 v54, v13;
	[tilespmem:$0x12100] =	vst v63  }
0x104: {  	v10 =	vshrl.u32 v10, $0x18;
	v12 =	vmul.u32 $0x1010101, v12;
	s2 =	sshll.u32 s2, $0x6;
	s8 =	sadd.s32 s3, s8;
	v24 =	vsel vm6, $0x0, v28  }
0x105: {  	v28 =	vand.u32 $0x10000, v3;
	v15 =	vsub.f32 v25, v15;
	[tilespmem:s14], [sflag:$0x3] =	stream.linear.gather [hbm4b:s8+s0], $0x4000, $0x38;
	v13 =	vadd.f32 v56, v13;
	[tilespmem:$0x12100] =	vst v63  }
0x106: {  	v61 =	vmul.u32 $0x1010101, v1;
	v16 =	vsub.f32 v19, v16;
	s2 =	sadd.s32 s6, s2;
	vm7 =	veq.s32 v28, $0x0  }
0x107: {  	v24 =	vmul.f32 v24, v24;
	v15 =	vsel vm7, $0x0, v15;
	[tilespmem:s15], [sflag:$0x5] =	stream.linear.gather [hbm4b:s2+s0], $0x1000, $0x38;
	v25 =	vadd.f32 v58, v13;
	[tilespmem:$0x12100] =	vst v63  }
0x108: {  	v19 =	vand.u32 $0x1000000, v5;
	v17 =	vsub.f32 v22, v17;
	v15 =	vmul.f32 v15, v15;
	_ =	swait.ge [sflag:s22], $0x4000  }
0x109: {  	[sflag:s22] =	ssyncset.done $0x0;
	v24 =	vadd.f32 v24, v25;
	v25 =	vmul.u32 $0x1010101, v3;
	v3 =	vand.u32 $0x1000000, v3  }
0x10a: {  	vm15 =	veq.s32 v19, $0x0;
	v18 =	vsub.f32 v47, v18;
	[sflag:s22] =	ssyncadd.s32 $0xFFFFC000;
	vm8 =	veq.s32 v3, $0x0  }
0x10b: {  	_ =	swait.ge [sflag:s23], $0x4000;
	v16 =	vsel vm8, $0x0, v16;
	v15 =	vadd.f32 v15, v24;
	v24 =	vand.u32 $0x1, v2  }
0x10c: {  	v28 =	vand.u32 $0x100, v2;
	[sflag:s23] =	ssyncset.done $0x0;
	vm9 =	veq.s32 v24, $0x0;
	v16 =	vmul.f32 v16, v16  }
0x10d: {  	v21 =	vsub.f32 v50, v21;
	vm10 =	veq.s32 v28, $0x0;
	[sflag:s23] =	ssyncadd.s32 $0xFFFFC000;
	v17 =	vsel vm9, $0x0, v17  }
0x10e: {  	_ =	swait.ge [sflag:s24], $0x1000;
	v24 =	vand.u32 $0x1000000, v1;
	v15 =	vadd.f32 v16, v15;
	v16 =	vmul.f32 v17, v17  }
0x10f: {  	s2 =	sor.u32 s0, s0;
	[sflag:s24] =	ssyncset.done $0x0;
	vm6 =	veq.s32 v24, $0x0;
	v17 =	vsel vm10, $0x0, v18;
	v18 =	vand.u32 $0x10000, v2  }
0x110: {  	s8 =	sor.u32 $0x5380, s2;
	[sflag:s24] =	ssyncadd.s32 $0xFFFFF000;
	vm11 =	veq.s32 v18, $0x0;
	v15 =	vadd.f32 v16, v15;
	v16 =	vmul.f32 v17, v17  }
0x111: {  	v28 =	vld [tilespmem:s8+$0x8000];
	v2 =	vand.u32 $0x1000000, v2;
	v18 =	vsub.f32 v53, v23;
	v17 =	vsel vm11, $0x0, v21  }
0x112: {  	s25 =	sor.u32 $0x7380, s2;
	s28 =	sor.u32 $0x6380, s2;
	s2 =	sor.u32 $0x4380, s2;
	v19 =	vld [tilespmem:s8+$0x0];
	vm12 =	veq.s32 v2, $0x0;
	v15 =	vadd.f32 v16, v15;
	v16 =	vmul.f32 v17, v17  }
0x113: {  	v24 =	vld [tilespmem:s2+$0x0];
	v2 =	vsel vm12, $0x0, v18;
	v18 =	vsub.f32 v29, v31;
	v17 =	vand.u32 $0x1, v1  }
0x114: {  	v23 =	vld [tilespmem:s25+$0x0];
	v2 =	vmul.f32 v2, v2;
	vm13 =	veq.s32 v17, $0x0;
	v15 =	vadd.f32 v16, v15  }
0x115: {  	v22 =	vand.u32 $0x100, v5;
	v21 =	vsub.f32 v30, v27;
	v27 =	vld [tilespmem:s28+$0x0];
	v17 =	vsel vm13, $0x0, v18  }
0x116: {  	vm3 =	veq.s32 v22, $0x0;
	s9 =	sand.u32 $0x70, s0;
	v2 =	vadd.f32 v2, v15;
	v15 =	vmul.f32 v17, v17;
	v17 =	vld [tilespmem:s28+$0x8000];
	s28 =	sand.u32 $0xC00, s0  }
0x117: {  	v9 =	vsel vm3, $0x0, v9;
	v3 =	vand.u32 $0x10000, v5;
	v5 =	vand.u32 $0x1, v5;
	v16 =	vld [tilespmem:s25+$0x8000];
	s25 =	sor.u32 s9, s28  }
0x118: {  	v6 =	vsel vm15, $0x0, v6;
	vm7 =	veq.s32 v5, $0x0;
	v18 =	vand.u32 $0x100, v1;
	v29 =	vld [tilespmem:s25+$0x11100]  }
0x119: {  	vm2 =	veq.s32 v3, $0x0;
	v5 =	vsel vm7, $0x0, v11;
	vm14 =	veq.s32 v18, $0x0;
	v31 =	vld [tilespmem:s25+$0x11000]  }
0x11a: {  	v1 =	vand.u32 $0x10000, v1;
	v18 =	vsel vm14, $0x0, v21;
	v21 =	vsub.f32 v59, v60;
	v63 =	vld [tilespmem:s25+$0xC000]  }
0x11b: {  	vm1 =	veq.s32 v1, $0x0;
	v2 =	vadd.f32 v15, v2;
	v15 =	vmul.f32 v18, v18;
	v41 =	vld [tilespmem:s25+$0x4000]  }
0x11c: {  	v11 =	vshrl.u32 v26, $0x18;
	v7 =	vsel vm2, $0x0, v7;
	v1 =	vsel vm1, $0x0, v21;
	v47 =	vld [tilespmem:s25+$0xF000]  }
0x11d: {  	v8 =	vadd.s32 v8, v11;
	v48 =	vld [tilespmem:s25+$0x7000];
	v1 =	vmul.f32 v1, v1;
	v2 =	vadd.f32 v15, v2  }
0x11e: {  	v5 =	vmul.f32 v5, v5;
	v3 =	vsel vm6, $0x0, v20;
	v8 =	vadd.s32 v10, v8;
	v30 =	vld [tilespmem:s25+$0x11080]  }
0x11f: {  	v20 =	vld [tilespmem:s2+$0x8000];
	v1 =	vadd.f32 v1, v2;
	v2 =	vmul.f32 v3, v3;
	v3 =	vshrl.u32 v4, $0x18  }
0x120: {  	v10 =	vsub.f32 v28, v19;
	v26 =	vld [tilespmem:s25+$0x7300];
	v4 =	vshrl.u32 v25, $0x18;
	v3 =	vadd.s32 v3, v8  }
0x121: {  	v15 =	vld [tilespmem:s25+$0x11380];
	v8 =	vshrl.u32 v12, $0x18;
	v45 =	vmul.u32 $0x1010101, v29;
	v11 =	vmul.u32 $0x1010101, v31  }
0x122: {  	v18 =	vld [tilespmem:s25+$0x11280];
	v19 =	vand.u32 $0x1, v31;
	v28 =	vsub.f32 v63, v41;
	v32 =	vsub.f32 v47, v48  }
0x123: {  	v21 =	vld [tilespmem:s25+$0x11200];
	v51 =	vand.u32 $0x1, v30;
	v53 =	vand.u32 $0x100, v30;
	v54 =	vand.u32 $0x10000, v30  }
0x124: {  	v22 =	vld [tilespmem:s25+$0x11180];
	v2 =	vadd.f32 v2, v1;
	v3 =	vadd.s32 v8, v3;
	v8 =	vsub.f32 v17, v27  }
0x125: {  	v42 =	vld [tilespmem:s25+$0xD000];
	vm8 =	veq.s32 v19, $0x0;
	vm12 =	veq.s32 v51, $0x0;
	vm13 =	veq.s32 v53, $0x0  }
0x126: {  	v44 =	vld [tilespmem:s25+$0xE000];
	v3 =	vadd.s32 v4, v3;
	v4 =	vshrl.u32 v62, $0x18;
	v43 =	vand.u32 $0x1000000, v15  }
0x127: {  	v50 =	vld [tilespmem:s25+$0xE080];
	v46 =	vand.u32 $0x100, v15;
	v2 =	vadd.f32 v5, v2;
	v5 =	vmul.f32 v9, v9  }
0x128: {  	v3 =	vadd.s32 v4, v3;
	v4 =	vmul.f32 v6, v6;
	v6 =	vsub.f32 v16, v23;
	v23 =	vld [tilespmem:s25+$0x5000]  }
0x129: {  	v25 =	vld [tilespmem:s25+$0xF300];
	v2 =	vadd.f32 v5, v2;
	v5 =	vmul.f32 v7, v7;
	v7 =	vshrl.u32 v61, $0x18  }
0x12a: {  	v27 =	vld [tilespmem:s25+$0x6000];
	v17 =	vand.u32 $0x1, v15;
	v16 =	vand.u32 $0x10000, v15;
	v3 =	vadd.s32 v7, v3  }
0x12b: {  	v52 =	vld [tilespmem:s25+$0x7080];
	v2 =	vadd.f32 v5, v2;
	v3 =	vadd.s32 v0, v3;
	v0 =	vmul.u32 $0x1010101, v15  }
0x12c: {  	v56 =	vld [tilespmem:s25+$0xE100];
	v15 =	vsub.f32 v20, v24;
	v20 =	vsel vm8, $0x0, v28;
	v24 =	vand.u32 $0x100, v31  }
0x12d: {  	v28 =	vld [tilespmem:s25+$0xC080];
	v23 =	vsub.f32 v42, v23;
	v49 =	vmul.f32 v20, v20;
	vm9 =	veq.s32 v24, $0x0  }
0x12e: {  	v24 =	vld [tilespmem:s25+$0x4080];
	v20 =	vsub.f32 v25, v26;
	v25 =	vand.u32 $0x10000, v31;
	v40 =	vadd.f32 v4, v2  }
0x12f: {  	v26 =	vsub.f32 v44, v27;
	v27 =	vld [tilespmem:s25+$0xD080];
	v31 =	vand.u32 $0x1000000, v31;
	v23 =	vsel vm9, $0x0, v23  }
0x130: {  	vm10 =	veq.s32 v25, $0x0;
	v25 =	vld [tilespmem:s25+$0x5080];
	v33 =	vadd.f32 v49, v40;
	v23 =	vmul.f32 v23, v23  }
0x131: {  	v1 =	vld [tilespmem:s25+$0x11300];
	v4 =	vmul.u32 $0x1010101, v30;
	vm11 =	veq.s32 v31, $0x0;
	v26 =	vsel vm10, $0x0, v26  }
0x132: {  	v31 =	vld [tilespmem:s25+$0x6080];
	v30 =	vand.u32 $0x1000000, v30;
	v26 =	vmul.f32 v26, v26;
	v23 =	vadd.f32 v23, v33  }
0x133: {  	v32 =	vsel vm11, $0x0, v32;
	vm15 =	veq.s32 v30, $0x0;
	v30 =	vld [tilespmem:s25+$0x6100];
	v24 =	vsub.f32 v28, v24  }
0x134: {  	vm14 =	veq.s32 v54, $0x0;
	v28 =	vld [tilespmem:s25+$0xF080];
	v23 =	vadd.f32 v26, v23;
	v26 =	vmul.f32 v32, v32  }
0x135: {  	v11 =	vshrl.u32 v11, $0x18;
	v25 =	vsub.f32 v27, v25;
	v27 =	vld [tilespmem:s25+$0xC100];
	v24 =	vsel vm12, $0x0, v24  }
0x136: {  	v9 =	vmul.u32 $0x1010101, v21;
	v24 =	vmul.f32 v24, v24;
	v23 =	vadd.f32 v26, v23;
	v26 =	vld [tilespmem:s25+$0x4100]  }
0x137: {  	v55 =	vld [tilespmem:s25+$0xD100];
	v7 =	vmul.u32 $0x1010101, v22;
	v31 =	vsub.f32 v50, v31;
	v25 =	vsel vm13, $0x0, v25  }
0x138: {  	v19 =	vand.u32 $0x1000000, v1;
	v23 =	vadd.f32 v24, v23;
	v24 =	vmul.f32 v25, v25;
	v25 =	vld [tilespmem:s25+$0x5100]  }
0x139: {  	v5 =	vmul.u32 $0x1010101, v18;
	v31 =	vsel vm14, $0x0, v31;
	v28 =	vsub.f32 v28, v52  }
0x13a: {  	s0 =	sand.u32 $0xFFFFFC00, s0;
	v30 =	vsub.f32 v56, v30;
	v23 =	vadd.f32 v24, v23;
	v24 =	vmul.f32 v31, v31  }
0x13b: {  	s0 =	sadd.s32 $0x0, s0;
	v28 =	vsel vm15, $0x0, v28;
	v31 =	vand.u32 $0x1, v29;
	v26 =	vsub.f32 v27, v26;
	v27 =	vld [tilespmem:s25+$0xF100]  }
0x13c: {  	s9 =	sor.u32 $0x4180, s0;
	vm4 =	veq.s32 v31, $0x0;
	v23 =	vadd.f32 v24, v23;
	v24 =	vmul.f32 v28, v28;
	v28 =	vld [tilespmem:s25+$0x7100]  }
0x13d: {  	v57 =	vld [tilespmem:s9+$0x8000];
	v31 =	vand.u32 $0x100, v29;
	v26 =	vsel vm4, $0x0, v26;
	v25 =	vsub.f32 v55, v25  }
0x13e: {  	s28 =	sor.u32 $0x5180, s0;
	vm5 =	veq.s32 v31, $0x0;
	v23 =	vadd.f32 v24, v23;
	v24 =	vmul.f32 v26, v26;
	v26 =	vld [tilespmem:s9+$0x0]  }
0x13f: {  	v58 =	vld [tilespmem:s28+$0x8000];
	v31 =	vand.u32 $0x10000, v29;
	v29 =	vand.u32 $0x1000000, v29;
	v25 =	vsel vm5, $0x0, v25  }
0x140: {  	s8 =	sor.u32 $0x6180, s0;
	vm6 =	veq.s32 v31, $0x0;
	v23 =	vadd.f32 v24, v23;
	v24 =	vmul.f32 v25, v25;
	v25 =	vld [tilespmem:s28+$0x0]  }
0x141: {  	vm7 =	veq.s32 v29, $0x0;
	v29 =	vld [tilespmem:s8+$0x0];
	v30 =	vsel vm6, $0x0, v30;
	v27 =	vsub.f32 v27, v28  }
0x142: {  	s0 =	sor.u32 $0x7180, s0;
	v2 =	vmul.u32 $0x1010101, v1;
	v28 =	vld [tilespmem:s8+$0x8000];
	v23 =	vadd.f32 v24, v23;
	v24 =	vmul.f32 v30, v30  }
0x143: {  	v31 =	vld [tilespmem:s0+$0x8000];
	v30 =	vand.u32 $0x1, v22;
	v27 =	vsel vm7, $0x0, v27;
	v26 =	vsub.f32 v57, v26  }
0x144: {  	vm8 =	veq.s32 v30, $0x0;
	v23 =	vadd.f32 v24, v23;
	v24 =	vmul.f32 v27, v27;
	v27 =	vld [tilespmem:s0+$0x0]  }
0x145: {  	v59 =	vld [tilespmem:s25+$0xC200];
	v30 =	vand.u32 $0x100, v22;
	v26 =	vsel vm8, $0x0, v26;
	v25 =	vsub.f32 v58, v25  }
0x146: {  	vm9 =	veq.s32 v30, $0x0;
	v23 =	vadd.f32 v24, v23;
	v24 =	vmul.f32 v26, v26;
	v26 =	vld [tilespmem:s25+$0x4200]  }
0x147: {  	v30 =	vand.u32 $0x10000, v22;
	v28 =	vsub.f32 v28, v29;
	v29 =	vld [tilespmem:s25+$0xD200];
	v25 =	vsel vm9, $0x0, v25  }
0x148: {  	vm10 =	veq.s32 v30, $0x0;
	v23 =	vadd.f32 v24, v23;
	v24 =	vmul.f32 v25, v25;
	v25 =	vld [tilespmem:s25+$0x5200]  }
0x149: {  	v22 =	vand.u32 $0x1000000, v22;
	v30 =	vld [tilespmem:s25+$0xE200];
	v28 =	vsel vm10, $0x0, v28;
	v27 =	vsub.f32 v31, v27  }
0x14a: {  	vm11 =	veq.s32 v22, $0x0;
	v22 =	vld [tilespmem:s25+$0x6200];
	v23 =	vadd.f32 v24, v23;
	v24 =	vmul.f32 v28, v28  }
0x14b: {  	v31 =	vld [tilespmem:s25+$0xF200];
	v28 =	vand.u32 $0x1, v21;
	v27 =	vsel vm11, $0x0, v27;
	v26 =	vsub.f32 v59, v26  }
0x14c: {  	vm12 =	veq.s32 v28, $0x0;
	v23 =	vadd.f32 v24, v23;
	v24 =	vmul.f32 v27, v27;
	v27 =	vld [tilespmem:s25+$0x7200]  }
0x14d: {  	v28 =	vand.u32 $0x100, v21;
	v26 =	vsel vm12, $0x0, v26;
	v25 =	vsub.f32 v29, v25;
	v29 =	vld [tilespmem:s25+$0xC280]  }
0x14e: {  	vm13 =	veq.s32 v28, $0x0;
	v23 =	vadd.f32 v24, v23;
	v24 =	vmul.f32 v26, v26;
	v26 =	vld [tilespmem:s25+$0x4280]  }
0x14f: {  	v22 =	vsub.f32 v30, v22;
	v30 =	vld [tilespmem:s25+$0xD280];
	v28 =	vand.u32 $0x10000, v21;
	v25 =	vsel vm13, $0x0, v25  }
0x150: {  	vm14 =	veq.s32 v28, $0x0;
	v23 =	vadd.f32 v24, v23;
	v24 =	vmul.f32 v25, v25;
	v25 =	vld [tilespmem:s25+$0x5280]  }
0x151: {  	v21 =	vand.u32 $0x1000000, v21;
	v28 =	vld [tilespmem:s25+$0xE280];
	v22 =	vsel vm14, $0x0, v22;
	v27 =	vsub.f32 v31, v27  }
0x152: {  	vm15 =	veq.s32 v21, $0x0;
	v21 =	vld [tilespmem:s25+$0x6280];
	v22 =	vmul.f32 v22, v22;
	v23 =	vadd.f32 v24, v23  }
0x153: {  	v24 =	vsel vm15, $0x0, v27;
	v27 =	vand.u32 $0x1, v18;
	v26 =	vsub.f32 v29, v26;
	v29 =	vld [tilespmem:s25+$0xF280]  }
0x154: {  	v22 =	vadd.f32 v22, v23;
	v23 =	vmul.f32 v24, v24;
	vm4 =	veq.s32 v27, $0x0;
	v24 =	vld [tilespmem:s25+$0x7280]  }
0x155: {  	v27 =	vand.u32 $0x100, v18;
	v26 =	vsel vm4, $0x0, v26;
	v25 =	vsub.f32 v30, v25;
	v30 =	vld [tilespmem:s25+$0xC300]  }
0x156: {  	vm5 =	veq.s32 v27, $0x0;
	v22 =	vadd.f32 v23, v22;
	v23 =	vmul.f32 v26, v26;
	v26 =	vld [tilespmem:s25+$0x4300]  }
0x157: {  	v31 =	vld [tilespmem:s25+$0x5300];
	v21 =	vsub.f32 v28, v21;
	v27 =	vand.u32 $0x10000, v18;
	v25 =	vsel vm5, $0x0, v25  }
0x158: {  	s2 =	simm.s32 $0x80;
	s0 =	simm.s32 $0x10;
	v28 =	vld [tilespmem:s25+$0xD300];
	vm6 =	veq.s32 v27, $0x0;
	v22 =	vadd.f32 v23, v22;
	v23 =	vmul.f32 v25, v25  }
0x159: {  	v60 =	vld [tilespmem:s25+$0xE300];
	s8 =	sor.u32 s0, s2;
	v18 =	vand.u32 $0x1000000, v18;
	v21 =	vsel vm6, $0x0, v21;
	v24 =	vsub.f32 v29, v24  }
0x15a: {  	s28 =	sor.u32 $0x7380, s8;
	vm7 =	veq.s32 v18, $0x0;
	v18 =	vld [tilespmem:s25+$0x6300];
	v21 =	vmul.f32 v21, v21;
	v22 =	vadd.f32 v23, v22  }
0x15b: {  	v27 =	vld [tilespmem:s28+$0x0];
	v23 =	vsel vm7, $0x0, v24;
	v24 =	vand.u32 $0x1, v1;
	v29 =	vsub.f32 v30, v26  }
0x15c: {  	s9 =	sor.u32 $0x6380, s8;
	v25 =	vld [tilespmem:s28+$0x8000];
	s28 =	sor.u32 $0x5380, s8;
	s8 =	sor.u32 $0x4380, s8;
	v21 =	vadd.f32 v21, v22;
	v22 =	vmul.f32 v23, v23;
	vm8 =	veq.s32 v24, $0x0  }
0x15d: {  	v32 =	vld [tilespmem:s8+$0x8000];
	v30 =	vsub.f32 v28, v31;
	v24 =	vand.u32 $0x100, v1;
	v23 =	vsel vm8, $0x0, v29  }
0x15e: {  	v33 =	vld [tilespmem:s8+$0x0];
	vm9 =	veq.s32 v24, $0x0;
	v21 =	vadd.f32 v22, v21;
	v22 =	vmul.f32 v23, v23  }
0x15f: {  	v26 =	vld [tilespmem:s9+$0x8000];
	v18 =	vsub.f32 v60, v18;
	v1 =	vand.u32 $0x10000, v1;
	v23 =	vsel vm9, $0x0, v30  }
0x160: {  	v28 =	vld [tilespmem:s9+$0x0];
	vm10 =	veq.s32 v1, $0x0;
	v21 =	vadd.f32 v22, v21;
	v22 =	vmul.f32 v23, v23  }
0x161: {  	s31 =	sand.u32 $0xC00, s2;
	v11 =	vadd.s32 v3, v11;
	v4 =	vshrl.u32 v4, $0x18;
	s9 =	sand.u32 $0x70, s0;
	v31 =	vld [tilespmem:s28+$0x0];
	v1 =	vsel vm10, $0x0, v18  }
0x162: {  	vm13 =	veq.s32 v19, $0x0;
	s31 =	sor.u32 s9, s31;
	v29 =	vld [tilespmem:s28+$0x8000];
	v1 =	vmul.f32 v1, v1;
	v61 =	vadd.f32 v22, v21  }
0x163: {  	vm11 =	veq.s32 v16, $0x0;
	v16 =	vshrl.u32 v2, $0x18;
	v34 =	vld [tilespmem:s31+$0x7300];
	v18 =	vsel vm13, $0x0, v20  }
0x164: {  	vm14 =	veq.s32 v17, $0x0;
	v3 =	vld [tilespmem:s31+$0x11200];
	v62 =	vmul.f32 v18, v18;
	v2 =	vadd.f32 v1, v61  }
0x165: {  	v11 =	vadd.s32 v4, v11;
	v63 =	vsel vm14, $0x0, v15;
	v4 =	vld [tilespmem:s31+$0x11180]  }
0x166: {  	v14 =	vmul.f32 v63, v63;
	vm15 =	veq.s32 v46, $0x0;
	v24 =	vld [tilespmem:s31+$0x11080];
	v13 =	vadd.f32 v62, v2  }
0x167: {  	v12 =	vshrl.u32 v45, $0x18;
	v7 =	vshrl.u32 v7, $0x18;
	v10 =	vsel vm15, $0x0, v10;
	v35 =	vld [tilespmem:s31+$0x11000]  }
0x168: {  	v11 =	vadd.s32 v12, v11;
	v10 =	vmul.f32 v10, v10;
	v30 =	vld [tilespmem:s31+$0x11380];
	v13 =	vadd.f32 v14, v13  }
0x169: {  	v9 =	vshrl.u32 v9, $0x18;
	v7 =	vadd.s32 v7, v11;
	v8 =	vsel vm11, $0x0, v8;
	v1 =	vld [tilespmem:s31+$0x11300]  }
0x16a: {  	vm12 =	veq.s32 v43, $0x0;
	v8 =	vmul.f32 v8, v8;
	v2 =	vld [tilespmem:s31+$0x11280];
	v10 =	vadd.f32 v10, v13  }
0x16b: {  	v5 =	vshrl.u32 v5, $0x18;
	v7 =	vadd.s32 v9, v7;
	v9 =	vsel vm12, $0x0, v6;
	v20 =	vld [tilespmem:s31+$0x11100]  }
0x16c: {  	v7 =	vadd.s32 v5, v7;
	v9 =	vmul.f32 v9, v9;
	s25 =	simm.s32 $0x20;
	v23 =	vld [tilespmem:s31+$0xF300];
	v6 =	vadd.f32 v8, v10  }
.LBB2_5:
0x16d: {  	p0 =	sne.s32 s25, $0x1F0;
	v18 =	vld [tilespmem:s31+$0xC000];
	v5 =	vadd.s32 v16, v7;
	v7 =	vshrl.u32 v0, $0x18;
	v0 =	vmul.u32 $0x1010101, v30  }
0x16e: {  	v11 =	vmul.u32 $0x1010101, v1;
	v21 =	vld [tilespmem:s31+$0x4000];
	v8 =	vadd.s32 v7, v5;
	v36 =	vadd.f32 v9, v6  }
0x16f: {  	v16 =	vand.u32 $0x1000000, v30;
	v5 =	vmul.u32 $0x1010101, v2;
	v6 =	vsub.f32 v25, v27;
	v37 =	vld [tilespmem:s31+$0xD000]  }
0x170: {  	v12 =	vmul.u32 $0x1010101, v3;
	v19 =	vand.u32 $0x10000, v30;
	v7 =	vmul.u32 $0x1010101, v4;
	v25 =	vld [tilespmem:s31+$0x5000]  }
0x171: {  	v9 =	vsub.f32 v26, v28;
	v15 =	vmul.u32 $0x1010101, v20;
	v10 =	vmul.u32 $0x1010101, v24;
	v27 =	vld [tilespmem:s31+$0xE000]  }
0x172: {  	v17 =	vand.u32 $0x100, v30;
	v13 =	vsub.f32 v29, v31;
	v14 =	vmul.u32 $0x1010101, v35;
	v26 =	vld [tilespmem:s31+$0x6000]  }
0x173: {  	v22 =	vand.u32 $0x1, v35;
	v28 =	vsub.f32 v18, v21;
	v29 =	vld [tilespmem:s31+$0xF000];
	v21 =	vand.u32 $0x1, v30  }
0x174: {  	vm0 =	veq.s32 v22, $0x0;
	v22 =	vand.u32 $0x1000000, v1;
	v18 =	vsub.f32 v32, v33;
	v30 =	vld [tilespmem:s31+$0x7000]  }
0x175: {  	v31 =	vand.u32 $0x100, v35;
	v28 =	vsel vm0, $0x0, v28;
	v25 =	vsub.f32 v37, v25;
	v32 =	vld [tilespmem:s31+$0xC080]  }
0x176: {  	v23 =	vsub.f32 v23, v34;
	vm0 =	veq.s32 v31, $0x0;
	v28 =	vmul.f32 v28, v28;
	v31 =	vld [tilespmem:s31+$0x4080]  }
0x177: {  	v33 =	vand.u32 $0x10000, v35;
	v25 =	vsel vm0, $0x0, v25;
	v26 =	vsub.f32 v27, v26;
	v27 =	vld [tilespmem:s31+$0xD080]  }
0x178: {  	vm0 =	veq.s32 v33, $0x0;
	v28 =	vadd.f32 v28, v36;
	v25 =	vmul.f32 v25, v25;
	v33 =	vld [tilespmem:s31+$0x5080]  }
0x179: {  	v34 =	vand.u32 $0x1000000, v35;
	v26 =	vsel vm0, $0x0, v26;
	v29 =	vsub.f32 v29, v30;
	v30 =	vld [tilespmem:s31+$0xE080]  }
0x17a: {  	vm0 =	veq.s32 v34, $0x0;
	v25 =	vadd.f32 v25, v28;
	v26 =	vmul.f32 v26, v26;
	v28 =	vld [tilespmem:s31+$0x6080]  }
0x17b: {  	v34 =	vand.u32 $0x1, v24;
	v29 =	vsel vm0, $0x0, v29;
	v31 =	vsub.f32 v32, v31;
	v32 =	vld [tilespmem:s31+$0xF080]  }
0x17c: {  	vm0 =	veq.s32 v34, $0x0;
	v25 =	vadd.f32 v26, v25;
	v26 =	vmul.f32 v29, v29;
	v29 =	vld [tilespmem:s31+$0x7080]  }
0x17d: {  	v34 =	vand.u32 $0x100, v24;
	v31 =	vsel vm0, $0x0, v31;
	v27 =	vsub.f32 v27, v33;
	v33 =	vld [tilespmem:s31+$0xC100]  }
0x17e: {  	vm0 =	veq.s32 v34, $0x0;
	v25 =	vadd.f32 v26, v25;
	v26 =	vmul.f32 v31, v31;
	v31 =	vld [tilespmem:s31+$0x4100]  }
0x17f: {  	v34 =	vand.u32 $0x10000, v24;
	v27 =	vsel vm0, $0x0, v27;
	v28 =	vsub.f32 v30, v28;
	v30 =	vld [tilespmem:s31+$0xD100]  }
0x180: {  	vm0 =	veq.s32 v34, $0x0;
	v25 =	vadd.f32 v26, v25;
	v26 =	vmul.f32 v27, v27;
	v27 =	vld [tilespmem:s31+$0x5100]  }
0x181: {  	v24 =	vand.u32 $0x1000000, v24;
	v28 =	vsel vm0, $0x0, v28;
	v29 =	vsub.f32 v32, v29;
	v32 =	vld [tilespmem:s31+$0xE100]  }
0x182: {  	s8 =	sand.u32 $0xFFFFFC00, s2;
	vm0 =	veq.s32 v24, $0x0;
	v25 =	vadd.f32 v26, v25;
	v26 =	vmul.f32 v28, v28;
	v24 =	vld [tilespmem:s31+$0x6100]  }
0x183: {  	s8 =	sadd.s32 s8, s0;
	s0 =	smov.u32 s25;
	v28 =	vsel vm0, $0x0, v29;
	v29 =	vand.u32 $0x1, v20;
	v31 =	vsub.f32 v33, v31;
	v33 =	vld [tilespmem:s31+$0xF100]  }
0x184: {  	s28 =	sor.u32 $0x4180, s8;
	v25 =	vadd.f32 v26, v25;
	v26 =	vmul.f32 v28, v28;
	vm0 =	veq.s32 v29, $0x0;
	v28 =	vld [tilespmem:s31+$0x7100]  }
0x185: {  	v29 =	vsel vm0, $0x0, v31;
	v31 =	vand.u32 $0x100, v20;
	v27 =	vsub.f32 v30, v27;
	v30 =	vld [tilespmem:s28+$0x8000]  }
0x186: {  	v25 =	vadd.f32 v26, v25;
	v26 =	vmul.f32 v29, v29;
	vm0 =	veq.s32 v31, $0x0;
	v29 =	vld [tilespmem:s28+$0x0];
	s28 =	sor.u32 $0x5180, s8  }
0x187: {  	v31 =	vand.u32 $0x10000, v20;
	v27 =	vsel vm0, $0x0, v27;
	v24 =	vsub.f32 v32, v24;
	v32 =	vld [tilespmem:s28+$0x8000]  }
0x188: {  	vm0 =	veq.s32 v31, $0x0;
	v25 =	vadd.f32 v26, v25;
	v26 =	vmul.f32 v27, v27;
	v27 =	vld [tilespmem:s28+$0x0];
	s28 =	sor.u32 $0x6180, s8  }
0x189: {  	v20 =	vand.u32 $0x1000000, v20;
	v24 =	vsel vm0, $0x0, v24;
	v28 =	vsub.f32 v33, v28;
	v31 =	vld [tilespmem:s28+$0x8000]  }
0x18a: {  	s8 =	sor.u32 $0x7180, s8;
	vm0 =	veq.s32 v20, $0x0;
	v25 =	vadd.f32 v26, v25;
	v24 =	vmul.f32 v24, v24;
	v20 =	vld [tilespmem:s28+$0x0]  }
0x18b: {  	v26 =	vsel vm0, $0x0, v28;
	v28 =	vand.u32 $0x1, v4;
	v29 =	vsub.f32 v30, v29;
	v30 =	vld [tilespmem:s8+$0x8000]  }
0x18c: {  	v24 =	vadd.f32 v24, v25;
	v25 =	vmul.f32 v26, v26;
	vm0 =	veq.s32 v28, $0x0;
	v26 =	vld [tilespmem:s8+$0x0]  }
0x18d: {  	v28 =	vsel vm0, $0x0, v29;
	v29 =	vand.u32 $0x100, v4;
	v27 =	vsub.f32 v32, v27;
	v32 =	vld [tilespmem:s31+$0xC200]  }
0x18e: {  	v24 =	vadd.f32 v25, v24;
	v25 =	vmul.f32 v28, v28;
	vm0 =	veq.s32 v29, $0x0;
	v28 =	vld [tilespmem:s31+$0x4200]  }
0x18f: {  	v29 =	vand.u32 $0x10000, v4;
	v27 =	vsel vm0, $0x0, v27;
	v20 =	vsub.f32 v31, v20;
	v31 =	vld [tilespmem:s31+$0xD200]  }
0x190: {  	vm0 =	veq.s32 v29, $0x0;
	v24 =	vadd.f32 v25, v24;
	v25 =	vmul.f32 v27, v27;
	v27 =	vld [tilespmem:s31+$0x5200]  }
0x191: {  	v4 =	vand.u32 $0x1000000, v4;
	v20 =	vsel vm0, $0x0, v20;
	v26 =	vsub.f32 v30, v26;
	v29 =	vld [tilespmem:s31+$0xE200]  }
0x192: {  	vm0 =	veq.s32 v4, $0x0;
	v24 =	vadd.f32 v25, v24;
	v20 =	vmul.f32 v20, v20;
	v4 =	vld [tilespmem:s31+$0x6200]  }
0x193: {  	v25 =	vsel vm0, $0x0, v26;
	v26 =	vand.u32 $0x1, v3;
	v28 =	vsub.f32 v32, v28;
	v30 =	vld [tilespmem:s31+$0xF200]  }
0x194: {  	v20 =	vadd.f32 v20, v24;
	v24 =	vmul.f32 v25, v25;
	vm0 =	veq.s32 v26, $0x0;
	v25 =	vld [tilespmem:s31+$0x7200]  }
0x195: {  	v26 =	vsel vm0, $0x0, v28;
	v28 =	vand.u32 $0x100, v3;
	v27 =	vsub.f32 v31, v27;
	v31 =	vld [tilespmem:s31+$0xC280]  }
0x196: {  	v20 =	vadd.f32 v24, v20;
	v24 =	vmul.f32 v26, v26;
	vm0 =	veq.s32 v28, $0x0;
	v26 =	vld [tilespmem:s31+$0x4280]  }
0x197: {  	v28 =	vand.u32 $0x10000, v3;
	v27 =	vsel vm0, $0x0, v27;
	v4 =	vsub.f32 v29, v4;
	v29 =	vld [tilespmem:s31+$0xD280]  }
0x198: {  	vm0 =	veq.s32 v28, $0x0;
	v20 =	vadd.f32 v24, v20;
	v24 =	vmul.f32 v27, v27;
	v27 =	vld [tilespmem:s31+$0x5280]  }
0x199: {  	v3 =	vand.u32 $0x1000000, v3;
	v4 =	vsel vm0, $0x0, v4;
	v25 =	vsub.f32 v30, v25;
	v28 =	vld [tilespmem:s31+$0xE280]  }
0x19a: {  	vm0 =	veq.s32 v3, $0x0;
	v20 =	vadd.f32 v24, v20;
	v4 =	vmul.f32 v4, v4;
	v3 =	vld [tilespmem:s31+$0x6280]  }
0x19b: {  	v24 =	vsel vm0, $0x0, v25;
	v25 =	vand.u32 $0x1, v2;
	v26 =	vsub.f32 v31, v26;
	v30 =	vld [tilespmem:s31+$0xF280]  }
0x19c: {  	v4 =	vadd.f32 v4, v20;
	v20 =	vmul.f32 v24, v24;
	vm0 =	veq.s32 v25, $0x0;
	v24 =	vld [tilespmem:s31+$0x7280]  }
0x19d: {  	v25 =	vsel vm0, $0x0, v26;
	v26 =	vand.u32 $0x100, v2;
	v27 =	vsub.f32 v29, v27;
	v29 =	vld [tilespmem:s31+$0xC300]  }
0x19e: {  	v4 =	vadd.f32 v20, v4;
	v20 =	vmul.f32 v25, v25;
	vm0 =	veq.s32 v26, $0x0;
	v26 =	vld [tilespmem:s31+$0x4300]  }
0x19f: {  	v25 =	vsel vm0, $0x0, v27;
	v27 =	vand.u32 $0x10000, v2;
	v3 =	vsub.f32 v28, v3;
	v28 =	vld [tilespmem:s31+$0xD300]  }
0x1a0: {  	s2 =	sadd.s32 $0x80, s2;
	v4 =	vadd.f32 v20, v4;
	v20 =	vmul.f32 v25, v25;
	vm0 =	veq.s32 v27, $0x0;
	v31 =	vld [tilespmem:s31+$0x5300]  }
0x1a1: {  	s8 =	sor.u32 s25, s2;
	v2 =	vand.u32 $0x1000000, v2;
	v3 =	vsel vm0, $0x0, v3;
	v24 =	vsub.f32 v30, v24;
	v30 =	vld [tilespmem:s31+$0xE300]  }
0x1a2: {  	s28 =	sor.u32 $0x7380, s8;
	vm0 =	veq.s32 v2, $0x0;
	v4 =	vadd.f32 v20, v4;
	v3 =	vmul.f32 v3, v3;
	v2 =	vld [tilespmem:s31+$0x6300]  }
0x1a3: {  	v25 =	vld [tilespmem:s28+$0x8000];
	v20 =	vsel vm0, $0x0, v24;
	v24 =	vand.u32 $0x1, v1;
	v29 =	vsub.f32 v29, v26  }
0x1a4: {  	s31 =	sor.u32 $0x6380, s8;
	v27 =	vld [tilespmem:s28+$0x0];
	v3 =	vadd.f32 v3, v4;
	v4 =	vmul.f32 v20, v20;
	vm0 =	veq.s32 v24, $0x0  }
0x1a5: {  	v24 =	vand.u32 $0x100, v1;
	v26 =	vld [tilespmem:s31+$0x8000];
	v20 =	vsel vm0, $0x0, v29;
	v31 =	vsub.f32 v28, v31  }
0x1a6: {  	s28 =	sor.u32 $0x5380, s8;
	vm0 =	veq.s32 v24, $0x0;
	v28 =	vld [tilespmem:s31+$0x0];
	v3 =	vadd.f32 v4, v3;
	v4 =	vmul.f32 v20, v20  }
0x1a7: {  	s9 =	sand.u32 $0xC00, s2;
	v1 =	vand.u32 $0x10000, v1;
	s31 =	sand.u32 $0x70, s25;
	v29 =	vld [tilespmem:s28+$0x8000];
	v20 =	vsel vm0, $0x0, v31;
	v2 =	vsub.f32 v30, v2  }
0x1a8: {  	s31 =	sor.u32 s31, s9;
	vm0 =	veq.s32 v1, $0x0;
	v31 =	vld [tilespmem:s28+$0x0];
	v3 =	vadd.f32 v4, v3;
	v4 =	vmul.f32 v20, v20  }
0x1a9: {  	vm1 =	veq.s32 v19, $0x0;
	s8 =	sor.u32 $0x4380, s8;
	v30 =	vld [tilespmem:s31+$0x11380];
	v1 =	vsel vm0, $0x0, v2;
	vm0 =	veq.s32 v16, $0x0  }
0x1aa: {  	vm2 =	veq.s32 v22, $0x0;
	v32 =	vld [tilespmem:s8+$0x8000];
	v2 =	vadd.f32 v4, v3;
	v1 =	vmul.f32 v1, v1  }
0x1ab: {  	vm3 =	veq.s32 v17, $0x0;
	v3 =	vsel vm2, $0x0, v23;
	vm2 =	veq.s32 v21, $0x0;
	v33 =	vld [tilespmem:s8+$0x0]  }
0x1ac: {  	v16 =	vshrl.u32 v11, $0x18;
	v3 =	vmul.f32 v3, v3;
	v23 =	vld [tilespmem:s31+$0xF300];
	v2 =	vadd.f32 v1, v2  }
0x1ad: {  	v12 =	vshrl.u32 v12, $0x18;
	v11 =	vshrl.u32 v15, $0x18;
	v4 =	vsel vm2, $0x0, v18;
	v34 =	vld [tilespmem:s31+$0x7300]  }
0x1ae: {  	v14 =	vshrl.u32 v14, $0x18;
	v4 =	vmul.f32 v4, v4;
	v1 =	vld [tilespmem:s31+$0x11300];
	v15 =	vadd.f32 v3, v2  }
0x1af: {  	v13 =	vsel vm3, $0x0, v13;
	v10 =	vshrl.u32 v10, $0x18;
	v8 =	vadd.s32 v8, v14;
	v2 =	vld [tilespmem:s31+$0x11280]  }
.Ltmp1:
0x1b0: {  	v13 =	vmul.f32 v13, v13;
	v8 =	vadd.s32 v10, v8;
	v3 =	vld [tilespmem:s31+$0x11200];
	v10 =	vadd.f32 v4, v15;
	(pc) =	sbr.rel @p0 .LBB2_5-.Ltmp1, $4  }
0x1b1: {  	v7 =	vshrl.u32 v7, $0x18;
	v9 =	vsel vm1, $0x0, v9;
	v8 =	vadd.s32 v11, v8;
	v4 =	vld [tilespmem:s31+$0x11180]  }
0x1b2: {  	v9 =	vmul.f32 v9, v9;
	v7 =	vadd.s32 v7, v8;
	v20 =	vld [tilespmem:s31+$0x11100];
	v8 =	vadd.f32 v13, v10  }
0x1b3: {  	v5 =	vshrl.u32 v5, $0x18;
	v7 =	vadd.s32 v12, v7;
	v10 =	vsel vm0, $0x0, v6;
	v24 =	vld [tilespmem:s31+$0x11080]  }
0x1b4: {  	s25 =	sadd.s32 $0x10, s25;
	v7 =	vadd.s32 v5, v7;
	v35 =	vld [tilespmem:s31+$0x11000];
	v6 =	vadd.f32 v9, v8;
	v9 =	vmul.f32 v10, v10  }
0x1b5: {  	v19 =	vld [tilespmem:s31+$0xC000]  }
0x1b6: {  	v5 =	vmul.u32 $0x1010101, v30;
	v7 =	vadd.s32 v16, v7;
	v0 =	vshrl.u32 v0, $0x18;
	v21 =	vld [tilespmem:s31+$0x4000]  }
0x1b7: {  	v10 =	vmul.u32 $0x1010101, v1;
	v37 =	vld [tilespmem:s31+$0xD000];
	v16 =	vand.u32 $0x1000000, v30;
	v12 =	vmul.u32 $0x1010101, v3  }
0x1b8: {  	v57 =	vld [tilespmem:s31+$0x5000];
	v17 =	vand.u32 $0x10000, v30;
	v18 =	vand.u32 $0x100, v30;
	v13 =	vsub.f32 v29, v31  }
0x1b9: {  	v58 =	vld [tilespmem:s31+$0xE000];
	v23 =	vsub.f32 v23, v34;
	v7 =	vadd.s32 v0, v7;
	v36 =	vadd.f32 v9, v6  }
0x1ba: {  	v59 =	vld [tilespmem:s31+$0x6000];
	v0 =	vmul.u32 $0x1010101, v2;
	v6 =	vsub.f32 v25, v27;
	v8 =	vmul.u32 $0x1010101, v4  }
0x1bb: {  	v61 =	vld [tilespmem:s31+$0xF000];
	v9 =	vsub.f32 v26, v28;
	v15 =	vmul.u32 $0x1010101, v20;
	v11 =	vmul.u32 $0x1010101, v24  }
0x1bc: {  	v62 =	vld [tilespmem:s31+$0x7000];
	v46 =	vand.u32 $0x1, v24;
	v22 =	vand.u32 $0x1, v35;
	v60 =	vsub.f32 v19, v21  }
0x1bd: {  	v38 =	vld [tilespmem:s31+$0xC080];
	v50 =	vand.u32 $0x100, v24;
	v54 =	vand.u32 $0x10000, v24;
	vm0 =	veq.s32 v22, $0x0  }
0x1be: {  	v39 =	vld [tilespmem:s31+$0x4080];
	v63 =	vand.u32 $0x100, v35;
	v25 =	vsub.f32 v37, v57;
	v28 =	vsel vm0, $0x0, v60  }
0x1bf: {  	v41 =	vld [tilespmem:s31+$0xD080];
	v14 =	vmul.u32 $0x1010101, v35;
	vm12 =	veq.s32 v63, $0x0;
	v28 =	vmul.f32 v28, v28  }
0x1c0: {  	v42 =	vld [tilespmem:s31+$0x5080];
	v40 =	vand.u32 $0x10000, v35;
	v26 =	vsub.f32 v58, v59;
	v25 =	vsel vm12, $0x0, v25  }
0x1c1: {  	v44 =	vld [tilespmem:s31+$0xE080];
	vm13 =	veq.s32 v40, $0x0;
	v25 =	vmul.f32 v25, v25;
	v28 =	vadd.f32 v28, v36  }
0x1c2: {  	v45 =	vld [tilespmem:s31+$0x6080];
	v43 =	vand.u32 $0x1000000, v35;
	v29 =	vsub.f32 v61, v62;
	v26 =	vsel vm13, $0x0, v26  }
0x1c3: {  	v47 =	vld [tilespmem:s31+$0xF080];
	vm14 =	veq.s32 v43, $0x0;
	v26 =	vmul.f32 v26, v26;
	v25 =	vadd.f32 v25, v28  }
0x1c4: {  	v49 =	vld [tilespmem:s31+$0x7080];
	vm15 =	veq.s32 v46, $0x0;
	v31 =	vsub.f32 v38, v39;
	v29 =	vsel vm14, $0x0, v29  }
0x1c5: {  	v51 =	vld [tilespmem:s31+$0xC100];
	s2 =	sand.u32 $0xFFFFFC00, s2;
	vm4 =	veq.s32 v50, $0x0;
	v48 =	vmul.f32 v29, v29;
	v25 =	vadd.f32 v26, v25  }
0x1c6: {  	v53 =	vld [tilespmem:s31+$0x4100];
	s0 =	sadd.s32 s2, s0;
	vm5 =	veq.s32 v54, $0x0;
	v27 =	vsub.f32 v41, v42;
	v31 =	vsel vm15, $0x0, v31  }
0x1c7: {  	v55 =	vld [tilespmem:s31+$0xD100];
	s25 =	sor.u32 $0x5180, s0;
	v19 =	vsub.f32 v32, v33;
	v52 =	vmul.f32 v31, v31;
	v25 =	vadd.f32 v48, v25  }
0x1c8: {  	v46 =	vld [tilespmem:s25+$0x0];
	v58 =	vand.u32 $0x1000000, v24;
	v27 =	vsel vm4, $0x0, v27;
	v28 =	vsub.f32 v44, v45  }
0x1c9: {  	v57 =	vld [tilespmem:s31+$0x5100];
	v63 =	vand.u32 $0x1, v20;
	v56 =	vmul.f32 v27, v27;
	v25 =	vadd.f32 v52, v25  }
0x1ca: {  	v59 =	vld [tilespmem:s31+$0xE100];
	v39 =	vand.u32 $0x100, v20;
	v29 =	vsub.f32 v47, v49;
	v28 =	vsel vm5, $0x0, v28  }
0x1cb: {  	v61 =	vld [tilespmem:s31+$0x6100];
	vm6 =	veq.s32 v58, $0x0;
	v60 =	vmul.f32 v28, v28;
	v25 =	vadd.f32 v56, v25  }
0x1cc: {  	v38 =	vld [tilespmem:s31+$0x7100];
	v43 =	vand.u32 $0x10000, v20;
	v31 =	vsub.f32 v51, v53;
	v62 =	vsel vm6, $0x0, v29  }
0x1cd: {  	s2 =	sor.u32 $0x4180, s0;
	vm7 =	veq.s32 v63, $0x0;
	v36 =	vld [tilespmem:s31+$0xF100];
	v37 =	vmul.f32 v62, v62;
	v25 =	vadd.f32 v60, v25  }
0x1ce: {  	v40 =	vld [tilespmem:s2+$0x8000];
	v20 =	vand.u32 $0x1000000, v20;
	v29 =	vsel vm7, $0x0, v31;
	v27 =	vsub.f32 v55, v57  }
0x1cf: {  	s28 =	sor.u32 $0x6180, s0;
	s0 =	sor.u32 $0x7180, s0;
	v42 =	vld [tilespmem:s2+$0x0];
	vm8 =	veq.s32 v39, $0x0;
	v41 =	vmul.f32 v29, v29;
	v25 =	vadd.f32 v37, v25  }
0x1d0: {  	v50 =	vld [tilespmem:s0+$0x8000];
	vm9 =	veq.s32 v43, $0x0;
	v24 =	vsub.f32 v59, v61;
	v27 =	vsel vm8, $0x0, v27  }
0x1d1: {  	vm10 =	veq.s32 v20, $0x0;
	v44 =	vld [tilespmem:s25+$0x8000];
	v45 =	vmul.f32 v27, v27;
	v25 =	vadd.f32 v41, v25  }
0x1d2: {  	v20 =	vld [tilespmem:s28+$0x0];
	v63 =	vand.u32 $0x1, v3;
	v24 =	vsel vm9, $0x0, v24;
	v28 =	vsub.f32 v36, v38  }
0x1d3: {  	vm15 =	veq.s32 v63, $0x0;
	v47 =	vld [tilespmem:s28+$0x8000];
	v24 =	vmul.f32 v24, v24;
	v25 =	vadd.f32 v45, v25  }
0x1d4: {  	v54 =	vld [tilespmem:s31+$0xC200];
	v49 =	vand.u32 $0x1, v4;
	v29 =	vsub.f32 v40, v42;
	v48 =	vsel vm10, $0x0, v28  }
0x1d5: {  	vm11 =	veq.s32 v49, $0x0;
	v51 =	vmul.f32 v48, v48;
	v52 =	vld [tilespmem:s0+$0x0];
	v24 =	vadd.f32 v24, v25  }
0x1d6: {  	v35 =	vld [tilespmem:s31+$0x7200];
	v53 =	vand.u32 $0x100, v4;
	v28 =	vsel vm11, $0x0, v29;
	v27 =	vsub.f32 v44, v46  }
0x1d7: {  	vm12 =	veq.s32 v53, $0x0;
	v55 =	vmul.f32 v28, v28;
	v56 =	vld [tilespmem:s31+$0x4200];
	v24 =	vadd.f32 v51, v24  }
0x1d8: {  	v58 =	vld [tilespmem:s31+$0xD200];
	v57 =	vand.u32 $0x10000, v4;
	v20 =	vsub.f32 v47, v20;
	v27 =	vsel vm12, $0x0, v27  }
0x1d9: {  	vm13 =	veq.s32 v57, $0x0;
	v59 =	vmul.f32 v27, v27;
	v60 =	vld [tilespmem:s31+$0x5200];
	v24 =	vadd.f32 v55, v24  }
0x1da: {  	v4 =	vand.u32 $0x1000000, v4;
	v61 =	vld [tilespmem:s31+$0xE200];
	v20 =	vsel vm13, $0x0, v20;
	v26 =	vsub.f32 v50, v52  }
0x1db: {  	vm14 =	veq.s32 v4, $0x0;
	v4 =	vld [tilespmem:s31+$0x6200];
	v20 =	vmul.f32 v20, v20;
	v24 =	vadd.f32 v59, v24  }
0x1dc: {  	v33 =	vld [tilespmem:s31+$0xF200];
	v40 =	vand.u32 $0x10000, v3;
	v62 =	vsel vm14, $0x0, v26;
	v28 =	vsub.f32 v54, v56  }
0x1dd: {  	v39 =	vld [tilespmem:s31+$0x4280];
	v36 =	vand.u32 $0x100, v3;
	v34 =	vmul.f32 v62, v62;
	v20 =	vadd.f32 v20, v24  }
0x1de: {  	v43 =	vld [tilespmem:s31+$0x5280];
	v3 =	vand.u32 $0x1000000, v3;
	v26 =	vsel vm15, $0x0, v28;
	v27 =	vsub.f32 v58, v60  }
0x1df: {  	vm4 =	veq.s32 v36, $0x0;
	v37 =	vld [tilespmem:s31+$0xC280];
	v38 =	vmul.f32 v26, v26;
	v20 =	vadd.f32 v34, v20  }
0x1e0: {  	v4 =	vsub.f32 v61, v4;
	vm6 =	veq.s32 v3, $0x0;
	v3 =	vld [tilespmem:s31+$0x6280];
	v27 =	vsel vm4, $0x0, v27  }
0x1e1: {  	vm5 =	veq.s32 v40, $0x0;
	v41 =	vld [tilespmem:s31+$0xD280];
	v42 =	vmul.f32 v27, v27;
	v20 =	vadd.f32 v38, v20  }
0x1e2: {  	vm1 =	veq.s32 v16, $0x0;
	v44 =	vld [tilespmem:s31+$0xE280];
	v4 =	vsel vm5, $0x0, v4;
	v25 =	vsub.f32 v33, v35  }
0x1e3: {  	v49 =	vand.u32 $0x100, v2;
	v4 =	vmul.f32 v4, v4;
	v20 =	vadd.f32 v42, v20  }
0x1e4: {  	v47 =	vld [tilespmem:s31+$0xF280];
	v46 =	vand.u32 $0x1, v2;
	v26 =	vsub.f32 v37, v39;
	v45 =	vsel vm6, $0x0, v25  }
0x1e5: {  	vm7 =	veq.s32 v46, $0x0;
	v48 =	vld [tilespmem:s31+$0x7280];
	v4 =	vadd.f32 v4, v20;
	v20 =	vmul.f32 v45, v45  }
0x1e6: {  	vm8 =	veq.s32 v49, $0x0;
	v50 =	vld [tilespmem:s31+$0xC300];
	v27 =	vsub.f32 v41, v43;
	v25 =	vsel vm7, $0x0, v26  }
0x1e7: {  	v3 =	vsub.f32 v44, v3;
	v51 =	vld [tilespmem:s31+$0x4300];
	v4 =	vadd.f32 v20, v4;
	v20 =	vmul.f32 v25, v25  }
0x1e8: {  	v53 =	vld [tilespmem:s31+$0xD300];
	v52 =	vand.u32 $0x10000, v2;
	v2 =	vand.u32 $0x1000000, v2;
	v26 =	vsel vm8, $0x0, v27  }
0x1e9: {  	vm9 =	veq.s32 v52, $0x0;
	v54 =	vld [tilespmem:s31+$0x5300];
	v4 =	vadd.f32 v20, v4;
	v20 =	vmul.f32 v26, v26  }
0x1ea: {  	vm10 =	veq.s32 v2, $0x0;
	v2 =	vld [tilespmem:s31+$0x6300];
	v3 =	vsel vm9, $0x0, v3;
	v24 =	vsub.f32 v47, v48  }
0x1eb: {  	v22 =	vand.u32 $0x1000000, v1;
	v3 =	vmul.f32 v3, v3;
	v55 =	vld [tilespmem:s31+$0xE300];
	v4 =	vadd.f32 v20, v4  }
0x1ec: {  	v56 =	vand.u32 $0x1, v1;
	v25 =	vsub.f32 v50, v51;
	v20 =	vsel vm10, $0x0, v24  }
0x1ed: {  	vm11 =	veq.s32 v56, $0x0;
	v3 =	vadd.f32 v3, v4;
	v4 =	vmul.f32 v20, v20  }
0x1ee: {  	v57 =	vand.u32 $0x100, v1;
	v58 =	vsub.f32 v53, v54;
	v20 =	vsel vm11, $0x0, v25  }
0x1ef: {  	vm12 =	veq.s32 v57, $0x0;
	v3 =	vadd.f32 v4, v3;
	v4 =	vmul.f32 v20, v20  }
0x1f0: {  	v1 =	vand.u32 $0x10000, v1;
	v2 =	vsub.f32 v55, v2;
	v20 =	vsel vm12, $0x0, v58  }
0x1f1: {  	vm13 =	veq.s32 v1, $0x0;
	v3 =	vadd.f32 v4, v3;
	v4 =	vmul.f32 v20, v20  }
0x1f2: {  	vm3 =	veq.s32 v18, $0x0;
	v0 =	vshrl.u32 v0, $0x18;
	v1 =	vsel vm13, $0x0, v2  }
0x1f3: {  	vm2 =	veq.s32 v22, $0x0;
	v1 =	vmul.f32 v1, v1;
	v2 =	vadd.f32 v4, v3  }
0x1f4: {  	v21 =	vand.u32 $0x1, v30;
	v14 =	vshrl.u32 v14, $0x18;
	v3 =	vsel vm2, $0x0, v23  }
0x1f5: {  	vm15 =	veq.s32 v21, $0x0;
	v1 =	vadd.f32 v1, v2;
	v2 =	vmul.f32 v3, v3  }
0x1f6: {  	v11 =	vshrl.u32 v11, $0x18;
	v7 =	vadd.s32 v7, v14;
	v60 =	vsel vm15, $0x0, v19  }
0x1f7: {  	v7 =	vadd.s32 v11, v7;
	v1 =	vadd.f32 v2, v1;
	v2 =	vmul.f32 v60, v60  }
0x1f8: {  	v61 =	vsel vm3, $0x0, v13;
	vm14 =	veq.s32 v17, $0x0;
	v62 =	vshrl.u32 v8, $0x18  }
0x1f9: {  	s30 =	sadd.s32 $0x1, s30;
	v3 =	vshrl.u32 v15, $0x18;
	v1 =	vadd.f32 v2, v1;
	v2 =	vmul.f32 v61, v61  }
0x1fa: {  	p0 =	sne.s32 s30, $0xC;
	v63 =	vsel vm14, $0x0, v9;
	v59 =	vshrl.u32 v12, $0x18;
	v3 =	vadd.s32 v3, v7  }
.Ltmp2:
0x1fb: {  	v3 =	vadd.s32 v62, v3;
	v1 =	vadd.f32 v2, v1;
	v2 =	vmul.f32 v63, v63;
	(pc) =	sbr.rel @p0 .LBB2_2-.Ltmp2, $4  }
0x1fc: {  	v6 =	vsel vm1, $0x0, v6;
	v4 =	vshrl.u32 v10, $0x18;
	v3 =	vadd.s32 v59, v3  }
0x1fd: {  	v0 =	vadd.s32 v0, v3;
	v1 =	vadd.f32 v2, v1;
	v2 =	vmul.f32 v6, v6  }
0x1fe: {  	v3 =	vshrl.u32 v5, $0x18;
	v0 =	vadd.s32 v4, v0  }
0x1ff: {  	v3 =	vadd.s32 v3, v0;
	v22 =	vadd.f32 v2, v1  }
0x200: {  	_ =	swait.ge [sflag:s19], $0x4000  }
0x201: {  	[sflag:s19] =	ssyncset.done $0x0  }
0x202: {  	[sflag:s19] =	ssyncadd.s32 $0xFFFFC000  }
0x203: {  	_ =	swait.ge [sflag:s20], $0x4000  }
0x204: {  	[sflag:s20] =	ssyncset.done $0x0  }
0x205: {  	[sflag:s20] =	ssyncadd.s32 $0xFFFFC000  }
0x206: {  	_ =	swait.ge [sflag:s21], $0x1000  }
0x207: {  	[sflag:s21] =	ssyncset.done $0x0  }
0x208: {  	v0 =	vcvt.s32.f32 v3;
	[sflag:s21] =	ssyncadd.s32 $0xFFFFF000  }
0x209: {  	[tilespmem:$0x12000] =	vst v22  }
0x20a: {  	s0 =	simm.s32 $0x12000;
	[tilespmem:$0x12080] =	vst v0  }
0x20b: {  	[hbm4b:s11+s4] =	stream.linear.scatter [tilespmem:s0], [sflag:$0x7], $0x10, $0x38;
	[tilespmem:$0x12100] =	vst v63  }
0x20c: {  	s29 =	sadd.s32 $0x1, s29;
	_ =	swait.ge [sflag:s26], $0x10  }
0x20d: {  	p0 =	sne.s32 s29, s13;
	[sflag:s26] =	ssyncset.done $0x0  }
.Ltmp3:
0x20e: {  	s31 =	simm.s32 $0x12080;
	[sflag:s26] =	ssyncadd.s32 $0xFFFFFFF0;
	(pc) =	sbr.rel @p0 .LBB2_1-.Ltmp3, $4  }
0x20f: {  	[hbm4b:s12+s4] =	stream.linear.scatter [tilespmem:s31], [sflag:$0x7], $0x10, $0x38;
	[tilespmem:$0x12100] =	vst v63  }
0x210: {  	_ =	swait.ge [sflag:s26], $0x10  }
0x211: {  	[sflag:s26] =	ssyncset.done $0x0  }
0x212: {  	[sflag:s26] =	ssyncadd.s32 $0xFFFFFFF0  }
0x213: {  	_ =	sfence.sel $0x180000  }
0x214: {  	[bflag:$0x0] =	sbarrier.arrive $0xFFFF  }
0x215: {  	_ =	strace $0x90000047  }
0x216: {  	s0 =	stileid.u32;
	[bflag:$0x2] =	sbarrier.arrive $0xFFFF  }
0x217: {  	p0 =	sne.s32 s0, $0x0;
	s0 =	rddreg [dreg:$0x3]  }
0x218: {  	s0 =	sadd.s32 @!p0 $0x100000, s0  }
0x219: {  	[sflag:s0] =	ssyncadd.tile.s32 @!p0 $0x1;
	_ =	shalt  }
.Lfunc_end2:
_tile_overlayer_lowered:
.L_overlay_start_2:
0x21a: {  	(tag) =	ssettag $0x2  }
0x21b: {  	s0 =	rddreg [dreg:$0x0];
	s2 =	stileid.u32  }
0x21c: {  	s1 =	rddreg [dreg:$0x1];
	p0 =	sne.s32 s2, $0x0  }
0x21d: {  	s3 =	rddreg [dreg:$0x2];
	[bflag:$0x3] =	sbarrier.arrive $0xFFFF;
	s2 =	simm.s32 @!p0 $0x1C07  }
0x21e: {  	[timem:s3], [sflag:s2] =	dma.local @!p0 [hbm:s0], s1  }
0x21f: {  	s0 =	simm.s32 @!p0 $0x7  }
0x220: {  	_ =	swait.ge @!p0 [sflag:s0], s1  }
0x221: {  	s1 =	ssub.s32 @!p0 $0x0, s1;
	[sflag:s0] =	ssyncset.done @!p0 $0x0  }
0x222: {  	[sflag:s0] =	ssyncadd.s32 @!p0 s1  }
0x223: {  	[bflag:$0x3] =	sbarrier.arrive $0xFFFF  }
0x224: {  	_ =	shalt  }

</sc_bundles>
